<compile_context>
chip_gen: v7x
topology: tpu7x:2x2x1
jax: 0.10.2.dev20260603
libtpu: 0.0.44.dev20260713+nightly
codegen_flags: <defaults>
</compile_context>

<pallas_src>
import functools

import jax
import jax.numpy as jnp
from jax import lax
from jax.experimental import pallas as pl
from jax.experimental.pallas import tpu as pltpu
from jax.experimental.pallas import tpu_sc as plsc

N = 10000
E = 320000
NPAD = 10240
NC = 2
NS = 16
CH = 128
NCH = 80
NBUF = 4
NG = NCH // NBUF
ET = NCH * CH
EPAD = NC * NS * ET
RPT = NPAD // NS
WD = 8
EPS = 1e-5
BR = 1024
GRID = NPAD // BR

_mesh = plsc.VectorSubcoreMesh(core_axis_name="c", subcore_axis_name="s")
_sc_params = pltpu.CompilerParams(use_tc_tiling_on_sc=False)


@functools.partial(
    pl.kernel,
    out_type=jax.ShapeDtypeStruct((NC, NPAD, WD), jnp.float32),
    mesh=_mesh,
    scratch_types=[
        pltpu.VMEM((NCH, CH), jnp.int32),
        pltpu.VMEM((CH, WD), jnp.float32),
        pltpu.VMEM_SHARED((NPAD, WD), jnp.float32),
        pltpu.SemaphoreType.DMA,
    ],
    compiler_params=_sc_params,
)
def _deg_kernel(ones_hbm, zeros_hbm, dst_hbm, out_hbm, dst_v, ones_v, deg_sh,
                sem):
    c = lax.axis_index("c")
    s = lax.axis_index("s")
    rbase = s * RPT
    pltpu.sync_copy(zeros_hbm.at[pl.ds(rbase, RPT)],
                    deg_sh.at[pl.ds(rbase, RPT)])
    pltpu.sync_copy(ones_hbm, ones_v)
    pltpu.sync_copy(dst_hbm.at[c, s], dst_v)
    plsc.subcore_barrier()

    def group(h, carry):
        for b in range(8):
            j = h * 8 + b
            pltpu.async_copy(ones_v, deg_sh.at[dst_v.at[j]], sem, add=True)
        for b in range(8):
            j = h * 8 + b
            pltpu.make_async_copy(ones_v, deg_sh.at[dst_v.at[j]], sem).wait()
        return carry

    lax.fori_loop(0, NCH // 8, group, 0)
    plsc.subcore_barrier()
    pltpu.sync_copy(deg_sh.at[pl.ds(rbase, RPT)],
                    out_hbm.at[c, pl.ds(rbase, RPT)])


def _make_scat(D):
    @functools.partial(
        pl.kernel,
        out_type=jax.ShapeDtypeStruct((NC, NPAD, D), jnp.float32),
        mesh=_mesh,
        scratch_types=[
            pltpu.VMEM((NCH, CH), jnp.int32),
            pltpu.VMEM((NCH, CH), jnp.int32),
            pltpu.VMEM((2 * NBUF, CH, D), jnp.float32),
            pltpu.VMEM_SHARED((NPAD, D), jnp.float32),
            pltpu.SemaphoreType.DMA,
            pltpu.SemaphoreType.DMA,
        ],
        compiler_params=_sc_params,
    )
    def scat(y_hbm, src_hbm, dst_hbm, out_hbm, src_v, dst_v, buf_v, acc_sh,
             sem0, sem1):
        c = lax.axis_index("c")
        s = lax.axis_index("s")
        rbase = s * RPT
        pltpu.sync_copy(y_hbm.at[pl.ds(rbase, RPT)],
                        acc_sh.at[pl.ds(rbase, RPT)])
        pltpu.sync_copy(src_hbm.at[c, s], src_v)
        pltpu.sync_copy(dst_hbm.at[c, s], dst_v)
        plsc.subcore_barrier()

        def fire(g, base, sem):
            for b in range(NBUF):
                pltpu.async_copy(y_hbm.at[src_v.at[g * NBUF + b]],
                                 buf_v.at[base + b], sem)

        def drain_and_scatter(g, base, sem):
            for b in range(NBUF):
                pltpu.make_async_copy(y_hbm.at[src_v.at[g * NBUF + b]],
                                      buf_v.at[base + b], sem).wait()
            for b in range(NBUF):
                pltpu.sync_copy(buf_v.at[base + b],
                                acc_sh.at[dst_v.at[g * NBUF + b]], add=True)

        fire(0, 0, sem0)

        def body(h, carry):
            g0 = 2 * h
            g1 = 2 * h + 1
            fire(g1, NBUF, sem1)
            drain_and_scatter(g0, 0, sem0)

            @pl.when(g1 + 1 < NG)
            def _():
                fire(g1 + 1, 0, sem0)

            drain_and_scatter(g1, NBUF, sem1)
            return carry

        lax.fori_loop(0, NG // 2, body, 0)
        plsc.subcore_barrier()
        pltpu.sync_copy(acc_sh.at[pl.ds(rbase, RPT)],
                        out_hbm.at[c, pl.ds(rbase, RPT)])

    return scat


_scat64 = _make_scat(64)
_scat32 = _make_scat(32)


def _tc_a_body(degp_ref, x_ref, w1_ref, dinv_ref, y1_ref):
    deg = degp_ref[0, :, 0:1] + degp_ref[1, :, 0:1] + 1.0
    dinv = lax.rsqrt(deg)
    dinv_ref[...] = dinv
    y1_ref[...] = jnp.dot(x_ref[...], w1_ref[...],
                          preferred_element_type=jnp.float32) * dinv


def _tc_mid_body(acc_ref, y_ref, dinv_ref, b_ref, g_ref, be_ref, w_ref,
                 out_ref):
    s = 1.0 / jnp.sqrt(1.0 + EPS)
    dinv = dinv_ref[...]
    v = (acc_ref[0] + acc_ref[1] - y_ref[...]) * dinv + b_ref[...]
    v = g_ref[...] * (v * s) + be_ref[...]
    v = jnp.maximum(v, 0.0)
    out_ref[...] = jnp.dot(v, w_ref[...],
                           preferred_element_type=jnp.float32) * dinv


def _tc_final_body(acc_ref, y_ref, dinv_ref, b_ref, g_ref, be_ref, wc_ref,
                   bc_ref, out_ref):
    s = 1.0 / jnp.sqrt(1.0 + EPS)
    dinv = dinv_ref[...]
    v = (acc_ref[0] + acc_ref[1] - y_ref[...]) * dinv + b_ref[...]
    v = g_ref[...] * (v * s) + be_ref[...]
    v = jnp.maximum(v, 0.0)
    out_ref[...] = jnp.dot(v, wc_ref[...],
                           preferred_element_type=jnp.float32) + bc_ref[...]


def _row_spec(d):
    return pl.BlockSpec((BR, d), lambda i: (i, 0))


def _full_spec(shape):
    return pl.BlockSpec(shape, lambda i: tuple(0 for _ in shape))


def _acc_spec(d):
    return pl.BlockSpec((NC, BR, d), lambda i: (0, i, 0))


def _tc_a(degp, xp, w1):
    return pl.pallas_call(
        _tc_a_body,
        grid=(GRID,),
        in_specs=[_acc_spec(WD), _row_spec(128), _full_spec((128, 64))],
        out_specs=[_row_spec(1), _row_spec(64)],
        out_shape=[
            jax.ShapeDtypeStruct((NPAD, 1), jnp.float32),
            jax.ShapeDtypeStruct((NPAD, 64), jnp.float32),
        ],
    )(degp, xp, w1)


def _tc_mid(acc, y1, dinv, b1, g1, be1, w2):
    return pl.pallas_call(
        _tc_mid_body,
        grid=(GRID,),
        in_specs=[_acc_spec(64), _row_spec(64), _row_spec(1),
                  _full_spec((1, 64)), _full_spec((1, 64)),
                  _full_spec((1, 64)), _full_spec((64, 32))],
        out_specs=_row_spec(32),
        out_shape=jax.ShapeDtypeStruct((NPAD, 32), jnp.float32),
    )(acc, y1, dinv, b1, g1, be1, w2)


def _tc_final(acc, y2, dinv, b2, g2, be2, wc, bc):
    return pl.pallas_call(
        _tc_final_body,
        grid=(GRID,),
        in_specs=[_acc_spec(32), _row_spec(32), _row_spec(1),
                  _full_spec((1, 32)), _full_spec((1, 32)),
                  _full_spec((1, 32)), _full_spec((32, 10)),
                  _full_spec((1, 10))],
        out_specs=_row_spec(10),
        out_shape=jax.ShapeDtypeStruct((NPAD, 10), jnp.float32),
    )(acc, y2, dinv, b2, g2, be2, wc, bc)


def kernel(x, W1, b1, g1, be1, W2, b2, g2, be2, Wc, bc, edge_index):
    src = edge_index[0]
    dst = edge_index[1]
    pad = EPAD - E
    srcp = jnp.concatenate([src, jnp.zeros((pad,), jnp.int32)])
    dstp = jnp.concatenate([dst, jnp.full((pad,), N, jnp.int32)])
    srcp = srcp.reshape(NC, NS, NCH, CH)
    dstp = dstp.reshape(NC, NS, NCH, CH)

    xp = jnp.zeros((NPAD, 128), jnp.float32).at[:N].set(x)
    ones = jnp.ones((CH, WD), jnp.float32)
    zeros = jnp.zeros((NPAD, WD), jnp.float32)

    degp = _deg_kernel(ones, zeros, dstp)
    dinv, y1 = _tc_a(degp, xp, W1)
    acc1 = _scat64(y1, srcp, dstp)
    y2 = _tc_mid(acc1, y1, dinv, b1.reshape(1, 64), g1.reshape(1, 64),
                 be1.reshape(1, 64), W2)
    acc2 = _scat32(y2, srcp, dstp)
    outp = _tc_final(acc2, y2, dinv, b2.reshape(1, 32), g2.reshape(1, 32),
                     be2.reshape(1, 32), Wc, bc.reshape(1, 10))
    return outp[:N]

# --- scband reference (transcript-rebuilt; emitter-appended) ---
"""Pipeline reference for scband-gcn-4664334484106 (READ-ONLY COPY).

The authoritative reference and input builder live on the scoring server;
editing this copy changes nothing except your own understanding.
"""

import jax, jax.numpy as jnp
import numpy as np

N = 10000
E = 320000
EPS = 1e-5


def gcn_conv(x, edge_index, W, b):
    # PyG GCNConv: add self-loops, symmetric D^{-1/2} A_hat D^{-1/2} normalization
    n = x.shape[0]
    loop = jnp.arange(n, dtype=edge_index.dtype)
    src = jnp.concatenate([edge_index[0], loop])
    dst = jnp.concatenate([edge_index[1], loop])
    deg = jnp.zeros((n,), jnp.float32).at[dst].add(1.0)
    dinv = jax.lax.rsqrt(deg)  # deg >= 1 thanks to self-loops
    norm = jnp.take(dinv, src) * jnp.take(dinv, dst)
    xw = x @ W
    msg = jnp.take(xw, src, axis=0) * norm[:, None]
    out = jnp.zeros((n, W.shape[1]), jnp.float32).at[dst].add(msg)
    return out + b


def bn_eval(x, gamma, beta):
    # BatchNorm1d in eval mode with initial running stats (mean=0, var=1)
    return gamma * (x / jnp.sqrt(1.0 + EPS)) + beta


def setup_inputs(seed: int = 0) -> dict:
    key = jax.random.key(seed)
    ks = jax.random.split(key, 12)
    x = jax.random.normal(ks[0], (N, 128), dtype=jnp.float32)
    edge_index = jax.random.randint(ks[1], (2, E), 0, N, dtype=jnp.int32)
    W1 = jax.random.normal(ks[2], (128, 64), dtype=jnp.float32) * 0.05
    b1 = jnp.zeros((64,), jnp.float32)
    g1 = jnp.ones((64,), jnp.float32)
    be1 = jnp.zeros((64,), jnp.float32)
    W2 = jax.random.normal(ks[3], (64, 32), dtype=jnp.float32) * 0.05
    b2 = jnp.zeros((32,), jnp.float32)
    g2 = jnp.ones((32,), jnp.float32)
    be2 = jnp.zeros((32,), jnp.float32)
    Wc = jax.random.normal(ks[4], (32, 10), dtype=jnp.float32) * 0.05
    bc = jnp.zeros((10,), jnp.float32)
    return {"x": x, "W1": W1, "b1": b1, "g1": g1, "be1": be1,
            "W2": W2, "b2": b2, "g2": g2, "be2": be2,
            "Wc": Wc, "bc": bc, "edge_index": edge_index}


def reference(x, W1, b1, g1, be1, W2, b2, g2, be2, Wc, bc, edge_index):
    # layer 1: GCNConv -> BN(eval) -> ReLU -> Dropout(eval=identity)
    h = gcn_conv(x, edge_index, W1, b1)
    h = bn_eval(h, g1, be1)
    h = jnp.maximum(h, 0.0)
    # layer 2
    h = gcn_conv(h, edge_index, W2, b2)
    h = bn_eval(h, g2, be2)
    h = jnp.maximum(h, 0.0)
    # classifier (jk_mode=None, pooling='none', batch=None)
    return h @ Wc + bc

if __name__ == "__main__":
    import jax
    _d = setup_inputs()
    print(jax.jit(kernel)(*tuple(_d.values())))

</pallas_src>

<mosaic_0001>
#map = affine_map<(d0, d1) -> (0, 0)>
#map1 = affine_map<(d0, d1) -> (0, 0, 0, 0)>
#map2 = affine_map<(d0, d1) -> (0, 0, 0)>
module attributes {stable_mosaic.version = 14 : i64} {
  func.func @scat(%arg0: i32, %arg1: i32, %arg2: memref<10240x32xf32, #tpu.memory_space<hbm>>, %arg3: memref<2x16x80x128xi32, #tpu.memory_space<hbm>>, %arg4: memref<2x16x80x128xi32, #tpu.memory_space<hbm>>, %arg5: memref<2x10240x32xf32, #tpu.memory_space<hbm>>, %arg6: memref<80x128xi32, #tpu.memory_space<vmem>>, %arg7: memref<80x128xi32, #tpu.memory_space<vmem>>, %arg8: memref<8x128x32xf32, #tpu.memory_space<vmem>>, %arg9: memref<10240x32xf32, #tpu.memory_space<vmem_shared>>, %arg10: memref<!tpu.dma_semaphore, #tpu.memory_space<semaphore_mem>>, %arg11: memref<!tpu.dma_semaphore, #tpu.memory_space<semaphore_mem>>) attributes {dimension_semantics = [#tpu.dimension_semantics<core_parallel>, #tpu.dimension_semantics<subcore_parallel>], iteration_bounds = array<i64: 2, 16>, scalar_prefetch = 0 : i64, scratch_operands = 6 : i64, tpu.core_type = #tpu.core_type<sc_vector_subcore>, window_params = [{transform_indices = #map}, {transform_indices = #map1}, {transform_indices = #map1}, {transform_indices = #map2}]} {
    %mul3A = arith.constant 640 : i32
    %mul3A_0 = arith.muli %arg1, %mul3A : i32
    "tpu.region"() ({
      %run_scoped3A = tpu.sem_alloc : memref<!tpu.dma_semaphore, #tpu.memory_space<semaphore_mem>>
      %dma_start3A_54 = arith.constant 0 : i32
      %dma_start3A_55 = tpu.memref_slice %arg9[%mul3A_0, %dma_start3A_54] : memref<10240x32xf32, #tpu.memory_space<vmem_shared>> -> memref<640x32xf32, #tpu.memory_space<vmem_shared>>
      %dma_start3A_56 = arith.constant 0 : i32
      %dma_start3A_57 = tpu.memref_slice %arg2[%mul3A_0, %dma_start3A_56] : memref<10240x32xf32, #tpu.memory_space<hbm>> -> memref<640x32xf32, #tpu.memory_space<hbm>>
      tpu.enqueue_dma source(%dma_start3A_57 : memref<640x32xf32, #tpu.memory_space<hbm>>) target(%dma_start3A_55 : memref<640x32xf32, #tpu.memory_space<vmem_shared>>) target_semaphore(%run_scoped3A : memref<!tpu.dma_semaphore, #tpu.memory_space<semaphore_mem>>)
      %dma_wait3A = arith.constant 0 : i32
      %dma_wait3A_58 = tpu.memref_slice %arg9[%mul3A_0, %dma_wait3A] : memref<10240x32xf32, #tpu.memory_space<vmem_shared>> -> memref<640x32xf32, #tpu.memory_space<vmem_shared>>
      %dma_wait3A_59 = arith.constant 0 : i32
      %dma_wait3A_60 = tpu.memref_slice %arg2[%mul3A_0, %dma_wait3A_59] : memref<10240x32xf32, #tpu.memory_space<hbm>> -> memref<640x32xf32, #tpu.memory_space<hbm>>
      tpu.wait_dma2 semaphore(%run_scoped3A : memref<!tpu.dma_semaphore, #tpu.memory_space<semaphore_mem>>) src(%dma_wait3A_60 : memref<640x32xf32, #tpu.memory_space<hbm>>) dst(%dma_wait3A_58 : memref<640x32xf32, #tpu.memory_space<vmem_shared>>)
      tpu.yield
    }) : () -> ()
    "tpu.region"() ({
      %run_scoped3A = tpu.sem_alloc : memref<!tpu.dma_semaphore, #tpu.memory_space<semaphore_mem>>
      %dma_start3A_54 = arith.constant 0 : i32
      %dma_start3A_55 = arith.constant 0 : i32
      %dma_start3A_56 = tpu.memref_slice %arg3[%arg0, %arg1, %dma_start3A_54, %dma_start3A_55] : memref<2x16x80x128xi32, #tpu.memory_space<hbm>> -> memref<1x1x80x128xi32, #tpu.memory_space<hbm>>
      %dma_start3A_57 = tpu.memref_squeeze %dma_start3A_56 : memref<1x1x80x128xi32, #tpu.memory_space<hbm>> -> memref<80x128xi32, #tpu.memory_space<hbm>>
      %dma_start3A_58 = arith.constant 0 : i32
      %dma_start3A_59 = arith.constant 0 : i32
      %dma_start3A_60 = tpu.memref_slice %arg3[%arg0, %arg1, %dma_start3A_58, %dma_start3A_59] : memref<2x16x80x128xi32, #tpu.memory_space<hbm>> -> memref<1x1x80x128xi32, #tpu.memory_space<hbm>>
      %dma_start3A_61 = tpu.memref_squeeze %dma_start3A_60 : memref<1x1x80x128xi32, #tpu.memory_space<hbm>> -> memref<80x128xi32, #tpu.memory_space<hbm>>
      tpu.enqueue_dma source(%dma_start3A_61 : memref<80x128xi32, #tpu.memory_space<hbm>>) target(%arg6 : memref<80x128xi32, #tpu.memory_space<vmem>>) target_semaphore(%run_scoped3A : memref<!tpu.dma_semaphore, #tpu.memory_space<semaphore_mem>>)
      %dma_wait3A = arith.constant 0 : i32
      %dma_wait3A_62 = arith.constant 0 : i32
      %dma_wait3A_63 = tpu.memref_slice %arg3[%arg0, %arg1, %dma_wait3A, %dma_wait3A_62] : memref<2x16x80x128xi32, #tpu.memory_space<hbm>> -> memref<1x1x80x128xi32, #tpu.memory_space<hbm>>
      %dma_wait3A_64 = tpu.memref_squeeze %dma_wait3A_63 : memref<1x1x80x128xi32, #tpu.memory_space<hbm>> -> memref<80x128xi32, #tpu.memory_space<hbm>>
      %dma_wait3A_65 = arith.constant 0 : i32
      %dma_wait3A_66 = arith.constant 0 : i32
      %dma_wait3A_67 = tpu.memref_slice %arg3[%arg0, %arg1, %dma_wait3A_65, %dma_wait3A_66] : memref<2x16x80x128xi32, #tpu.memory_space<hbm>> -> memref<1x1x80x128xi32, #tpu.memory_space<hbm>>
      %dma_wait3A_68 = tpu.memref_squeeze %dma_wait3A_67 : memref<1x1x80x128xi32, #tpu.memory_space<hbm>> -> memref<80x128xi32, #tpu.memory_space<hbm>>
      tpu.wait_dma2 semaphore(%run_scoped3A : memref<!tpu.dma_semaphore, #tpu.memory_space<semaphore_mem>>) src(%dma_wait3A_68 : memref<80x128xi32, #tpu.memory_space<hbm>>) dst(%arg6 : memref<80x128xi32, #tpu.memory_space<vmem>>)
      tpu.yield
    }) : () -> ()
    "tpu.region"() ({
      %run_scoped3A = tpu.sem_alloc : memref<!tpu.dma_semaphore, #tpu.memory_space<semaphore_mem>>
      %dma_start3A_54 = arith.constant 0 : i32
      %dma_start3A_55 = arith.constant 0 : i32
      %dma_start3A_56 = tpu.memref_slice %arg4[%arg0, %arg1, %dma_start3A_54, %dma_start3A_55] : memref<2x16x80x128xi32, #tpu.memory_space<hbm>> -> memref<1x1x80x128xi32, #tpu.memory_space<hbm>>
      %dma_start3A_57 = tpu.memref_squeeze %dma_start3A_56 : memref<1x1x80x128xi32, #tpu.memory_space<hbm>> -> memref<80x128xi32, #tpu.memory_space<hbm>>
      %dma_start3A_58 = arith.constant 0 : i32
      %dma_start3A_59 = arith.constant 0 : i32
      %dma_start3A_60 = tpu.memref_slice %arg4[%arg0, %arg1, %dma_start3A_58, %dma_start3A_59] : memref<2x16x80x128xi32, #tpu.memory_space<hbm>> -> memref<1x1x80x128xi32, #tpu.memory_space<hbm>>
      %dma_start3A_61 = tpu.memref_squeeze %dma_start3A_60 : memref<1x1x80x128xi32, #tpu.memory_space<hbm>> -> memref<80x128xi32, #tpu.memory_space<hbm>>
      tpu.enqueue_dma source(%dma_start3A_61 : memref<80x128xi32, #tpu.memory_space<hbm>>) target(%arg7 : memref<80x128xi32, #tpu.memory_space<vmem>>) target_semaphore(%run_scoped3A : memref<!tpu.dma_semaphore, #tpu.memory_space<semaphore_mem>>)
      %dma_wait3A = arith.constant 0 : i32
      %dma_wait3A_62 = arith.constant 0 : i32
      %dma_wait3A_63 = tpu.memref_slice %arg4[%arg0, %arg1, %dma_wait3A, %dma_wait3A_62] : memref<2x16x80x128xi32, #tpu.memory_space<hbm>> -> memref<1x1x80x128xi32, #tpu.memory_space<hbm>>
      %dma_wait3A_64 = tpu.memref_squeeze %dma_wait3A_63 : memref<1x1x80x128xi32, #tpu.memory_space<hbm>> -> memref<80x128xi32, #tpu.memory_space<hbm>>
      %dma_wait3A_65 = arith.constant 0 : i32
      %dma_wait3A_66 = arith.constant 0 : i32
      %dma_wait3A_67 = tpu.memref_slice %arg4[%arg0, %arg1, %dma_wait3A_65, %dma_wait3A_66] : memref<2x16x80x128xi32, #tpu.memory_space<hbm>> -> memref<1x1x80x128xi32, #tpu.memory_space<hbm>>
      %dma_wait3A_68 = tpu.memref_squeeze %dma_wait3A_67 : memref<1x1x80x128xi32, #tpu.memory_space<hbm>> -> memref<80x128xi32, #tpu.memory_space<hbm>>
      tpu.wait_dma2 semaphore(%run_scoped3A : memref<!tpu.dma_semaphore, #tpu.memory_space<semaphore_mem>>) src(%dma_wait3A_68 : memref<80x128xi32, #tpu.memory_space<hbm>>) dst(%arg7 : memref<80x128xi32, #tpu.memory_space<vmem>>)
      tpu.yield
    }) : () -> ()
    %barrier3A = arith.constant 0 : index
    tpu.barrier barrier_id(%barrier3A)
    %dma_start3A = arith.constant 0 : i32
    %dma_start3A_1 = arith.constant 0 : i32
    %dma_start3A_2 = arith.constant 0 : i32
    %dma_start3A_3 = arith.constant 0 : i32
    %dma_start3A_4 = tpu.memref_slice %arg8[%dma_start3A_1, %dma_start3A_2, %dma_start3A_3] : memref<8x128x32xf32, #tpu.memory_space<vmem>> -> memref<1x128x32xf32, #tpu.memory_space<vmem>>
    %dma_start3A_5 = tpu.memref_squeeze %dma_start3A_4 : memref<1x128x32xf32, #tpu.memory_space<vmem>> -> memref<128x32xf32, #tpu.memory_space<vmem>>
    %dma_start3A_6 = arith.constant 0 : i32
    %dma_start3A_7 = tpu.memref_slice %arg6[%dma_start3A, %dma_start3A_6] : memref<80x128xi32, #tpu.memory_space<vmem>> -> memref<1x128xi32, #tpu.memory_space<vmem>>
    %dma_start3A_8 = tpu.memref_squeeze %dma_start3A_7 : memref<1x128xi32, #tpu.memory_space<vmem>> -> memref<128xi32, #tpu.memory_space<vmem>>
    %dma_start3A_9 = arith.constant 0 : i32
    %dma_start3A_10 = arith.constant 0 : i32
    %dma_start3A_11 = tpu.memref_slice %arg2[%dma_start3A_9, %dma_start3A_10] : memref<10240x32xf32, #tpu.memory_space<hbm>> -> memref<10240x32xf32, #tpu.memory_space<hbm>>
    tpu.enqueue_indirect_dma source(%dma_start3A_11 : memref<10240x32xf32, #tpu.memory_space<hbm>>) target(%dma_start3A_5 : memref<128x32xf32, #tpu.memory_space<vmem>>) offsets(%dma_start3A_8 : memref<128xi32, #tpu.memory_space<vmem>>) semaphore(%arg10 : memref<!tpu.dma_semaphore, #tpu.memory_space<semaphore_mem>>)
    %dma_start3A_12 = arith.constant 1 : i32
    %dma_start3A_13 = arith.constant 1 : i32
    %dma_start3A_14 = arith.constant 0 : i32
    %dma_start3A_15 = arith.constant 0 : i32
    %dma_start3A_16 = tpu.memref_slice %arg8[%dma_start3A_13, %dma_start3A_14, %dma_start3A_15] : memref<8x128x32xf32, #tpu.memory_space<vmem>> -> memref<1x128x32xf32, #tpu.memory_space<vmem>>
    %dma_start3A_17 = tpu.memref_squeeze %dma_start3A_16 : memref<1x128x32xf32, #tpu.memory_space<vmem>> -> memref<128x32xf32, #tpu.memory_space<vmem>>
    %dma_start3A_18 = arith.constant 0 : i32
    %dma_start3A_19 = tpu.memref_slice %arg6[%dma_start3A_12, %dma_start3A_18] : memref<80x128xi32, #tpu.memory_space<vmem>> -> memref<1x128xi32, #tpu.memory_space<vmem>>
    %dma_start3A_20 = tpu.memref_squeeze %dma_start3A_19 : memref<1x128xi32, #tpu.memory_space<vmem>> -> memref<128xi32, #tpu.memory_space<vmem>>
    %dma_start3A_21 = arith.constant 0 : i32
    %dma_start3A_22 = arith.constant 0 : i32
    %dma_start3A_23 = tpu.memref_slice %arg2[%dma_start3A_21, %dma_start3A_22] : memref<10240x32xf32, #tpu.memory_space<hbm>> -> memref<10240x32xf32, #tpu.memory_space<hbm>>
    tpu.enqueue_indirect_dma source(%dma_start3A_23 : memref<10240x32xf32, #tpu.memory_space<hbm>>) target(%dma_start3A_17 : memref<128x32xf32, #tpu.memory_space<vmem>>) offsets(%dma_start3A_20 : memref<128xi32, #tpu.memory_space<vmem>>) semaphore(%arg10 : memref<!tpu.dma_semaphore, #tpu.memory_space<semaphore_mem>>)
    %dma_start3A_24 = arith.constant 2 : i32
    %dma_start3A_25 = arith.constant 2 : i32
    %dma_start3A_26 = arith.constant 0 : i32
    %dma_start3A_27 = arith.constant 0 : i32
    %dma_start3A_28 = tpu.memref_slice %arg8[%dma_start3A_25, %dma_start3A_26, %dma_start3A_27] : memref<8x128x32xf32, #tpu.memory_space<vmem>> -> memref<1x128x32xf32, #tpu.memory_space<vmem>>
    %dma_start3A_29 = tpu.memref_squeeze %dma_start3A_28 : memref<1x128x32xf32, #tpu.memory_space<vmem>> -> memref<128x32xf32, #tpu.memory_space<vmem>>
    %dma_start3A_30 = arith.constant 0 : i32
    %dma_start3A_31 = tpu.memref_slice %arg6[%dma_start3A_24, %dma_start3A_30] : memref<80x128xi32, #tpu.memory_space<vmem>> -> memref<1x128xi32, #tpu.memory_space<vmem>>
    %dma_start3A_32 = tpu.memref_squeeze %dma_start3A_31 : memref<1x128xi32, #tpu.memory_space<vmem>> -> memref<128xi32, #tpu.memory_space<vmem>>
    %dma_start3A_33 = arith.constant 0 : i32
    %dma_start3A_34 = arith.constant 0 : i32
    %dma_start3A_35 = tpu.memref_slice %arg2[%dma_start3A_33, %dma_start3A_34] : memref<10240x32xf32, #tpu.memory_space<hbm>> -> memref<10240x32xf32, #tpu.memory_space<hbm>>
    tpu.enqueue_indirect_dma source(%dma_start3A_35 : memref<10240x32xf32, #tpu.memory_space<hbm>>) target(%dma_start3A_29 : memref<128x32xf32, #tpu.memory_space<vmem>>) offsets(%dma_start3A_32 : memref<128xi32, #tpu.memory_space<vmem>>) semaphore(%arg10 : memref<!tpu.dma_semaphore, #tpu.memory_space<semaphore_mem>>)
    %dma_start3A_36 = arith.constant 3 : i32
    %dma_start3A_37 = arith.constant 3 : i32
    %dma_start3A_38 = arith.constant 0 : i32
    %dma_start3A_39 = arith.constant 0 : i32
    %dma_start3A_40 = tpu.memref_slice %arg8[%dma_start3A_37, %dma_start3A_38, %dma_start3A_39] : memref<8x128x32xf32, #tpu.memory_space<vmem>> -> memref<1x128x32xf32, #tpu.memory_space<vmem>>
    %dma_start3A_41 = tpu.memref_squeeze %dma_start3A_40 : memref<1x128x32xf32, #tpu.memory_space<vmem>> -> memref<128x32xf32, #tpu.memory_space<vmem>>
    %dma_start3A_42 = arith.constant 0 : i32
    %dma_start3A_43 = tpu.memref_slice %arg6[%dma_start3A_36, %dma_start3A_42] : memref<80x128xi32, #tpu.memory_space<vmem>> -> memref<1x128xi32, #tpu.memory_space<vmem>>
    %dma_start3A_44 = tpu.memref_squeeze %dma_start3A_43 : memref<1x128xi32, #tpu.memory_space<vmem>> -> memref<128xi32, #tpu.memory_space<vmem>>
    %dma_start3A_45 = arith.constant 0 : i32
    %dma_start3A_46 = arith.constant 0 : i32
    %dma_start3A_47 = tpu.memref_slice %arg2[%dma_start3A_45, %dma_start3A_46] : memref<10240x32xf32, #tpu.memory_space<hbm>> -> memref<10240x32xf32, #tpu.memory_space<hbm>>
    tpu.enqueue_indirect_dma source(%dma_start3A_47 : memref<10240x32xf32, #tpu.memory_space<hbm>>) target(%dma_start3A_41 : memref<128x32xf32, #tpu.memory_space<vmem>>) offsets(%dma_start3A_44 : memref<128xi32, #tpu.memory_space<vmem>>) semaphore(%arg10 : memref<!tpu.dma_semaphore, #tpu.memory_space<semaphore_mem>>)
    %scan3A = arith.constant 0 : i32
    %scan3A_48 = arith.constant 0 : i32
    %scan3A_49 = arith.constant 10 : i32
    %scan3A_50 = arith.addi %scan3A_48, %scan3A_49 : i32
    %scan3A_51 = arith.constant 1 : i32
    scf.for %scan3A_54 = %scan3A_48 to %scan3A_50 step %scan3A_51  : i32 {
      %mul3A_55 = arith.constant 2 : i32
      %mul3A_56 = arith.muli %mul3A_55, %scan3A_54 : i32
      %mul3A_57 = arith.constant 2 : i32
      %mul3A_58 = arith.muli %mul3A_57, %scan3A_54 : i32
      %add3A = arith.constant 1 : i32
      %add3A_59 = arith.addi %mul3A_58, %add3A : i32
      %mul3A_60 = arith.constant 4 : i32
      %mul3A_61 = arith.muli %add3A_59, %mul3A_60 : i32
      %add3A_62 = arith.constant 0 : i32
      %add3A_63 = arith.addi %mul3A_61, %add3A_62 : i32
      %dma_start3A_64 = arith.constant 4 : i32
      %dma_start3A_65 = arith.constant 0 : i32
      %dma_start3A_66 = arith.constant 0 : i32
      %dma_start3A_67 = tpu.memref_slice %arg8[%dma_start3A_64, %dma_start3A_65, %dma_start3A_66] : memref<8x128x32xf32, #tpu.memory_space<vmem>> -> memref<1x128x32xf32, #tpu.memory_space<vmem>>
      %dma_start3A_68 = tpu.memref_squeeze %dma_start3A_67 : memref<1x128x32xf32, #tpu.memory_space<vmem>> -> memref<128x32xf32, #tpu.memory_space<vmem>>
      %dma_start3A_69 = arith.constant 0 : i32
      %dma_start3A_70 = tpu.memref_slice %arg6[%add3A_63, %dma_start3A_69] : memref<80x128xi32, #tpu.memory_space<vmem>> -> memref<1x128xi32, #tpu.memory_space<vmem>>
      %dma_start3A_71 = tpu.memref_squeeze %dma_start3A_70 : memref<1x128xi32, #tpu.memory_space<vmem>> -> memref<128xi32, #tpu.memory_space<vmem>>
      %dma_start3A_72 = arith.constant 0 : i32
      %dma_start3A_73 = arith.constant 0 : i32
      %dma_start3A_74 = tpu.memref_slice %arg2[%dma_start3A_72, %dma_start3A_73] : memref<10240x32xf32, #tpu.memory_space<hbm>> -> memref<10240x32xf32, #tpu.memory_space<hbm>>
      tpu.enqueue_indirect_dma source(%dma_start3A_74 : memref<10240x32xf32, #tpu.memory_space<hbm>>) target(%dma_start3A_68 : memref<128x32xf32, #tpu.memory_space<vmem>>) offsets(%dma_start3A_71 : memref<128xi32, #tpu.memory_space<vmem>>) semaphore(%arg11 : memref<!tpu.dma_semaphore, #tpu.memory_space<semaphore_mem>>)
      %mul3A_75 = arith.constant 4 : i32
      %mul3A_76 = arith.muli %add3A_59, %mul3A_75 : i32
      %add3A_77 = arith.constant 1 : i32
      %add3A_78 = arith.addi %mul3A_76, %add3A_77 : i32
      %dma_start3A_79 = arith.constant 5 : i32
      %dma_start3A_80 = arith.constant 0 : i32
      %dma_start3A_81 = arith.constant 0 : i32
      %dma_start3A_82 = tpu.memref_slice %arg8[%dma_start3A_79, %dma_start3A_80, %dma_start3A_81] : memref<8x128x32xf32, #tpu.memory_space<vmem>> -> memref<1x128x32xf32, #tpu.memory_space<vmem>>
      %dma_start3A_83 = tpu.memref_squeeze %dma_start3A_82 : memref<1x128x32xf32, #tpu.memory_space<vmem>> -> memref<128x32xf32, #tpu.memory_space<vmem>>
      %dma_start3A_84 = arith.constant 0 : i32
      %dma_start3A_85 = tpu.memref_slice %arg6[%add3A_78, %dma_start3A_84] : memref<80x128xi32, #tpu.memory_space<vmem>> -> memref<1x128xi32, #tpu.memory_space<vmem>>
      %dma_start3A_86 = tpu.memref_squeeze %dma_start3A_85 : memref<1x128xi32, #tpu.memory_space<vmem>> -> memref<128xi32, #tpu.memory_space<vmem>>
      %dma_start3A_87 = arith.constant 0 : i32
      %dma_start3A_88 = arith.constant 0 : i32
      %dma_start3A_89 = tpu.memref_slice %arg2[%dma_start3A_87, %dma_start3A_88] : memref<10240x32xf32, #tpu.memory_space<hbm>> -> memref<10240x32xf32, #tpu.memory_space<hbm>>
      tpu.enqueue_indirect_dma source(%dma_start3A_89 : memref<10240x32xf32, #tpu.memory_space<hbm>>) target(%dma_start3A_83 : memref<128x32xf32, #tpu.memory_space<vmem>>) offsets(%dma_start3A_86 : memref<128xi32, #tpu.memory_space<vmem>>) semaphore(%arg11 : memref<!tpu.dma_semaphore, #tpu.memory_space<semaphore_mem>>)
      %mul3A_90 = arith.constant 4 : i32
      %mul3A_91 = arith.muli %add3A_59, %mul3A_90 : i32
      %add3A_92 = arith.constant 2 : i32
      %add3A_93 = arith.addi %mul3A_91, %add3A_92 : i32
      %dma_start3A_94 = arith.constant 6 : i32
      %dma_start3A_95 = arith.constant 0 : i32
      %dma_start3A_96 = arith.constant 0 : i32
      %dma_start3A_97 = tpu.memref_slice %arg8[%dma_start3A_94, %dma_start3A_95, %dma_start3A_96] : memref<8x128x32xf32, #tpu.memory_space<vmem>> -> memref<1x128x32xf32, #tpu.memory_space<vmem>>
      %dma_start3A_98 = tpu.memref_squeeze %dma_start3A_97 : memref<1x128x32xf32, #tpu.memory_space<vmem>> -> memref<128x32xf32, #tpu.memory_space<vmem>>
      %dma_start3A_99 = arith.constant 0 : i32
      %dma_start3A_100 = tpu.memref_slice %arg6[%add3A_93, %dma_start3A_99] : memref<80x128xi32, #tpu.memory_space<vmem>> -> memref<1x128xi32, #tpu.memory_space<vmem>>
      %dma_start3A_101 = tpu.memref_squeeze %dma_start3A_100 : memref<1x128xi32, #tpu.memory_space<vmem>> -> memref<128xi32, #tpu.memory_space<vmem>>
      %dma_start3A_102 = arith.constant 0 : i32
      %dma_start3A_103 = arith.constant 0 : i32
      %dma_start3A_104 = tpu.memref_slice %arg2[%dma_start3A_102, %dma_start3A_103] : memref<10240x32xf32, #tpu.memory_space<hbm>> -> memref<10240x32xf32, #tpu.memory_space<hbm>>
      tpu.enqueue_indirect_dma source(%dma_start3A_104 : memref<10240x32xf32, #tpu.memory_space<hbm>>) target(%dma_start3A_98 : memref<128x32xf32, #tpu.memory_space<vmem>>) offsets(%dma_start3A_101 : memref<128xi32, #tpu.memory_space<vmem>>) semaphore(%arg11 : memref<!tpu.dma_semaphore, #tpu.memory_space<semaphore_mem>>)
      %mul3A_105 = arith.constant 4 : i32
      %mul3A_106 = arith.muli %add3A_59, %mul3A_105 : i32
      %add3A_107 = arith.constant 3 : i32
      %add3A_108 = arith.addi %mul3A_106, %add3A_107 : i32
      %dma_start3A_109 = arith.constant 7 : i32
      %dma_start3A_110 = arith.constant 0 : i32
      %dma_start3A_111 = arith.constant 0 : i32
      %dma_start3A_112 = tpu.memref_slice %arg8[%dma_start3A_109, %dma_start3A_110, %dma_start3A_111] : memref<8x128x32xf32, #tpu.memory_space<vmem>> -> memref<1x128x32xf32, #tpu.memory_space<vmem>>
      %dma_start3A_113 = tpu.memref_squeeze %dma_start3A_112 : memref<1x128x32xf32, #tpu.memory_space<vmem>> -> memref<128x32xf32, #tpu.memory_space<vmem>>
      %dma_start3A_114 = arith.constant 0 : i32
      %dma_start3A_115 = tpu.memref_slice %arg6[%add3A_108, %dma_start3A_114] : memref<80x128xi32, #tpu.memory_space<vmem>> -> memref<1x128xi32, #tpu.memory_space<vmem>>
      %dma_start3A_116 = tpu.memref_squeeze %dma_start3A_115 : memref<1x128xi32, #tpu.memory_space<vmem>> -> memref<128xi32, #tpu.memory_space<vmem>>
      %dma_start3A_117 = arith.constant 0 : i32
      %dma_start3A_118 = arith.constant 0 : i32
      %dma_start3A_119 = tpu.memref_slice %arg2[%dma_start3A_117, %dma_start3A_118] : memref<10240x32xf32, #tpu.memory_space<hbm>> -> memref<10240x32xf32, #tpu.memory_space<hbm>>
      tpu.enqueue_indirect_dma source(%dma_start3A_119 : memref<10240x32xf32, #tpu.memory_space<hbm>>) target(%dma_start3A_113 : memref<128x32xf32, #tpu.memory_space<vmem>>) offsets(%dma_start3A_116 : memref<128xi32, #tpu.memory_space<vmem>>) semaphore(%arg11 : memref<!tpu.dma_semaphore, #tpu.memory_space<semaphore_mem>>)
      %mul3A_120 = arith.constant 4 : i32
      %mul3A_121 = arith.muli %mul3A_56, %mul3A_120 : i32
      %add3A_122 = arith.constant 0 : i32
      %add3A_123 = arith.addi %mul3A_121, %add3A_122 : i32
      %dma_wait3A = arith.constant 0 : i32
      %dma_wait3A_124 = arith.constant 0 : i32
      %dma_wait3A_125 = arith.constant 0 : i32
      %dma_wait3A_126 = tpu.memref_slice %arg8[%dma_wait3A, %dma_wait3A_124, %dma_wait3A_125] : memref<8x128x32xf32, #tpu.memory_space<vmem>> -> memref<1x128x32xf32, #tpu.memory_space<vmem>>
      %dma_wait3A_127 = tpu.memref_squeeze %dma_wait3A_126 : memref<1x128x32xf32, #tpu.memory_space<vmem>> -> memref<128x32xf32, #tpu.memory_space<vmem>>
      %dma_wait3A_128 = arith.constant 0 : i32
      %dma_wait3A_129 = tpu.memref_slice %arg6[%add3A_123, %dma_wait3A_128] : memref<80x128xi32, #tpu.memory_space<vmem>> -> memref<1x128xi32, #tpu.memory_space<vmem>>
      %dma_wait3A_130 = tpu.memref_squeeze %dma_wait3A_129 : memref<1x128xi32, #tpu.memory_space<vmem>> -> memref<128xi32, #tpu.memory_space<vmem>>
      %dma_wait3A_131 = arith.constant 0 : i32
      %dma_wait3A_132 = arith.constant 0 : i32
      %dma_wait3A_133 = tpu.memref_slice %arg2[%dma_wait3A_131, %dma_wait3A_132] : memref<10240x32xf32, #tpu.memory_space<hbm>> -> memref<10240x32xf32, #tpu.memory_space<hbm>>
      tpu.wait_indirect_dma semaphore(%arg10 : memref<!tpu.dma_semaphore, #tpu.memory_space<semaphore_mem>>) src(%dma_wait3A_133 : memref<10240x32xf32, #tpu.memory_space<hbm>>) dst(%dma_wait3A_127 : memref<128x32xf32, #tpu.memory_space<vmem>>)
      %mul3A_134 = arith.constant 4 : i32
      %mul3A_135 = arith.muli %mul3A_56, %mul3A_134 : i32
      %add3A_136 = arith.constant 1 : i32
      %add3A_137 = arith.addi %mul3A_135, %add3A_136 : i32
      %dma_wait3A_138 = arith.constant 1 : i32
      %dma_wait3A_139 = arith.constant 0 : i32
      %dma_wait3A_140 = arith.constant 0 : i32
      %dma_wait3A_141 = tpu.memref_slice %arg8[%dma_wait3A_138, %dma_wait3A_139, %dma_wait3A_140] : memref<8x128x32xf32, #tpu.memory_space<vmem>> -> memref<1x128x32xf32, #tpu.memory_space<vmem>>
      %dma_wait3A_142 = tpu.memref_squeeze %dma_wait3A_141 : memref<1x128x32xf32, #tpu.memory_space<vmem>> -> memref<128x32xf32, #tpu.memory_space<vmem>>
      %dma_wait3A_143 = arith.constant 0 : i32
      %dma_wait3A_144 = tpu.memref_slice %arg6[%add3A_137, %dma_wait3A_143] : memref<80x128xi32, #tpu.memory_space<vmem>> -> memref<1x128xi32, #tpu.memory_space<vmem>>
      %dma_wait3A_145 = tpu.memref_squeeze %dma_wait3A_144 : memref<1x128xi32, #tpu.memory_space<vmem>> -> memref<128xi32, #tpu.memory_space<vmem>>
      %dma_wait3A_146 = arith.constant 0 : i32
      %dma_wait3A_147 = arith.constant 0 : i32
      %dma_wait3A_148 = tpu.memref_slice %arg2[%dma_wait3A_146, %dma_wait3A_147] : memref<10240x32xf32, #tpu.memory_space<hbm>> -> memref<10240x32xf32, #tpu.memory_space<hbm>>
      tpu.wait_indirect_dma semaphore(%arg10 : memref<!tpu.dma_semaphore, #tpu.memory_space<semaphore_mem>>) src(%dma_wait3A_148 : memref<10240x32xf32, #tpu.memory_space<hbm>>) dst(%dma_wait3A_142 : memref<128x32xf32, #tpu.memory_space<vmem>>)
      %mul3A_149 = arith.constant 4 : i32
      %mul3A_150 = arith.muli %mul3A_56, %mul3A_149 : i32
      %add3A_151 = arith.constant 2 : i32
      %add3A_152 = arith.addi %mul3A_150, %add3A_151 : i32
      %dma_wait3A_153 = arith.constant 2 : i32
      %dma_wait3A_154 = arith.constant 0 : i32
      %dma_wait3A_155 = arith.constant 0 : i32
      %dma_wait3A_156 = tpu.memref_slice %arg8[%dma_wait3A_153, %dma_wait3A_154, %dma_wait3A_155] : memref<8x128x32xf32, #tpu.memory_space<vmem>> -> memref<1x128x32xf32, #tpu.memory_space<vmem>>
      %dma_wait3A_157 = tpu.memref_squeeze %dma_wait3A_156 : memref<1x128x32xf32, #tpu.memory_space<vmem>> -> memref<128x32xf32, #tpu.memory_space<vmem>>
      %dma_wait3A_158 = arith.constant 0 : i32
      %dma_wait3A_159 = tpu.memref_slice %arg6[%add3A_152, %dma_wait3A_158] : memref<80x128xi32, #tpu.memory_space<vmem>> -> memref<1x128xi32, #tpu.memory_space<vmem>>
      %dma_wait3A_160 = tpu.memref_squeeze %dma_wait3A_159 : memref<1x128xi32, #tpu.memory_space<vmem>> -> memref<128xi32, #tpu.memory_space<vmem>>
      %dma_wait3A_161 = arith.constant 0 : i32
      %dma_wait3A_162 = arith.constant 0 : i32
      %dma_wait3A_163 = tpu.memref_slice %arg2[%dma_wait3A_161, %dma_wait3A_162] : memref<10240x32xf32, #tpu.memory_space<hbm>> -> memref<10240x32xf32, #tpu.memory_space<hbm>>
      tpu.wait_indirect_dma semaphore(%arg10 : memref<!tpu.dma_semaphore, #tpu.memory_space<semaphore_mem>>) src(%dma_wait3A_163 : memref<10240x32xf32, #tpu.memory_space<hbm>>) dst(%dma_wait3A_157 : memref<128x32xf32, #tpu.memory_space<vmem>>)
      %mul3A_164 = arith.constant 4 : i32
      %mul3A_165 = arith.muli %mul3A_56, %mul3A_164 : i32
      %add3A_166 = arith.constant 3 : i32
      %add3A_167 = arith.addi %mul3A_165, %add3A_166 : i32
      %dma_wait3A_168 = arith.constant 3 : i32
      %dma_wait3A_169 = arith.constant 0 : i32
      %dma_wait3A_170 = arith.constant 0 : i32
      %dma_wait3A_171 = tpu.memref_slice %arg8[%dma_wait3A_168, %dma_wait3A_169, %dma_wait3A_170] : memref<8x128x32xf32, #tpu.memory_space<vmem>> -> memref<1x128x32xf32, #tpu.memory_space<vmem>>
      %dma_wait3A_172 = tpu.memref_squeeze %dma_wait3A_171 : memref<1x128x32xf32, #tpu.memory_space<vmem>> -> memref<128x32xf32, #tpu.memory_space<vmem>>
      %dma_wait3A_173 = arith.constant 0 : i32
      %dma_wait3A_174 = tpu.memref_slice %arg6[%add3A_167, %dma_wait3A_173] : memref<80x128xi32, #tpu.memory_space<vmem>> -> memref<1x128xi32, #tpu.memory_space<vmem>>
      %dma_wait3A_175 = tpu.memref_squeeze %dma_wait3A_174 : memref<1x128xi32, #tpu.memory_space<vmem>> -> memref<128xi32, #tpu.memory_space<vmem>>
      %dma_wait3A_176 = arith.constant 0 : i32
      %dma_wait3A_177 = arith.constant 0 : i32
      %dma_wait3A_178 = tpu.memref_slice %arg2[%dma_wait3A_176, %dma_wait3A_177] : memref<10240x32xf32, #tpu.memory_space<hbm>> -> memref<10240x32xf32, #tpu.memory_space<hbm>>
      tpu.wait_indirect_dma semaphore(%arg10 : memref<!tpu.dma_semaphore, #tpu.memory_space<semaphore_mem>>) src(%dma_wait3A_178 : memref<10240x32xf32, #tpu.memory_space<hbm>>) dst(%dma_wait3A_172 : memref<128x32xf32, #tpu.memory_space<vmem>>)
      %mul3A_179 = arith.constant 4 : i32
      %mul3A_180 = arith.muli %mul3A_56, %mul3A_179 : i32
      %add3A_181 = arith.constant 0 : i32
      %add3A_182 = arith.addi %mul3A_180, %add3A_181 : i32
      %run_scoped3A = arith.constant 0 : i32
      "tpu.region"() ({
        %run_scoped3A_282 = tpu.sem_alloc : memref<!tpu.dma_semaphore, #tpu.memory_space<semaphore_mem>>
        %dma_start3A_283 = arith.constant 0 : i32
        %dma_start3A_284 = arith.constant 0 : i32
        %dma_start3A_285 = tpu.memref_slice %arg8[%run_scoped3A, %dma_start3A_283, %dma_start3A_284] : memref<8x128x32xf32, #tpu.memory_space<vmem>> -> memref<1x128x32xf32, #tpu.memory_space<vmem>>
        %dma_start3A_286 = tpu.memref_squeeze %dma_start3A_285 : memref<1x128x32xf32, #tpu.memory_space<vmem>> -> memref<128x32xf32, #tpu.memory_space<vmem>>
        %dma_start3A_287 = arith.constant 0 : i32
        %dma_start3A_288 = tpu.memref_slice %arg7[%add3A_182, %dma_start3A_287] : memref<80x128xi32, #tpu.memory_space<vmem>> -> memref<1x128xi32, #tpu.memory_space<vmem>>
        %dma_start3A_289 = tpu.memref_squeeze %dma_start3A_288 : memref<1x128xi32, #tpu.memory_space<vmem>> -> memref<128xi32, #tpu.memory_space<vmem>>
        %dma_start3A_290 = arith.constant 0 : i32
        %dma_start3A_291 = arith.constant 0 : i32
        %dma_start3A_292 = tpu.memref_slice %arg9[%dma_start3A_290, %dma_start3A_291] : memref<10240x32xf32, #tpu.memory_space<vmem_shared>> -> memref<10240x32xf32, #tpu.memory_space<vmem_shared>>
        tpu.enqueue_indirect_dma source(%dma_start3A_286 : memref<128x32xf32, #tpu.memory_space<vmem>>) target(%dma_start3A_292 : memref<10240x32xf32, #tpu.memory_space<vmem_shared>>) offsets(%dma_start3A_289 : memref<128xi32, #tpu.memory_space<vmem>>) semaphore(%run_scoped3A_282 : memref<!tpu.dma_semaphore, #tpu.memory_space<semaphore_mem>>) {add = true}
        %dma_wait3A_293 = arith.constant 0 : i32
        %dma_wait3A_294 = arith.constant 0 : i32
        %dma_wait3A_295 = tpu.memref_slice %arg8[%run_scoped3A, %dma_wait3A_293, %dma_wait3A_294] : memref<8x128x32xf32, #tpu.memory_space<vmem>> -> memref<1x128x32xf32, #tpu.memory_space<vmem>>
        %dma_wait3A_296 = tpu.memref_squeeze %dma_wait3A_295 : memref<1x128x32xf32, #tpu.memory_space<vmem>> -> memref<128x32xf32, #tpu.memory_space<vmem>>
        %dma_wait3A_297 = arith.constant 0 : i32
        %dma_wait3A_298 = tpu.memref_slice %arg7[%add3A_182, %dma_wait3A_297] : memref<80x128xi32, #tpu.memory_space<vmem>> -> memref<1x128xi32, #tpu.memory_space<vmem>>
        %dma_wait3A_299 = tpu.memref_squeeze %dma_wait3A_298 : memref<1x128xi32, #tpu.memory_space<vmem>> -> memref<128xi32, #tpu.memory_space<vmem>>
        %dma_wait3A_300 = arith.constant 0 : i32
        %dma_wait3A_301 = arith.constant 0 : i32
        %dma_wait3A_302 = tpu.memref_slice %arg9[%dma_wait3A_300, %dma_wait3A_301] : memref<10240x32xf32, #tpu.memory_space<vmem_shared>> -> memref<10240x32xf32, #tpu.memory_space<vmem_shared>>
        tpu.wait_indirect_dma semaphore(%run_scoped3A_282 : memref<!tpu.dma_semaphore, #tpu.memory_space<semaphore_mem>>) src(%dma_wait3A_296 : memref<128x32xf32, #tpu.memory_space<vmem>>) dst(%dma_wait3A_302 : memref<10240x32xf32, #tpu.memory_space<vmem_shared>>)
        tpu.yield
      }) : () -> ()
      %mul3A_183 = arith.constant 4 : i32
      %mul3A_184 = arith.muli %mul3A_56, %mul3A_183 : i32
      %add3A_185 = arith.constant 1 : i32
      %add3A_186 = arith.addi %mul3A_184, %add3A_185 : i32
      %run_scoped3A_187 = arith.constant 1 : i32
      "tpu.region"() ({
        %run_scoped3A_282 = tpu.sem_alloc : memref<!tpu.dma_semaphore, #tpu.memory_space<semaphore_mem>>
        %dma_start3A_283 = arith.constant 0 : i32
        %dma_start3A_284 = arith.constant 0 : i32
        %dma_start3A_285 = tpu.memref_slice %arg8[%run_scoped3A_187, %dma_start3A_283, %dma_start3A_284] : memref<8x128x32xf32, #tpu.memory_space<vmem>> -> memref<1x128x32xf32, #tpu.memory_space<vmem>>
        %dma_start3A_286 = tpu.memref_squeeze %dma_start3A_285 : memref<1x128x32xf32, #tpu.memory_space<vmem>> -> memref<128x32xf32, #tpu.memory_space<vmem>>
        %dma_start3A_287 = arith.constant 0 : i32
        %dma_start3A_288 = tpu.memref_slice %arg7[%add3A_186, %dma_start3A_287] : memref<80x128xi32, #tpu.memory_space<vmem>> -> memref<1x128xi32, #tpu.memory_space<vmem>>
        %dma_start3A_289 = tpu.memref_squeeze %dma_start3A_288 : memref<1x128xi32, #tpu.memory_space<vmem>> -> memref<128xi32, #tpu.memory_space<vmem>>
        %dma_start3A_290 = arith.constant 0 : i32
        %dma_start3A_291 = arith.constant 0 : i32
        %dma_start3A_292 = tpu.memref_slice %arg9[%dma_start3A_290, %dma_start3A_291] : memref<10240x32xf32, #tpu.memory_space<vmem_shared>> -> memref<10240x32xf32, #tpu.memory_space<vmem_shared>>
        tpu.enqueue_indirect_dma source(%dma_start3A_286 : memref<128x32xf32, #tpu.memory_space<vmem>>) target(%dma_start3A_292 : memref<10240x32xf32, #tpu.memory_space<vmem_shared>>) offsets(%dma_start3A_289 : memref<128xi32, #tpu.memory_space<vmem>>) semaphore(%run_scoped3A_282 : memref<!tpu.dma_semaphore, #tpu.memory_space<semaphore_mem>>) {add = true}
        %dma_wait3A_293 = arith.constant 0 : i32
        %dma_wait3A_294 = arith.constant 0 : i32
        %dma_wait3A_295 = tpu.memref_slice %arg8[%run_scoped3A_187, %dma_wait3A_293, %dma_wait3A_294] : memref<8x128x32xf32, #tpu.memory_space<vmem>> -> memref<1x128x32xf32, #tpu.memory_space<vmem>>
        %dma_wait3A_296 = tpu.memref_squeeze %dma_wait3A_295 : memref<1x128x32xf32, #tpu.memory_space<vmem>> -> memref<128x32xf32, #tpu.memory_space<vmem>>
        %dma_wait3A_297 = arith.constant 0 : i32
        %dma_wait3A_298 = tpu.memref_slice %arg7[%add3A_186, %dma_wait3A_297] : memref<80x128xi32, #tpu.memory_space<vmem>> -> memref<1x128xi32, #tpu.memory_space<vmem>>
        %dma_wait3A_299 = tpu.memref_squeeze %dma_wait3A_298 : memref<1x128xi32, #tpu.memory_space<vmem>> -> memref<128xi32, #tpu.memory_space<vmem>>
        %dma_wait3A_300 = arith.constant 0 : i32
        %dma_wait3A_301 = arith.constant 0 : i32
        %dma_wait3A_302 = tpu.memref_slice %arg9[%dma_wait3A_300, %dma_wait3A_301] : memref<10240x32xf32, #tpu.memory_space<vmem_shared>> -> memref<10240x32xf32, #tpu.memory_space<vmem_shared>>
        tpu.wait_indirect_dma semaphore(%run_scoped3A_282 : memref<!tpu.dma_semaphore, #tpu.memory_space<semaphore_mem>>) src(%dma_wait3A_296 : memref<128x32xf32, #tpu.memory_space<vmem>>) dst(%dma_wait3A_302 : memref<10240x32xf32, #tpu.memory_space<vmem_shared>>)
        tpu.yield
      }) : () -> ()
      %mul3A_188 = arith.constant 4 : i32
      %mul3A_189 = arith.muli %mul3A_56, %mul3A_188 : i32
      %add3A_190 = arith.constant 2 : i32
      %add3A_191 = arith.addi %mul3A_189, %add3A_190 : i32
      %run_scoped3A_192 = arith.constant 2 : i32
      "tpu.region"() ({
        %run_scoped3A_282 = tpu.sem_alloc : memref<!tpu.dma_semaphore, #tpu.memory_space<semaphore_mem>>
        %dma_start3A_283 = arith.constant 0 : i32
        %dma_start3A_284 = arith.constant 0 : i32
        %dma_start3A_285 = tpu.memref_slice %arg8[%run_scoped3A_192, %dma_start3A_283, %dma_start3A_284] : memref<8x128x32xf32, #tpu.memory_space<vmem>> -> memref<1x128x32xf32, #tpu.memory_space<vmem>>
        %dma_start3A_286 = tpu.memref_squeeze %dma_start3A_285 : memref<1x128x32xf32, #tpu.memory_space<vmem>> -> memref<128x32xf32, #tpu.memory_space<vmem>>
        %dma_start3A_287 = arith.constant 0 : i32
        %dma_start3A_288 = tpu.memref_slice %arg7[%add3A_191, %dma_start3A_287] : memref<80x128xi32, #tpu.memory_space<vmem>> -> memref<1x128xi32, #tpu.memory_space<vmem>>
        %dma_start3A_289 = tpu.memref_squeeze %dma_start3A_288 : memref<1x128xi32, #tpu.memory_space<vmem>> -> memref<128xi32, #tpu.memory_space<vmem>>
        %dma_start3A_290 = arith.constant 0 : i32
        %dma_start3A_291 = arith.constant 0 : i32
        %dma_start3A_292 = tpu.memref_slice %arg9[%dma_start3A_290, %dma_start3A_291] : memref<10240x32xf32, #tpu.memory_space<vmem_shared>> -> memref<10240x32xf32, #tpu.memory_space<vmem_shared>>
        tpu.enqueue_indirect_dma source(%dma_start3A_286 : memref<128x32xf32, #tpu.memory_space<vmem>>) target(%dma_start3A_292 : memref<10240x32xf32, #tpu.memory_space<vmem_shared>>) offsets(%dma_start3A_289 : memref<128xi32, #tpu.memory_space<vmem>>) semaphore(%run_scoped3A_282 : memref<!tpu.dma_semaphore, #tpu.memory_space<semaphore_mem>>) {add = true}
        %dma_wait3A_293 = arith.constant 0 : i32
        %dma_wait3A_294 = arith.constant 0 : i32
        %dma_wait3A_295 = tpu.memref_slice %arg8[%run_scoped3A_192, %dma_wait3A_293, %dma_wait3A_294] : memref<8x128x32xf32, #tpu.memory_space<vmem>> -> memref<1x128x32xf32, #tpu.memory_space<vmem>>
        %dma_wait3A_296 = tpu.memref_squeeze %dma_wait3A_295 : memref<1x128x32xf32, #tpu.memory_space<vmem>> -> memref<128x32xf32, #tpu.memory_space<vmem>>
        %dma_wait3A_297 = arith.constant 0 : i32
        %dma_wait3A_298 = tpu.memref_slice %arg7[%add3A_191, %dma_wait3A_297] : memref<80x128xi32, #tpu.memory_space<vmem>> -> memref<1x128xi32, #tpu.memory_space<vmem>>
        %dma_wait3A_299 = tpu.memref_squeeze %dma_wait3A_298 : memref<1x128xi32, #tpu.memory_space<vmem>> -> memref<128xi32, #tpu.memory_space<vmem>>
        %dma_wait3A_300 = arith.constant 0 : i32
        %dma_wait3A_301 = arith.constant 0 : i32
        %dma_wait3A_302 = tpu.memref_slice %arg9[%dma_wait3A_300, %dma_wait3A_301] : memref<10240x32xf32, #tpu.memory_space<vmem_shared>> -> memref<10240x32xf32, #tpu.memory_space<vmem_shared>>
        tpu.wait_indirect_dma semaphore(%run_scoped3A_282 : memref<!tpu.dma_semaphore, #tpu.memory_space<semaphore_mem>>) src(%dma_wait3A_296 : memref<128x32xf32, #tpu.memory_space<vmem>>) dst(%dma_wait3A_302 : memref<10240x32xf32, #tpu.memory_space<vmem_shared>>)
        tpu.yield
      }) : () -> ()
      %mul3A_193 = arith.constant 4 : i32
      %mul3A_194 = arith.muli %mul3A_56, %mul3A_193 : i32
      %add3A_195 = arith.constant 3 : i32
      %add3A_196 = arith.addi %mul3A_194, %add3A_195 : i32
      %run_scoped3A_197 = arith.constant 3 : i32
      "tpu.region"() ({
        %run_scoped3A_282 = tpu.sem_alloc : memref<!tpu.dma_semaphore, #tpu.memory_space<semaphore_mem>>
        %dma_start3A_283 = arith.constant 0 : i32
        %dma_start3A_284 = arith.constant 0 : i32
        %dma_start3A_285 = tpu.memref_slice %arg8[%run_scoped3A_197, %dma_start3A_283, %dma_start3A_284] : memref<8x128x32xf32, #tpu.memory_space<vmem>> -> memref<1x128x32xf32, #tpu.memory_space<vmem>>
        %dma_start3A_286 = tpu.memref_squeeze %dma_start3A_285 : memref<1x128x32xf32, #tpu.memory_space<vmem>> -> memref<128x32xf32, #tpu.memory_space<vmem>>
        %dma_start3A_287 = arith.constant 0 : i32
        %dma_start3A_288 = tpu.memref_slice %arg7[%add3A_196, %dma_start3A_287] : memref<80x128xi32, #tpu.memory_space<vmem>> -> memref<1x128xi32, #tpu.memory_space<vmem>>
        %dma_start3A_289 = tpu.memref_squeeze %dma_start3A_288 : memref<1x128xi32, #tpu.memory_space<vmem>> -> memref<128xi32, #tpu.memory_space<vmem>>
        %dma_start3A_290 = arith.constant 0 : i32
        %dma_start3A_291 = arith.constant 0 : i32
        %dma_start3A_292 = tpu.memref_slice %arg9[%dma_start3A_290, %dma_start3A_291] : memref<10240x32xf32, #tpu.memory_space<vmem_shared>> -> memref<10240x32xf32, #tpu.memory_space<vmem_shared>>
        tpu.enqueue_indirect_dma source(%dma_start3A_286 : memref<128x32xf32, #tpu.memory_space<vmem>>) target(%dma_start3A_292 : memref<10240x32xf32, #tpu.memory_space<vmem_shared>>) offsets(%dma_start3A_289 : memref<128xi32, #tpu.memory_space<vmem>>) semaphore(%run_scoped3A_282 : memref<!tpu.dma_semaphore, #tpu.memory_space<semaphore_mem>>) {add = true}
        %dma_wait3A_293 = arith.constant 0 : i32
        %dma_wait3A_294 = arith.constant 0 : i32
        %dma_wait3A_295 = tpu.memref_slice %arg8[%run_scoped3A_197, %dma_wait3A_293, %dma_wait3A_294] : memref<8x128x32xf32, #tpu.memory_space<vmem>> -> memref<1x128x32xf32, #tpu.memory_space<vmem>>
        %dma_wait3A_296 = tpu.memref_squeeze %dma_wait3A_295 : memref<1x128x32xf32, #tpu.memory_space<vmem>> -> memref<128x32xf32, #tpu.memory_space<vmem>>
        %dma_wait3A_297 = arith.constant 0 : i32
        %dma_wait3A_298 = tpu.memref_slice %arg7[%add3A_196, %dma_wait3A_297] : memref<80x128xi32, #tpu.memory_space<vmem>> -> memref<1x128xi32, #tpu.memory_space<vmem>>
        %dma_wait3A_299 = tpu.memref_squeeze %dma_wait3A_298 : memref<1x128xi32, #tpu.memory_space<vmem>> -> memref<128xi32, #tpu.memory_space<vmem>>
        %dma_wait3A_300 = arith.constant 0 : i32
        %dma_wait3A_301 = arith.constant 0 : i32
        %dma_wait3A_302 = tpu.memref_slice %arg9[%dma_wait3A_300, %dma_wait3A_301] : memref<10240x32xf32, #tpu.memory_space<vmem_shared>> -> memref<10240x32xf32, #tpu.memory_space<vmem_shared>>
        tpu.wait_indirect_dma semaphore(%run_scoped3A_282 : memref<!tpu.dma_semaphore, #tpu.memory_space<semaphore_mem>>) src(%dma_wait3A_296 : memref<128x32xf32, #tpu.memory_space<vmem>>) dst(%dma_wait3A_302 : memref<10240x32xf32, #tpu.memory_space<vmem_shared>>)
        tpu.yield
      }) : () -> ()
      %add3A_198 = arith.constant 1 : i32
      %add3A_199 = arith.addi %add3A_59, %add3A_198 : i32
      %lt3A = arith.constant 20 : i32
      %lt3A_200 = arith.cmpi slt, %add3A_199, %lt3A : i32
      %convert_element_type3A = arith.extui %lt3A_200 : i1 to i32
      %cond3A = arith.constant 0 : i32
      %cond3A_201 = arith.cmpi ne, %convert_element_type3A, %cond3A : i32
      scf.if %cond3A_201 {
        %add3A_282 = arith.constant 1 : i32
        %add3A_283 = arith.addi %add3A_59, %add3A_282 : i32
        %mul3A_284 = arith.constant 4 : i32
        %mul3A_285 = arith.muli %add3A_283, %mul3A_284 : i32
        %add3A_286 = arith.constant 0 : i32
        %add3A_287 = arith.addi %mul3A_285, %add3A_286 : i32
        %dma_start3A_288 = arith.constant 0 : i32
        %dma_start3A_289 = arith.constant 0 : i32
        %dma_start3A_290 = arith.constant 0 : i32
        %dma_start3A_291 = tpu.memref_slice %arg8[%dma_start3A_288, %dma_start3A_289, %dma_start3A_290] : memref<8x128x32xf32, #tpu.memory_space<vmem>> -> memref<1x128x32xf32, #tpu.memory_space<vmem>>
        %dma_start3A_292 = tpu.memref_squeeze %dma_start3A_291 : memref<1x128x32xf32, #tpu.memory_space<vmem>> -> memref<128x32xf32, #tpu.memory_space<vmem>>
        %dma_start3A_293 = arith.constant 0 : i32
        %dma_start3A_294 = tpu.memref_slice %arg6[%add3A_287, %dma_start3A_293] : memref<80x128xi32, #tpu.memory_space<vmem>> -> memref<1x128xi32, #tpu.memory_space<vmem>>
        %dma_start3A_295 = tpu.memref_squeeze %dma_start3A_294 : memref<1x128xi32, #tpu.memory_space<vmem>> -> memref<128xi32, #tpu.memory_space<vmem>>
        %dma_start3A_296 = arith.constant 0 : i32
        %dma_start3A_297 = arith.constant 0 : i32
        %dma_start3A_298 = tpu.memref_slice %arg2[%dma_start3A_296, %dma_start3A_297] : memref<10240x32xf32, #tpu.memory_space<hbm>> -> memref<10240x32xf32, #tpu.memory_space<hbm>>
        tpu.enqueue_indirect_dma source(%dma_start3A_298 : memref<10240x32xf32, #tpu.memory_space<hbm>>) target(%dma_start3A_292 : memref<128x32xf32, #tpu.memory_space<vmem>>) offsets(%dma_start3A_295 : memref<128xi32, #tpu.memory_space<vmem>>) semaphore(%arg10 : memref<!tpu.dma_semaphore, #tpu.memory_space<semaphore_mem>>)
        %mul3A_299 = arith.constant 4 : i32
        %mul3A_300 = arith.muli %add3A_283, %mul3A_299 : i32
        %add3A_301 = arith.constant 1 : i32
        %add3A_302 = arith.addi %mul3A_300, %add3A_301 : i32
        %dma_start3A_303 = arith.constant 1 : i32
        %dma_start3A_304 = arith.constant 0 : i32
        %dma_start3A_305 = arith.constant 0 : i32
        %dma_start3A_306 = tpu.memref_slice %arg8[%dma_start3A_303, %dma_start3A_304, %dma_start3A_305] : memref<8x128x32xf32, #tpu.memory_space<vmem>> -> memref<1x128x32xf32, #tpu.memory_space<vmem>>
        %dma_start3A_307 = tpu.memref_squeeze %dma_start3A_306 : memref<1x128x32xf32, #tpu.memory_space<vmem>> -> memref<128x32xf32, #tpu.memory_space<vmem>>
        %dma_start3A_308 = arith.constant 0 : i32
        %dma_start3A_309 = tpu.memref_slice %arg6[%add3A_302, %dma_start3A_308] : memref<80x128xi32, #tpu.memory_space<vmem>> -> memref<1x128xi32, #tpu.memory_space<vmem>>
        %dma_start3A_310 = tpu.memref_squeeze %dma_start3A_309 : memref<1x128xi32, #tpu.memory_space<vmem>> -> memref<128xi32, #tpu.memory_space<vmem>>
        %dma_start3A_311 = arith.constant 0 : i32
        %dma_start3A_312 = arith.constant 0 : i32
        %dma_start3A_313 = tpu.memref_slice %arg2[%dma_start3A_311, %dma_start3A_312] : memref<10240x32xf32, #tpu.memory_space<hbm>> -> memref<10240x32xf32, #tpu.memory_space<hbm>>
        tpu.enqueue_indirect_dma source(%dma_start3A_313 : memref<10240x32xf32, #tpu.memory_space<hbm>>) target(%dma_start3A_307 : memref<128x32xf32, #tpu.memory_space<vmem>>) offsets(%dma_start3A_310 : memref<128xi32, #tpu.memory_space<vmem>>) semaphore(%arg10 : memref<!tpu.dma_semaphore, #tpu.memory_space<semaphore_mem>>)
        %mul3A_314 = arith.constant 4 : i32
        %mul3A_315 = arith.muli %add3A_283, %mul3A_314 : i32
        %add3A_316 = arith.constant 2 : i32
        %add3A_317 = arith.addi %mul3A_315, %add3A_316 : i32
        %dma_start3A_318 = arith.constant 2 : i32
        %dma_start3A_319 = arith.constant 0 : i32
        %dma_start3A_320 = arith.constant 0 : i32
        %dma_start3A_321 = tpu.memref_slice %arg8[%dma_start3A_318, %dma_start3A_319, %dma_start3A_320] : memref<8x128x32xf32, #tpu.memory_space<vmem>> -> memref<1x128x32xf32, #tpu.memory_space<vmem>>
        %dma_start3A_322 = tpu.memref_squeeze %dma_start3A_321 : memref<1x128x32xf32, #tpu.memory_space<vmem>> -> memref<128x32xf32, #tpu.memory_space<vmem>>
        %dma_start3A_323 = arith.constant 0 : i32
        %dma_start3A_324 = tpu.memref_slice %arg6[%add3A_317, %dma_start3A_323] : memref<80x128xi32, #tpu.memory_space<vmem>> -> memref<1x128xi32, #tpu.memory_space<vmem>>
        %dma_start3A_325 = tpu.memref_squeeze %dma_start3A_324 : memref<1x128xi32, #tpu.memory_space<vmem>> -> memref<128xi32, #tpu.memory_space<vmem>>
        %dma_start3A_326 = arith.constant 0 : i32
        %dma_start3A_327 = arith.constant 0 : i32
        %dma_start3A_328 = tpu.memref_slice %arg2[%dma_start3A_326, %dma_start3A_327] : memref<10240x32xf32, #tpu.memory_space<hbm>> -> memref<10240x32xf32, #tpu.memory_space<hbm>>
        tpu.enqueue_indirect_dma source(%dma_start3A_328 : memref<10240x32xf32, #tpu.memory_space<hbm>>) target(%dma_start3A_322 : memref<128x32xf32, #tpu.memory_space<vmem>>) offsets(%dma_start3A_325 : memref<128xi32, #tpu.memory_space<vmem>>) semaphore(%arg10 : memref<!tpu.dma_semaphore, #tpu.memory_space<semaphore_mem>>)
        %mul3A_329 = arith.constant 4 : i32
        %mul3A_330 = arith.muli %add3A_283, %mul3A_329 : i32
        %add3A_331 = arith.constant 3 : i32
        %add3A_332 = arith.addi %mul3A_330, %add3A_331 : i32
        %dma_start3A_333 = arith.constant 3 : i32
        %dma_start3A_334 = arith.constant 0 : i32
        %dma_start3A_335 = arith.constant 0 : i32
        %dma_start3A_336 = tpu.memref_slice %arg8[%dma_start3A_333, %dma_start3A_334, %dma_start3A_335] : memref<8x128x32xf32, #tpu.memory_space<vmem>> -> memref<1x128x32xf32, #tpu.memory_space<vmem>>
        %dma_start3A_337 = tpu.memref_squeeze %dma_start3A_336 : memref<1x128x32xf32, #tpu.memory_space<vmem>> -> memref<128x32xf32, #tpu.memory_space<vmem>>
        %dma_start3A_338 = arith.constant 0 : i32
        %dma_start3A_339 = tpu.memref_slice %arg6[%add3A_332, %dma_start3A_338] : memref<80x128xi32, #tpu.memory_space<vmem>> -> memref<1x128xi32, #tpu.memory_space<vmem>>
        %dma_start3A_340 = tpu.memref_squeeze %dma_start3A_339 : memref<1x128xi32, #tpu.memory_space<vmem>> -> memref<128xi32, #tpu.memory_space<vmem>>
        %dma_start3A_341 = arith.constant 0 : i32
        %dma_start3A_342 = arith.constant 0 : i32
        %dma_start3A_343 = tpu.memref_slice %arg2[%dma_start3A_341, %dma_start3A_342] : memref<10240x32xf32, #tpu.memory_space<hbm>> -> memref<10240x32xf32, #tpu.memory_space<hbm>>
        tpu.enqueue_indirect_dma source(%dma_start3A_343 : memref<10240x32xf32, #tpu.memory_space<hbm>>) target(%dma_start3A_337 : memref<128x32xf32, #tpu.memory_space<vmem>>) offsets(%dma_start3A_340 : memref<128xi32, #tpu.memory_space<vmem>>) semaphore(%arg10 : memref<!tpu.dma_semaphore, #tpu.memory_space<semaphore_mem>>)
      } else {
      }
      %mul3A_202 = arith.constant 4 : i32
      %mul3A_203 = arith.muli %add3A_59, %mul3A_202 : i32
      %add3A_204 = arith.constant 0 : i32
      %add3A_205 = arith.addi %mul3A_203, %add3A_204 : i32
      %dma_wait3A_206 = arith.constant 4 : i32
      %dma_wait3A_207 = arith.constant 0 : i32
      %dma_wait3A_208 = arith.constant 0 : i32
      %dma_wait3A_209 = tpu.memref_slice %arg8[%dma_wait3A_206, %dma_wait3A_207, %dma_wait3A_208] : memref<8x128x32xf32, #tpu.memory_space<vmem>> -> memref<1x128x32xf32, #tpu.memory_space<vmem>>
      %dma_wait3A_210 = tpu.memref_squeeze %dma_wait3A_209 : memref<1x128x32xf32, #tpu.memory_space<vmem>> -> memref<128x32xf32, #tpu.memory_space<vmem>>
      %dma_wait3A_211 = arith.constant 0 : i32
      %dma_wait3A_212 = tpu.memref_slice %arg6[%add3A_205, %dma_wait3A_211] : memref<80x128xi32, #tpu.memory_space<vmem>> -> memref<1x128xi32, #tpu.memory_space<vmem>>
      %dma_wait3A_213 = tpu.memref_squeeze %dma_wait3A_212 : memref<1x128xi32, #tpu.memory_space<vmem>> -> memref<128xi32, #tpu.memory_space<vmem>>
      %dma_wait3A_214 = arith.constant 0 : i32
      %dma_wait3A_215 = arith.constant 0 : i32
      %dma_wait3A_216 = tpu.memref_slice %arg2[%dma_wait3A_214, %dma_wait3A_215] : memref<10240x32xf32, #tpu.memory_space<hbm>> -> memref<10240x32xf32, #tpu.memory_space<hbm>>
      tpu.wait_indirect_dma semaphore(%arg11 : memref<!tpu.dma_semaphore, #tpu.memory_space<semaphore_mem>>) src(%dma_wait3A_216 : memref<10240x32xf32, #tpu.memory_space<hbm>>) dst(%dma_wait3A_210 : memref<128x32xf32, #tpu.memory_space<vmem>>)
      %mul3A_217 = arith.constant 4 : i32
      %mul3A_218 = arith.muli %add3A_59, %mul3A_217 : i32
      %add3A_219 = arith.constant 1 : i32
      %add3A_220 = arith.addi %mul3A_218, %add3A_219 : i32
      %dma_wait3A_221 = arith.constant 5 : i32
      %dma_wait3A_222 = arith.constant 0 : i32
      %dma_wait3A_223 = arith.constant 0 : i32
      %dma_wait3A_224 = tpu.memref_slice %arg8[%dma_wait3A_221, %dma_wait3A_222, %dma_wait3A_223] : memref<8x128x32xf32, #tpu.memory_space<vmem>> -> memref<1x128x32xf32, #tpu.memory_space<vmem>>
      %dma_wait3A_225 = tpu.memref_squeeze %dma_wait3A_224 : memref<1x128x32xf32, #tpu.memory_space<vmem>> -> memref<128x32xf32, #tpu.memory_space<vmem>>
      %dma_wait3A_226 = arith.constant 0 : i32
      %dma_wait3A_227 = tpu.memref_slice %arg6[%add3A_220, %dma_wait3A_226] : memref<80x128xi32, #tpu.memory_space<vmem>> -> memref<1x128xi32, #tpu.memory_space<vmem>>
      %dma_wait3A_228 = tpu.memref_squeeze %dma_wait3A_227 : memref<1x128xi32, #tpu.memory_space<vmem>> -> memref<128xi32, #tpu.memory_space<vmem>>
      %dma_wait3A_229 = arith.constant 0 : i32
      %dma_wait3A_230 = arith.constant 0 : i32
      %dma_wait3A_231 = tpu.memref_slice %arg2[%dma_wait3A_229, %dma_wait3A_230] : memref<10240x32xf32, #tpu.memory_space<hbm>> -> memref<10240x32xf32, #tpu.memory_space<hbm>>
      tpu.wait_indirect_dma semaphore(%arg11 : memref<!tpu.dma_semaphore, #tpu.memory_space<semaphore_mem>>) src(%dma_wait3A_231 : memref<10240x32xf32, #tpu.memory_space<hbm>>) dst(%dma_wait3A_225 : memref<128x32xf32, #tpu.memory_space<vmem>>)
      %mul3A_232 = arith.constant 4 : i32
      %mul3A_233 = arith.muli %add3A_59, %mul3A_232 : i32
      %add3A_234 = arith.constant 2 : i32
      %add3A_235 = arith.addi %mul3A_233, %add3A_234 : i32
      %dma_wait3A_236 = arith.constant 6 : i32
      %dma_wait3A_237 = arith.constant 0 : i32
      %dma_wait3A_238 = arith.constant 0 : i32
      %dma_wait3A_239 = tpu.memref_slice %arg8[%dma_wait3A_236, %dma_wait3A_237, %dma_wait3A_238] : memref<8x128x32xf32, #tpu.memory_space<vmem>> -> memref<1x128x32xf32, #tpu.memory_space<vmem>>
      %dma_wait3A_240 = tpu.memref_squeeze %dma_wait3A_239 : memref<1x128x32xf32, #tpu.memory_space<vmem>> -> memref<128x32xf32, #tpu.memory_space<vmem>>
      %dma_wait3A_241 = arith.constant 0 : i32
      %dma_wait3A_242 = tpu.memref_slice %arg6[%add3A_235, %dma_wait3A_241] : memref<80x128xi32, #tpu.memory_space<vmem>> -> memref<1x128xi32, #tpu.memory_space<vmem>>
      %dma_wait3A_243 = tpu.memref_squeeze %dma_wait3A_242 : memref<1x128xi32, #tpu.memory_space<vmem>> -> memref<128xi32, #tpu.memory_space<vmem>>
      %dma_wait3A_244 = arith.constant 0 : i32
      %dma_wait3A_245 = arith.constant 0 : i32
      %dma_wait3A_246 = tpu.memref_slice %arg2[%dma_wait3A_244, %dma_wait3A_245] : memref<10240x32xf32, #tpu.memory_space<hbm>> -> memref<10240x32xf32, #tpu.memory_space<hbm>>
      tpu.wait_indirect_dma semaphore(%arg11 : memref<!tpu.dma_semaphore, #tpu.memory_space<semaphore_mem>>) src(%dma_wait3A_246 : memref<10240x32xf32, #tpu.memory_space<hbm>>) dst(%dma_wait3A_240 : memref<128x32xf32, #tpu.memory_space<vmem>>)
      %mul3A_247 = arith.constant 4 : i32
      %mul3A_248 = arith.muli %add3A_59, %mul3A_247 : i32
      %add3A_249 = arith.constant 3 : i32
      %add3A_250 = arith.addi %mul3A_248, %add3A_249 : i32
      %dma_wait3A_251 = arith.constant 7 : i32
      %dma_wait3A_252 = arith.constant 0 : i32
      %dma_wait3A_253 = arith.constant 0 : i32
      %dma_wait3A_254 = tpu.memref_slice %arg8[%dma_wait3A_251, %dma_wait3A_252, %dma_wait3A_253] : memref<8x128x32xf32, #tpu.memory_space<vmem>> -> memref<1x128x32xf32, #tpu.memory_space<vmem>>
      %dma_wait3A_255 = tpu.memref_squeeze %dma_wait3A_254 : memref<1x128x32xf32, #tpu.memory_space<vmem>> -> memref<128x32xf32, #tpu.memory_space<vmem>>
      %dma_wait3A_256 = arith.constant 0 : i32
      %dma_wait3A_257 = tpu.memref_slice %arg6[%add3A_250, %dma_wait3A_256] : memref<80x128xi32, #tpu.memory_space<vmem>> -> memref<1x128xi32, #tpu.memory_space<vmem>>
      %dma_wait3A_258 = tpu.memref_squeeze %dma_wait3A_257 : memref<1x128xi32, #tpu.memory_space<vmem>> -> memref<128xi32, #tpu.memory_space<vmem>>
      %dma_wait3A_259 = arith.constant 0 : i32
      %dma_wait3A_260 = arith.constant 0 : i32
      %dma_wait3A_261 = tpu.memref_slice %arg2[%dma_wait3A_259, %dma_wait3A_260] : memref<10240x32xf32, #tpu.memory_space<hbm>> -> memref<10240x32xf32, #tpu.memory_space<hbm>>
      tpu.wait_indirect_dma semaphore(%arg11 : memref<!tpu.dma_semaphore, #tpu.memory_space<semaphore_mem>>) src(%dma_wait3A_261 : memref<10240x32xf32, #tpu.memory_space<hbm>>) dst(%dma_wait3A_255 : memref<128x32xf32, #tpu.memory_space<vmem>>)
      %mul3A_262 = arith.constant 4 : i32
      %mul3A_263 = arith.muli %add3A_59, %mul3A_262 : i32
      %add3A_264 = arith.constant 0 : i32
      %add3A_265 = arith.addi %mul3A_263, %add3A_264 : i32
      %run_scoped3A_266 = arith.constant 4 : i32
      "tpu.region"() ({
        %run_scoped3A_282 = tpu.sem_alloc : memref<!tpu.dma_semaphore, #tpu.memory_space<semaphore_mem>>
        %dma_start3A_283 = arith.constant 0 : i32
        %dma_start3A_284 = arith.constant 0 : i32
        %dma_start3A_285 = tpu.memref_slice %arg8[%run_scoped3A_266, %dma_start3A_283, %dma_start3A_284] : memref<8x128x32xf32, #tpu.memory_space<vmem>> -> memref<1x128x32xf32, #tpu.memory_space<vmem>>
        %dma_start3A_286 = tpu.memref_squeeze %dma_start3A_285 : memref<1x128x32xf32, #tpu.memory_space<vmem>> -> memref<128x32xf32, #tpu.memory_space<vmem>>
        %dma_start3A_287 = arith.constant 0 : i32
        %dma_start3A_288 = tpu.memref_slice %arg7[%add3A_265, %dma_start3A_287] : memref<80x128xi32, #tpu.memory_space<vmem>> -> memref<1x128xi32, #tpu.memory_space<vmem>>
        %dma_start3A_289 = tpu.memref_squeeze %dma_start3A_288 : memref<1x128xi32, #tpu.memory_space<vmem>> -> memref<128xi32, #tpu.memory_space<vmem>>
        %dma_start3A_290 = arith.constant 0 : i32
        %dma_start3A_291 = arith.constant 0 : i32
        %dma_start3A_292 = tpu.memref_slice %arg9[%dma_start3A_290, %dma_start3A_291] : memref<10240x32xf32, #tpu.memory_space<vmem_shared>> -> memref<10240x32xf32, #tpu.memory_space<vmem_shared>>
        tpu.enqueue_indirect_dma source(%dma_start3A_286 : memref<128x32xf32, #tpu.memory_space<vmem>>) target(%dma_start3A_292 : memref<10240x32xf32, #tpu.memory_space<vmem_shared>>) offsets(%dma_start3A_289 : memref<128xi32, #tpu.memory_space<vmem>>) semaphore(%run_scoped3A_282 : memref<!tpu.dma_semaphore, #tpu.memory_space<semaphore_mem>>) {add = true}
        %dma_wait3A_293 = arith.constant 0 : i32
        %dma_wait3A_294 = arith.constant 0 : i32
        %dma_wait3A_295 = tpu.memref_slice %arg8[%run_scoped3A_266, %dma_wait3A_293, %dma_wait3A_294] : memref<8x128x32xf32, #tpu.memory_space<vmem>> -> memref<1x128x32xf32, #tpu.memory_space<vmem>>
        %dma_wait3A_296 = tpu.memref_squeeze %dma_wait3A_295 : memref<1x128x32xf32, #tpu.memory_space<vmem>> -> memref<128x32xf32, #tpu.memory_space<vmem>>
        %dma_wait3A_297 = arith.constant 0 : i32
        %dma_wait3A_298 = tpu.memref_slice %arg7[%add3A_265, %dma_wait3A_297] : memref<80x128xi32, #tpu.memory_space<vmem>> -> memref<1x128xi32, #tpu.memory_space<vmem>>
        %dma_wait3A_299 = tpu.memref_squeeze %dma_wait3A_298 : memref<1x128xi32, #tpu.memory_space<vmem>> -> memref<128xi32, #tpu.memory_space<vmem>>
        %dma_wait3A_300 = arith.constant 0 : i32
        %dma_wait3A_301 = arith.constant 0 : i32
        %dma_wait3A_302 = tpu.memref_slice %arg9[%dma_wait3A_300, %dma_wait3A_301] : memref<10240x32xf32, #tpu.memory_space<vmem_shared>> -> memref<10240x32xf32, #tpu.memory_space<vmem_shared>>
        tpu.wait_indirect_dma semaphore(%run_scoped3A_282 : memref<!tpu.dma_semaphore, #tpu.memory_space<semaphore_mem>>) src(%dma_wait3A_296 : memref<128x32xf32, #tpu.memory_space<vmem>>) dst(%dma_wait3A_302 : memref<10240x32xf32, #tpu.memory_space<vmem_shared>>)
        tpu.yield
      }) : () -> ()
      %mul3A_267 = arith.constant 4 : i32
      %mul3A_268 = arith.muli %add3A_59, %mul3A_267 : i32
      %add3A_269 = arith.constant 1 : i32
      %add3A_270 = arith.addi %mul3A_268, %add3A_269 : i32
      %run_scoped3A_271 = arith.constant 5 : i32
      "tpu.region"() ({
        %run_scoped3A_282 = tpu.sem_alloc : memref<!tpu.dma_semaphore, #tpu.memory_space<semaphore_mem>>
        %dma_start3A_283 = arith.constant 0 : i32
        %dma_start3A_284 = arith.constant 0 : i32
        %dma_start3A_285 = tpu.memref_slice %arg8[%run_scoped3A_271, %dma_start3A_283, %dma_start3A_284] : memref<8x128x32xf32, #tpu.memory_space<vmem>> -> memref<1x128x32xf32, #tpu.memory_space<vmem>>
        %dma_start3A_286 = tpu.memref_squeeze %dma_start3A_285 : memref<1x128x32xf32, #tpu.memory_space<vmem>> -> memref<128x32xf32, #tpu.memory_space<vmem>>
        %dma_start3A_287 = arith.constant 0 : i32
        %dma_start3A_288 = tpu.memref_slice %arg7[%add3A_270, %dma_start3A_287] : memref<80x128xi32, #tpu.memory_space<vmem>> -> memref<1x128xi32, #tpu.memory_space<vmem>>
        %dma_start3A_289 = tpu.memref_squeeze %dma_start3A_288 : memref<1x128xi32, #tpu.memory_space<vmem>> -> memref<128xi32, #tpu.memory_space<vmem>>
        %dma_start3A_290 = arith.constant 0 : i32
        %dma_start3A_291 = arith.constant 0 : i32
        %dma_start3A_292 = tpu.memref_slice %arg9[%dma_start3A_290, %dma_start3A_291] : memref<10240x32xf32, #tpu.memory_space<vmem_shared>> -> memref<10240x32xf32, #tpu.memory_space<vmem_shared>>
        tpu.enqueue_indirect_dma source(%dma_start3A_286 : memref<128x32xf32, #tpu.memory_space<vmem>>) target(%dma_start3A_292 : memref<10240x32xf32, #tpu.memory_space<vmem_shared>>) offsets(%dma_start3A_289 : memref<128xi32, #tpu.memory_space<vmem>>) semaphore(%run_scoped3A_282 : memref<!tpu.dma_semaphore, #tpu.memory_space<semaphore_mem>>) {add = true}
        %dma_wait3A_293 = arith.constant 0 : i32
        %dma_wait3A_294 = arith.constant 0 : i32
        %dma_wait3A_295 = tpu.memref_slice %arg8[%run_scoped3A_271, %dma_wait3A_293, %dma_wait3A_294] : memref<8x128x32xf32, #tpu.memory_space<vmem>> -> memref<1x128x32xf32, #tpu.memory_space<vmem>>
        %dma_wait3A_296 = tpu.memref_squeeze %dma_wait3A_295 : memref<1x128x32xf32, #tpu.memory_space<vmem>> -> memref<128x32xf32, #tpu.memory_space<vmem>>
        %dma_wait3A_297 = arith.constant 0 : i32
        %dma_wait3A_298 = tpu.memref_slice %arg7[%add3A_270, %dma_wait3A_297] : memref<80x128xi32, #tpu.memory_space<vmem>> -> memref<1x128xi32, #tpu.memory_space<vmem>>
        %dma_wait3A_299 = tpu.memref_squeeze %dma_wait3A_298 : memref<1x128xi32, #tpu.memory_space<vmem>> -> memref<128xi32, #tpu.memory_space<vmem>>
        %dma_wait3A_300 = arith.constant 0 : i32
        %dma_wait3A_301 = arith.constant 0 : i32
        %dma_wait3A_302 = tpu.memref_slice %arg9[%dma_wait3A_300, %dma_wait3A_301] : memref<10240x32xf32, #tpu.memory_space<vmem_shared>> -> memref<10240x32xf32, #tpu.memory_space<vmem_shared>>
        tpu.wait_indirect_dma semaphore(%run_scoped3A_282 : memref<!tpu.dma_semaphore, #tpu.memory_space<semaphore_mem>>) src(%dma_wait3A_296 : memref<128x32xf32, #tpu.memory_space<vmem>>) dst(%dma_wait3A_302 : memref<10240x32xf32, #tpu.memory_space<vmem_shared>>)
        tpu.yield
      }) : () -> ()
      %mul3A_272 = arith.constant 4 : i32
      %mul3A_273 = arith.muli %add3A_59, %mul3A_272 : i32
      %add3A_274 = arith.constant 2 : i32
      %add3A_275 = arith.addi %mul3A_273, %add3A_274 : i32
      %run_scoped3A_276 = arith.constant 6 : i32
      "tpu.region"() ({
        %run_scoped3A_282 = tpu.sem_alloc : memref<!tpu.dma_semaphore, #tpu.memory_space<semaphore_mem>>
        %dma_start3A_283 = arith.constant 0 : i32
        %dma_start3A_284 = arith.constant 0 : i32
        %dma_start3A_285 = tpu.memref_slice %arg8[%run_scoped3A_276, %dma_start3A_283, %dma_start3A_284] : memref<8x128x32xf32, #tpu.memory_space<vmem>> -> memref<1x128x32xf32, #tpu.memory_space<vmem>>
        %dma_start3A_286 = tpu.memref_squeeze %dma_start3A_285 : memref<1x128x32xf32, #tpu.memory_space<vmem>> -> memref<128x32xf32, #tpu.memory_space<vmem>>
        %dma_start3A_287 = arith.constant 0 : i32
        %dma_start3A_288 = tpu.memref_slice %arg7[%add3A_275, %dma_start3A_287] : memref<80x128xi32, #tpu.memory_space<vmem>> -> memref<1x128xi32, #tpu.memory_space<vmem>>
        %dma_start3A_289 = tpu.memref_squeeze %dma_start3A_288 : memref<1x128xi32, #tpu.memory_space<vmem>> -> memref<128xi32, #tpu.memory_space<vmem>>
        %dma_start3A_290 = arith.constant 0 : i32
        %dma_start3A_291 = arith.constant 0 : i32
        %dma_start3A_292 = tpu.memref_slice %arg9[%dma_start3A_290, %dma_start3A_291] : memref<10240x32xf32, #tpu.memory_space<vmem_shared>> -> memref<10240x32xf32, #tpu.memory_space<vmem_shared>>
        tpu.enqueue_indirect_dma source(%dma_start3A_286 : memref<128x32xf32, #tpu.memory_space<vmem>>) target(%dma_start3A_292 : memref<10240x32xf32, #tpu.memory_space<vmem_shared>>) offsets(%dma_start3A_289 : memref<128xi32, #tpu.memory_space<vmem>>) semaphore(%run_scoped3A_282 : memref<!tpu.dma_semaphore, #tpu.memory_space<semaphore_mem>>) {add = true}
        %dma_wait3A_293 = arith.constant 0 : i32
        %dma_wait3A_294 = arith.constant 0 : i32
        %dma_wait3A_295 = tpu.memref_slice %arg8[%run_scoped3A_276, %dma_wait3A_293, %dma_wait3A_294] : memref<8x128x32xf32, #tpu.memory_space<vmem>> -> memref<1x128x32xf32, #tpu.memory_space<vmem>>
        %dma_wait3A_296 = tpu.memref_squeeze %dma_wait3A_295 : memref<1x128x32xf32, #tpu.memory_space<vmem>> -> memref<128x32xf32, #tpu.memory_space<vmem>>
        %dma_wait3A_297 = arith.constant 0 : i32
        %dma_wait3A_298 = tpu.memref_slice %arg7[%add3A_275, %dma_wait3A_297] : memref<80x128xi32, #tpu.memory_space<vmem>> -> memref<1x128xi32, #tpu.memory_space<vmem>>
        %dma_wait3A_299 = tpu.memref_squeeze %dma_wait3A_298 : memref<1x128xi32, #tpu.memory_space<vmem>> -> memref<128xi32, #tpu.memory_space<vmem>>
        %dma_wait3A_300 = arith.constant 0 : i32
        %dma_wait3A_301 = arith.constant 0 : i32
        %dma_wait3A_302 = tpu.memref_slice %arg9[%dma_wait3A_300, %dma_wait3A_301] : memref<10240x32xf32, #tpu.memory_space<vmem_shared>> -> memref<10240x32xf32, #tpu.memory_space<vmem_shared>>
        tpu.wait_indirect_dma semaphore(%run_scoped3A_282 : memref<!tpu.dma_semaphore, #tpu.memory_space<semaphore_mem>>) src(%dma_wait3A_296 : memref<128x32xf32, #tpu.memory_space<vmem>>) dst(%dma_wait3A_302 : memref<10240x32xf32, #tpu.memory_space<vmem_shared>>)
        tpu.yield
      }) : () -> ()
      %mul3A_277 = arith.constant 4 : i32
      %mul3A_278 = arith.muli %add3A_59, %mul3A_277 : i32
      %add3A_279 = arith.constant 3 : i32
      %add3A_280 = arith.addi %mul3A_278, %add3A_279 : i32
      %run_scoped3A_281 = arith.constant 7 : i32
      "tpu.region"() ({
        %run_scoped3A_282 = tpu.sem_alloc : memref<!tpu.dma_semaphore, #tpu.memory_space<semaphore_mem>>
        %dma_start3A_283 = arith.constant 0 : i32
        %dma_start3A_284 = arith.constant 0 : i32
        %dma_start3A_285 = tpu.memref_slice %arg8[%run_scoped3A_281, %dma_start3A_283, %dma_start3A_284] : memref<8x128x32xf32, #tpu.memory_space<vmem>> -> memref<1x128x32xf32, #tpu.memory_space<vmem>>
        %dma_start3A_286 = tpu.memref_squeeze %dma_start3A_285 : memref<1x128x32xf32, #tpu.memory_space<vmem>> -> memref<128x32xf32, #tpu.memory_space<vmem>>
        %dma_start3A_287 = arith.constant 0 : i32
        %dma_start3A_288 = tpu.memref_slice %arg7[%add3A_280, %dma_start3A_287] : memref<80x128xi32, #tpu.memory_space<vmem>> -> memref<1x128xi32, #tpu.memory_space<vmem>>
        %dma_start3A_289 = tpu.memref_squeeze %dma_start3A_288 : memref<1x128xi32, #tpu.memory_space<vmem>> -> memref<128xi32, #tpu.memory_space<vmem>>
        %dma_start3A_290 = arith.constant 0 : i32
        %dma_start3A_291 = arith.constant 0 : i32
        %dma_start3A_292 = tpu.memref_slice %arg9[%dma_start3A_290, %dma_start3A_291] : memref<10240x32xf32, #tpu.memory_space<vmem_shared>> -> memref<10240x32xf32, #tpu.memory_space<vmem_shared>>
        tpu.enqueue_indirect_dma source(%dma_start3A_286 : memref<128x32xf32, #tpu.memory_space<vmem>>) target(%dma_start3A_292 : memref<10240x32xf32, #tpu.memory_space<vmem_shared>>) offsets(%dma_start3A_289 : memref<128xi32, #tpu.memory_space<vmem>>) semaphore(%run_scoped3A_282 : memref<!tpu.dma_semaphore, #tpu.memory_space<semaphore_mem>>) {add = true}
        %dma_wait3A_293 = arith.constant 0 : i32
        %dma_wait3A_294 = arith.constant 0 : i32
        %dma_wait3A_295 = tpu.memref_slice %arg8[%run_scoped3A_281, %dma_wait3A_293, %dma_wait3A_294] : memref<8x128x32xf32, #tpu.memory_space<vmem>> -> memref<1x128x32xf32, #tpu.memory_space<vmem>>
        %dma_wait3A_296 = tpu.memref_squeeze %dma_wait3A_295 : memref<1x128x32xf32, #tpu.memory_space<vmem>> -> memref<128x32xf32, #tpu.memory_space<vmem>>
        %dma_wait3A_297 = arith.constant 0 : i32
        %dma_wait3A_298 = tpu.memref_slice %arg7[%add3A_280, %dma_wait3A_297] : memref<80x128xi32, #tpu.memory_space<vmem>> -> memref<1x128xi32, #tpu.memory_space<vmem>>
        %dma_wait3A_299 = tpu.memref_squeeze %dma_wait3A_298 : memref<1x128xi32, #tpu.memory_space<vmem>> -> memref<128xi32, #tpu.memory_space<vmem>>
        %dma_wait3A_300 = arith.constant 0 : i32
        %dma_wait3A_301 = arith.constant 0 : i32
        %dma_wait3A_302 = tpu.memref_slice %arg9[%dma_wait3A_300, %dma_wait3A_301] : memref<10240x32xf32, #tpu.memory_space<vmem_shared>> -> memref<10240x32xf32, #tpu.memory_space<vmem_shared>>
        tpu.wait_indirect_dma semaphore(%run_scoped3A_282 : memref<!tpu.dma_semaphore, #tpu.memory_space<semaphore_mem>>) src(%dma_wait3A_296 : memref<128x32xf32, #tpu.memory_space<vmem>>) dst(%dma_wait3A_302 : memref<10240x32xf32, #tpu.memory_space<vmem_shared>>)
        tpu.yield
      }) : () -> ()
    }
    %scan3A_52 = arith.constant 10 : i32
    %barrier3A_53 = arith.constant 0 : index
    tpu.barrier barrier_id(%barrier3A_53)
    "tpu.region"() ({
      %run_scoped3A = tpu.sem_alloc : memref<!tpu.dma_semaphore, #tpu.memory_space<semaphore_mem>>
      %dma_start3A_54 = arith.constant 0 : i32
      %dma_start3A_55 = tpu.memref_slice %arg5[%arg0, %mul3A_0, %dma_start3A_54] : memref<2x10240x32xf32, #tpu.memory_space<hbm>> -> memref<1x640x32xf32, #tpu.memory_space<hbm>>
      %dma_start3A_56 = tpu.memref_squeeze %dma_start3A_55 : memref<1x640x32xf32, #tpu.memory_space<hbm>> -> memref<640x32xf32, #tpu.memory_space<hbm>>
      %dma_start3A_57 = arith.constant 0 : i32
      %dma_start3A_58 = tpu.memref_slice %arg9[%mul3A_0, %dma_start3A_57] : memref<10240x32xf32, #tpu.memory_space<vmem_shared>> -> memref<640x32xf32, #tpu.memory_space<vmem_shared>>
      tpu.enqueue_dma source(%dma_start3A_58 : memref<640x32xf32, #tpu.memory_space<vmem_shared>>) target(%dma_start3A_56 : memref<640x32xf32, #tpu.memory_space<hbm>>) target_semaphore(%run_scoped3A : memref<!tpu.dma_semaphore, #tpu.memory_space<semaphore_mem>>)
      %dma_wait3A = arith.constant 0 : i32
      %dma_wait3A_59 = tpu.memref_slice %arg5[%arg0, %mul3A_0, %dma_wait3A] : memref<2x10240x32xf32, #tpu.memory_space<hbm>> -> memref<1x640x32xf32, #tpu.memory_space<hbm>>
      %dma_wait3A_60 = tpu.memref_squeeze %dma_wait3A_59 : memref<1x640x32xf32, #tpu.memory_space<hbm>> -> memref<640x32xf32, #tpu.memory_space<hbm>>
      %dma_wait3A_61 = arith.constant 0 : i32
      %dma_wait3A_62 = tpu.memref_slice %arg9[%mul3A_0, %dma_wait3A_61] : memref<10240x32xf32, #tpu.memory_space<vmem_shared>> -> memref<640x32xf32, #tpu.memory_space<vmem_shared>>
      tpu.wait_dma2 semaphore(%run_scoped3A : memref<!tpu.dma_semaphore, #tpu.memory_space<semaphore_mem>>) src(%dma_wait3A_62 : memref<640x32xf32, #tpu.memory_space<vmem_shared>>) dst(%dma_wait3A_60 : memref<640x32xf32, #tpu.memory_space<hbm>>)
      tpu.yield
    }) : () -> ()
    return
  }
}

#map = affine_map<(d0, d1) -> (0, 0)>
#map1 = affine_map<(d0, d1) -> (0, 0, 0, 0)>
#map2 = affine_map<(d0, d1) -> (0, 0, 0)>
module attributes {stable_mosaic.version = 14 : i64} {
  func.func @_deg_kernel(%arg0: i32, %arg1: i32, %arg2: memref<128x8xf32, #tpu.memory_space<hbm>>, %arg3: memref<10240x8xf32, #tpu.memory_space<hbm>>, %arg4: memref<2x16x80x128xi32, #tpu.memory_space<hbm>>, %arg5: memref<2x10240x8xf32, #tpu.memory_space<hbm>>, %arg6: memref<80x128xi32, #tpu.memory_space<vmem>>, %arg7: memref<128x8xf32, #tpu.memory_space<vmem>>, %arg8: memref<10240x8xf32, #tpu.memory_space<vmem_shared>>, %arg9: memref<!tpu.dma_semaphore, #tpu.memory_space<semaphore_mem>>) attributes {dimension_semantics = [#tpu.dimension_semantics<core_parallel>, #tpu.dimension_semantics<subcore_parallel>], iteration_bounds = array<i64: 2, 16>, scalar_prefetch = 0 : i64, scratch_operands = 4 : i64, tpu.core_type = #tpu.core_type<sc_vector_subcore>, window_params = [{transform_indices = #map}, {transform_indices = #map}, {transform_indices = #map1}, {transform_indices = #map2}]} {
    %mul3A = arith.constant 640 : i32
    %mul3A_0 = arith.muli %arg1, %mul3A : i32
    "tpu.region"() ({
      %run_scoped3A = tpu.sem_alloc : memref<!tpu.dma_semaphore, #tpu.memory_space<semaphore_mem>>
      %dma_start3A = arith.constant 0 : i32
      %dma_start3A_7 = tpu.memref_slice %arg8[%mul3A_0, %dma_start3A] : memref<10240x8xf32, #tpu.memory_space<vmem_shared>> -> memref<640x8xf32, #tpu.memory_space<vmem_shared>>
      %dma_start3A_8 = arith.constant 0 : i32
      %dma_start3A_9 = tpu.memref_slice %arg3[%mul3A_0, %dma_start3A_8] : memref<10240x8xf32, #tpu.memory_space<hbm>> -> memref<640x8xf32, #tpu.memory_space<hbm>>
      tpu.enqueue_dma source(%dma_start3A_9 : memref<640x8xf32, #tpu.memory_space<hbm>>) target(%dma_start3A_7 : memref<640x8xf32, #tpu.memory_space<vmem_shared>>) target_semaphore(%run_scoped3A : memref<!tpu.dma_semaphore, #tpu.memory_space<semaphore_mem>>)
      %dma_wait3A = arith.constant 0 : i32
      %dma_wait3A_10 = tpu.memref_slice %arg8[%mul3A_0, %dma_wait3A] : memref<10240x8xf32, #tpu.memory_space<vmem_shared>> -> memref<640x8xf32, #tpu.memory_space<vmem_shared>>
      %dma_wait3A_11 = arith.constant 0 : i32
      %dma_wait3A_12 = tpu.memref_slice %arg3[%mul3A_0, %dma_wait3A_11] : memref<10240x8xf32, #tpu.memory_space<hbm>> -> memref<640x8xf32, #tpu.memory_space<hbm>>
      tpu.wait_dma2 semaphore(%run_scoped3A : memref<!tpu.dma_semaphore, #tpu.memory_space<semaphore_mem>>) src(%dma_wait3A_12 : memref<640x8xf32, #tpu.memory_space<hbm>>) dst(%dma_wait3A_10 : memref<640x8xf32, #tpu.memory_space<vmem_shared>>)
      tpu.yield
    }) : () -> ()
    "tpu.region"() ({
      %run_scoped3A = tpu.sem_alloc : memref<!tpu.dma_semaphore, #tpu.memory_space<semaphore_mem>>
      tpu.enqueue_dma source(%arg2 : memref<128x8xf32, #tpu.memory_space<hbm>>) target(%arg7 : memref<128x8xf32, #tpu.memory_space<vmem>>) target_semaphore(%run_scoped3A : memref<!tpu.dma_semaphore, #tpu.memory_space<semaphore_mem>>)
      tpu.wait_dma2 semaphore(%run_scoped3A : memref<!tpu.dma_semaphore, #tpu.memory_space<semaphore_mem>>) src(%arg2 : memref<128x8xf32, #tpu.memory_space<hbm>>) dst(%arg7 : memref<128x8xf32, #tpu.memory_space<vmem>>)
      tpu.yield
    }) : () -> ()
    "tpu.region"() ({
      %run_scoped3A = tpu.sem_alloc : memref<!tpu.dma_semaphore, #tpu.memory_space<semaphore_mem>>
      %dma_start3A = arith.constant 0 : i32
      %dma_start3A_7 = arith.constant 0 : i32
      %dma_start3A_8 = tpu.memref_slice %arg4[%arg0, %arg1, %dma_start3A, %dma_start3A_7] : memref<2x16x80x128xi32, #tpu.memory_space<hbm>> -> memref<1x1x80x128xi32, #tpu.memory_space<hbm>>
      %dma_start3A_9 = tpu.memref_squeeze %dma_start3A_8 : memref<1x1x80x128xi32, #tpu.memory_space<hbm>> -> memref<80x128xi32, #tpu.memory_space<hbm>>
      %dma_start3A_10 = arith.constant 0 : i32
      %dma_start3A_11 = arith.constant 0 : i32
      %dma_start3A_12 = tpu.memref_slice %arg4[%arg0, %arg1, %dma_start3A_10, %dma_start3A_11] : memref<2x16x80x128xi32, #tpu.memory_space<hbm>> -> memref<1x1x80x128xi32, #tpu.memory_space<hbm>>
      %dma_start3A_13 = tpu.memref_squeeze %dma_start3A_12 : memref<1x1x80x128xi32, #tpu.memory_space<hbm>> -> memref<80x128xi32, #tpu.memory_space<hbm>>
      tpu.enqueue_dma source(%dma_start3A_13 : memref<80x128xi32, #tpu.memory_space<hbm>>) target(%arg6 : memref<80x128xi32, #tpu.memory_space<vmem>>) target_semaphore(%run_scoped3A : memref<!tpu.dma_semaphore, #tpu.memory_space<semaphore_mem>>)
      %dma_wait3A = arith.constant 0 : i32
      %dma_wait3A_14 = arith.constant 0 : i32
      %dma_wait3A_15 = tpu.memref_slice %arg4[%arg0, %arg1, %dma_wait3A, %dma_wait3A_14] : memref<2x16x80x128xi32, #tpu.memory_space<hbm>> -> memref<1x1x80x128xi32, #tpu.memory_space<hbm>>
      %dma_wait3A_16 = tpu.memref_squeeze %dma_wait3A_15 : memref<1x1x80x128xi32, #tpu.memory_space<hbm>> -> memref<80x128xi32, #tpu.memory_space<hbm>>
      %dma_wait3A_17 = arith.constant 0 : i32
      %dma_wait3A_18 = arith.constant 0 : i32
      %dma_wait3A_19 = tpu.memref_slice %arg4[%arg0, %arg1, %dma_wait3A_17, %dma_wait3A_18] : memref<2x16x80x128xi32, #tpu.memory_space<hbm>> -> memref<1x1x80x128xi32, #tpu.memory_space<hbm>>
      %dma_wait3A_20 = tpu.memref_squeeze %dma_wait3A_19 : memref<1x1x80x128xi32, #tpu.memory_space<hbm>> -> memref<80x128xi32, #tpu.memory_space<hbm>>
      tpu.wait_dma2 semaphore(%run_scoped3A : memref<!tpu.dma_semaphore, #tpu.memory_space<semaphore_mem>>) src(%dma_wait3A_20 : memref<80x128xi32, #tpu.memory_space<hbm>>) dst(%arg6 : memref<80x128xi32, #tpu.memory_space<vmem>>)
      tpu.yield
    }) : () -> ()
    %barrier3A = arith.constant 0 : index
    tpu.barrier barrier_id(%barrier3A)
    %scan3A = arith.constant 0 : i32
    %scan3A_1 = arith.constant 0 : i32
    %scan3A_2 = arith.constant 10 : i32
    %scan3A_3 = arith.addi %scan3A_1, %scan3A_2 : i32
    %scan3A_4 = arith.constant 1 : i32
    scf.for %scan3A_7 = %scan3A_1 to %scan3A_3 step %scan3A_4  : i32 {
      %mul3A_8 = arith.constant 8 : i32
      %mul3A_9 = arith.muli %scan3A_7, %mul3A_8 : i32
      %add3A = arith.constant 0 : i32
      %add3A_10 = arith.addi %mul3A_9, %add3A : i32
      %dma_start3A = arith.constant 0 : i32
      %dma_start3A_11 = tpu.memref_slice %arg6[%add3A_10, %dma_start3A] : memref<80x128xi32, #tpu.memory_space<vmem>> -> memref<1x128xi32, #tpu.memory_space<vmem>>
      %dma_start3A_12 = tpu.memref_squeeze %dma_start3A_11 : memref<1x128xi32, #tpu.memory_space<vmem>> -> memref<128xi32, #tpu.memory_space<vmem>>
      %dma_start3A_13 = arith.constant 0 : i32
      %dma_start3A_14 = arith.constant 0 : i32
      %dma_start3A_15 = tpu.memref_slice %arg8[%dma_start3A_13, %dma_start3A_14] : memref<10240x8xf32, #tpu.memory_space<vmem_shared>> -> memref<10240x8xf32, #tpu.memory_space<vmem_shared>>
      tpu.enqueue_indirect_dma source(%arg7 : memref<128x8xf32, #tpu.memory_space<vmem>>) target(%dma_start3A_15 : memref<10240x8xf32, #tpu.memory_space<vmem_shared>>) offsets(%dma_start3A_12 : memref<128xi32, #tpu.memory_space<vmem>>) semaphore(%arg9 : memref<!tpu.dma_semaphore, #tpu.memory_space<semaphore_mem>>) {add = true}
      %mul3A_16 = arith.constant 8 : i32
      %mul3A_17 = arith.muli %scan3A_7, %mul3A_16 : i32
      %add3A_18 = arith.constant 1 : i32
      %add3A_19 = arith.addi %mul3A_17, %add3A_18 : i32
      %dma_start3A_20 = arith.constant 0 : i32
      %dma_start3A_21 = tpu.memref_slice %arg6[%add3A_19, %dma_start3A_20] : memref<80x128xi32, #tpu.memory_space<vmem>> -> memref<1x128xi32, #tpu.memory_space<vmem>>
      %dma_start3A_22 = tpu.memref_squeeze %dma_start3A_21 : memref<1x128xi32, #tpu.memory_space<vmem>> -> memref<128xi32, #tpu.memory_space<vmem>>
      %dma_start3A_23 = arith.constant 0 : i32
      %dma_start3A_24 = arith.constant 0 : i32
      %dma_start3A_25 = tpu.memref_slice %arg8[%dma_start3A_23, %dma_start3A_24] : memref<10240x8xf32, #tpu.memory_space<vmem_shared>> -> memref<10240x8xf32, #tpu.memory_space<vmem_shared>>
      tpu.enqueue_indirect_dma source(%arg7 : memref<128x8xf32, #tpu.memory_space<vmem>>) target(%dma_start3A_25 : memref<10240x8xf32, #tpu.memory_space<vmem_shared>>) offsets(%dma_start3A_22 : memref<128xi32, #tpu.memory_space<vmem>>) semaphore(%arg9 : memref<!tpu.dma_semaphore, #tpu.memory_space<semaphore_mem>>) {add = true}
      %mul3A_26 = arith.constant 8 : i32
      %mul3A_27 = arith.muli %scan3A_7, %mul3A_26 : i32
      %add3A_28 = arith.constant 2 : i32
      %add3A_29 = arith.addi %mul3A_27, %add3A_28 : i32
      %dma_start3A_30 = arith.constant 0 : i32
      %dma_start3A_31 = tpu.memref_slice %arg6[%add3A_29, %dma_start3A_30] : memref<80x128xi32, #tpu.memory_space<vmem>> -> memref<1x128xi32, #tpu.memory_space<vmem>>
      %dma_start3A_32 = tpu.memref_squeeze %dma_start3A_31 : memref<1x128xi32, #tpu.memory_space<vmem>> -> memref<128xi32, #tpu.memory_space<vmem>>
      %dma_start3A_33 = arith.constant 0 : i32
      %dma_start3A_34 = arith.constant 0 : i32
      %dma_start3A_35 = tpu.memref_slice %arg8[%dma_start3A_33, %dma_start3A_34] : memref<10240x8xf32, #tpu.memory_space<vmem_shared>> -> memref<10240x8xf32, #tpu.memory_space<vmem_shared>>
      tpu.enqueue_indirect_dma source(%arg7 : memref<128x8xf32, #tpu.memory_space<vmem>>) target(%dma_start3A_35 : memref<10240x8xf32, #tpu.memory_space<vmem_shared>>) offsets(%dma_start3A_32 : memref<128xi32, #tpu.memory_space<vmem>>) semaphore(%arg9 : memref<!tpu.dma_semaphore, #tpu.memory_space<semaphore_mem>>) {add = true}
      %mul3A_36 = arith.constant 8 : i32
      %mul3A_37 = arith.muli %scan3A_7, %mul3A_36 : i32
      %add3A_38 = arith.constant 3 : i32
      %add3A_39 = arith.addi %mul3A_37, %add3A_38 : i32
      %dma_start3A_40 = arith.constant 0 : i32
      %dma_start3A_41 = tpu.memref_slice %arg6[%add3A_39, %dma_start3A_40] : memref<80x128xi32, #tpu.memory_space<vmem>> -> memref<1x128xi32, #tpu.memory_space<vmem>>
      %dma_start3A_42 = tpu.memref_squeeze %dma_start3A_41 : memref<1x128xi32, #tpu.memory_space<vmem>> -> memref<128xi32, #tpu.memory_space<vmem>>
      %dma_start3A_43 = arith.constant 0 : i32
      %dma_start3A_44 = arith.constant 0 : i32
      %dma_start3A_45 = tpu.memref_slice %arg8[%dma_start3A_43, %dma_start3A_44] : memref<10240x8xf32, #tpu.memory_space<vmem_shared>> -> memref<10240x8xf32, #tpu.memory_space<vmem_shared>>
      tpu.enqueue_indirect_dma source(%arg7 : memref<128x8xf32, #tpu.memory_space<vmem>>) target(%dma_start3A_45 : memref<10240x8xf32, #tpu.memory_space<vmem_shared>>) offsets(%dma_start3A_42 : memref<128xi32, #tpu.memory_space<vmem>>) semaphore(%arg9 : memref<!tpu.dma_semaphore, #tpu.memory_space<semaphore_mem>>) {add = true}
      %mul3A_46 = arith.constant 8 : i32
      %mul3A_47 = arith.muli %scan3A_7, %mul3A_46 : i32
      %add3A_48 = arith.constant 4 : i32
      %add3A_49 = arith.addi %mul3A_47, %add3A_48 : i32
      %dma_start3A_50 = arith.constant 0 : i32
      %dma_start3A_51 = tpu.memref_slice %arg6[%add3A_49, %dma_start3A_50] : memref<80x128xi32, #tpu.memory_space<vmem>> -> memref<1x128xi32, #tpu.memory_space<vmem>>
      %dma_start3A_52 = tpu.memref_squeeze %dma_start3A_51 : memref<1x128xi32, #tpu.memory_space<vmem>> -> memref<128xi32, #tpu.memory_space<vmem>>
      %dma_start3A_53 = arith.constant 0 : i32
      %dma_start3A_54 = arith.constant 0 : i32
      %dma_start3A_55 = tpu.memref_slice %arg8[%dma_start3A_53, %dma_start3A_54] : memref<10240x8xf32, #tpu.memory_space<vmem_shared>> -> memref<10240x8xf32, #tpu.memory_space<vmem_shared>>
      tpu.enqueue_indirect_dma source(%arg7 : memref<128x8xf32, #tpu.memory_space<vmem>>) target(%dma_start3A_55 : memref<10240x8xf32, #tpu.memory_space<vmem_shared>>) offsets(%dma_start3A_52 : memref<128xi32, #tpu.memory_space<vmem>>) semaphore(%arg9 : memref<!tpu.dma_semaphore, #tpu.memory_space<semaphore_mem>>) {add = true}
      %mul3A_56 = arith.constant 8 : i32
      %mul3A_57 = arith.muli %scan3A_7, %mul3A_56 : i32
      %add3A_58 = arith.constant 5 : i32
      %add3A_59 = arith.addi %mul3A_57, %add3A_58 : i32
      %dma_start3A_60 = arith.constant 0 : i32
      %dma_start3A_61 = tpu.memref_slice %arg6[%add3A_59, %dma_start3A_60] : memref<80x128xi32, #tpu.memory_space<vmem>> -> memref<1x128xi32, #tpu.memory_space<vmem>>
      %dma_start3A_62 = tpu.memref_squeeze %dma_start3A_61 : memref<1x128xi32, #tpu.memory_space<vmem>> -> memref<128xi32, #tpu.memory_space<vmem>>
      %dma_start3A_63 = arith.constant 0 : i32
      %dma_start3A_64 = arith.constant 0 : i32
      %dma_start3A_65 = tpu.memref_slice %arg8[%dma_start3A_63, %dma_start3A_64] : memref<10240x8xf32, #tpu.memory_space<vmem_shared>> -> memref<10240x8xf32, #tpu.memory_space<vmem_shared>>
      tpu.enqueue_indirect_dma source(%arg7 : memref<128x8xf32, #tpu.memory_space<vmem>>) target(%dma_start3A_65 : memref<10240x8xf32, #tpu.memory_space<vmem_shared>>) offsets(%dma_start3A_62 : memref<128xi32, #tpu.memory_space<vmem>>) semaphore(%arg9 : memref<!tpu.dma_semaphore, #tpu.memory_space<semaphore_mem>>) {add = true}
      %mul3A_66 = arith.constant 8 : i32
      %mul3A_67 = arith.muli %scan3A_7, %mul3A_66 : i32
      %add3A_68 = arith.constant 6 : i32
      %add3A_69 = arith.addi %mul3A_67, %add3A_68 : i32
      %dma_start3A_70 = arith.constant 0 : i32
      %dma_start3A_71 = tpu.memref_slice %arg6[%add3A_69, %dma_start3A_70] : memref<80x128xi32, #tpu.memory_space<vmem>> -> memref<1x128xi32, #tpu.memory_space<vmem>>
      %dma_start3A_72 = tpu.memref_squeeze %dma_start3A_71 : memref<1x128xi32, #tpu.memory_space<vmem>> -> memref<128xi32, #tpu.memory_space<vmem>>
      %dma_start3A_73 = arith.constant 0 : i32
      %dma_start3A_74 = arith.constant 0 : i32
      %dma_start3A_75 = tpu.memref_slice %arg8[%dma_start3A_73, %dma_start3A_74] : memref<10240x8xf32, #tpu.memory_space<vmem_shared>> -> memref<10240x8xf32, #tpu.memory_space<vmem_shared>>
      tpu.enqueue_indirect_dma source(%arg7 : memref<128x8xf32, #tpu.memory_space<vmem>>) target(%dma_start3A_75 : memref<10240x8xf32, #tpu.memory_space<vmem_shared>>) offsets(%dma_start3A_72 : memref<128xi32, #tpu.memory_space<vmem>>) semaphore(%arg9 : memref<!tpu.dma_semaphore, #tpu.memory_space<semaphore_mem>>) {add = true}
      %mul3A_76 = arith.constant 8 : i32
      %mul3A_77 = arith.muli %scan3A_7, %mul3A_76 : i32
      %add3A_78 = arith.constant 7 : i32
      %add3A_79 = arith.addi %mul3A_77, %add3A_78 : i32
      %dma_start3A_80 = arith.constant 0 : i32
      %dma_start3A_81 = tpu.memref_slice %arg6[%add3A_79, %dma_start3A_80] : memref<80x128xi32, #tpu.memory_space<vmem>> -> memref<1x128xi32, #tpu.memory_space<vmem>>
      %dma_start3A_82 = tpu.memref_squeeze %dma_start3A_81 : memref<1x128xi32, #tpu.memory_space<vmem>> -> memref<128xi32, #tpu.memory_space<vmem>>
      %dma_start3A_83 = arith.constant 0 : i32
      %dma_start3A_84 = arith.constant 0 : i32
      %dma_start3A_85 = tpu.memref_slice %arg8[%dma_start3A_83, %dma_start3A_84] : memref<10240x8xf32, #tpu.memory_space<vmem_shared>> -> memref<10240x8xf32, #tpu.memory_space<vmem_shared>>
      tpu.enqueue_indirect_dma source(%arg7 : memref<128x8xf32, #tpu.memory_space<vmem>>) target(%dma_start3A_85 : memref<10240x8xf32, #tpu.memory_space<vmem_shared>>) offsets(%dma_start3A_82 : memref<128xi32, #tpu.memory_space<vmem>>) semaphore(%arg9 : memref<!tpu.dma_semaphore, #tpu.memory_space<semaphore_mem>>) {add = true}
      %mul3A_86 = arith.constant 8 : i32
      %mul3A_87 = arith.muli %scan3A_7, %mul3A_86 : i32
      %add3A_88 = arith.constant 0 : i32
      %add3A_89 = arith.addi %mul3A_87, %add3A_88 : i32
      %dma_wait3A = arith.constant 0 : i32
      %dma_wait3A_90 = tpu.memref_slice %arg6[%add3A_89, %dma_wait3A] : memref<80x128xi32, #tpu.memory_space<vmem>> -> memref<1x128xi32, #tpu.memory_space<vmem>>
      %dma_wait3A_91 = tpu.memref_squeeze %dma_wait3A_90 : memref<1x128xi32, #tpu.memory_space<vmem>> -> memref<128xi32, #tpu.memory_space<vmem>>
      %dma_wait3A_92 = arith.constant 0 : i32
      %dma_wait3A_93 = arith.constant 0 : i32
      %dma_wait3A_94 = tpu.memref_slice %arg8[%dma_wait3A_92, %dma_wait3A_93] : memref<10240x8xf32, #tpu.memory_space<vmem_shared>> -> memref<10240x8xf32, #tpu.memory_space<vmem_shared>>
      tpu.wait_indirect_dma semaphore(%arg9 : memref<!tpu.dma_semaphore, #tpu.memory_space<semaphore_mem>>) src(%arg7 : memref<128x8xf32, #tpu.memory_space<vmem>>) dst(%dma_wait3A_94 : memref<10240x8xf32, #tpu.memory_space<vmem_shared>>)
      %mul3A_95 = arith.constant 8 : i32
      %mul3A_96 = arith.muli %scan3A_7, %mul3A_95 : i32
      %add3A_97 = arith.constant 1 : i32
      %add3A_98 = arith.addi %mul3A_96, %add3A_97 : i32
      %dma_wait3A_99 = arith.constant 0 : i32
      %dma_wait3A_100 = tpu.memref_slice %arg6[%add3A_98, %dma_wait3A_99] : memref<80x128xi32, #tpu.memory_space<vmem>> -> memref<1x128xi32, #tpu.memory_space<vmem>>
      %dma_wait3A_101 = tpu.memref_squeeze %dma_wait3A_100 : memref<1x128xi32, #tpu.memory_space<vmem>> -> memref<128xi32, #tpu.memory_space<vmem>>
      %dma_wait3A_102 = arith.constant 0 : i32
      %dma_wait3A_103 = arith.constant 0 : i32
      %dma_wait3A_104 = tpu.memref_slice %arg8[%dma_wait3A_102, %dma_wait3A_103] : memref<10240x8xf32, #tpu.memory_space<vmem_shared>> -> memref<10240x8xf32, #tpu.memory_space<vmem_shared>>
      tpu.wait_indirect_dma semaphore(%arg9 : memref<!tpu.dma_semaphore, #tpu.memory_space<semaphore_mem>>) src(%arg7 : memref<128x8xf32, #tpu.memory_space<vmem>>) dst(%dma_wait3A_104 : memref<10240x8xf32, #tpu.memory_space<vmem_shared>>)
      %mul3A_105 = arith.constant 8 : i32
      %mul3A_106 = arith.muli %scan3A_7, %mul3A_105 : i32
      %add3A_107 = arith.constant 2 : i32
      %add3A_108 = arith.addi %mul3A_106, %add3A_107 : i32
      %dma_wait3A_109 = arith.constant 0 : i32
      %dma_wait3A_110 = tpu.memref_slice %arg6[%add3A_108, %dma_wait3A_109] : memref<80x128xi32, #tpu.memory_space<vmem>> -> memref<1x128xi32, #tpu.memory_space<vmem>>
      %dma_wait3A_111 = tpu.memref_squeeze %dma_wait3A_110 : memref<1x128xi32, #tpu.memory_space<vmem>> -> memref<128xi32, #tpu.memory_space<vmem>>
      %dma_wait3A_112 = arith.constant 0 : i32
      %dma_wait3A_113 = arith.constant 0 : i32
      %dma_wait3A_114 = tpu.memref_slice %arg8[%dma_wait3A_112, %dma_wait3A_113] : memref<10240x8xf32, #tpu.memory_space<vmem_shared>> -> memref<10240x8xf32, #tpu.memory_space<vmem_shared>>
      tpu.wait_indirect_dma semaphore(%arg9 : memref<!tpu.dma_semaphore, #tpu.memory_space<semaphore_mem>>) src(%arg7 : memref<128x8xf32, #tpu.memory_space<vmem>>) dst(%dma_wait3A_114 : memref<10240x8xf32, #tpu.memory_space<vmem_shared>>)
      %mul3A_115 = arith.constant 8 : i32
      %mul3A_116 = arith.muli %scan3A_7, %mul3A_115 : i32
      %add3A_117 = arith.constant 3 : i32
      %add3A_118 = arith.addi %mul3A_116, %add3A_117 : i32
      %dma_wait3A_119 = arith.constant 0 : i32
      %dma_wait3A_120 = tpu.memref_slice %arg6[%add3A_118, %dma_wait3A_119] : memref<80x128xi32, #tpu.memory_space<vmem>> -> memref<1x128xi32, #tpu.memory_space<vmem>>
      %dma_wait3A_121 = tpu.memref_squeeze %dma_wait3A_120 : memref<1x128xi32, #tpu.memory_space<vmem>> -> memref<128xi32, #tpu.memory_space<vmem>>
      %dma_wait3A_122 = arith.constant 0 : i32
      %dma_wait3A_123 = arith.constant 0 : i32
      %dma_wait3A_124 = tpu.memref_slice %arg8[%dma_wait3A_122, %dma_wait3A_123] : memref<10240x8xf32, #tpu.memory_space<vmem_shared>> -> memref<10240x8xf32, #tpu.memory_space<vmem_shared>>
      tpu.wait_indirect_dma semaphore(%arg9 : memref<!tpu.dma_semaphore, #tpu.memory_space<semaphore_mem>>) src(%arg7 : memref<128x8xf32, #tpu.memory_space<vmem>>) dst(%dma_wait3A_124 : memref<10240x8xf32, #tpu.memory_space<vmem_shared>>)
      %mul3A_125 = arith.constant 8 : i32
      %mul3A_126 = arith.muli %scan3A_7, %mul3A_125 : i32
      %add3A_127 = arith.constant 4 : i32
      %add3A_128 = arith.addi %mul3A_126, %add3A_127 : i32
      %dma_wait3A_129 = arith.constant 0 : i32
      %dma_wait3A_130 = tpu.memref_slice %arg6[%add3A_128, %dma_wait3A_129] : memref<80x128xi32, #tpu.memory_space<vmem>> -> memref<1x128xi32, #tpu.memory_space<vmem>>
      %dma_wait3A_131 = tpu.memref_squeeze %dma_wait3A_130 : memref<1x128xi32, #tpu.memory_space<vmem>> -> memref<128xi32, #tpu.memory_space<vmem>>
      %dma_wait3A_132 = arith.constant 0 : i32
      %dma_wait3A_133 = arith.constant 0 : i32
      %dma_wait3A_134 = tpu.memref_slice %arg8[%dma_wait3A_132, %dma_wait3A_133] : memref<10240x8xf32, #tpu.memory_space<vmem_shared>> -> memref<10240x8xf32, #tpu.memory_space<vmem_shared>>
      tpu.wait_indirect_dma semaphore(%arg9 : memref<!tpu.dma_semaphore, #tpu.memory_space<semaphore_mem>>) src(%arg7 : memref<128x8xf32, #tpu.memory_space<vmem>>) dst(%dma_wait3A_134 : memref<10240x8xf32, #tpu.memory_space<vmem_shared>>)
      %mul3A_135 = arith.constant 8 : i32
      %mul3A_136 = arith.muli %scan3A_7, %mul3A_135 : i32
      %add3A_137 = arith.constant 5 : i32
      %add3A_138 = arith.addi %mul3A_136, %add3A_137 : i32
      %dma_wait3A_139 = arith.constant 0 : i32
      %dma_wait3A_140 = tpu.memref_slice %arg6[%add3A_138, %dma_wait3A_139] : memref<80x128xi32, #tpu.memory_space<vmem>> -> memref<1x128xi32, #tpu.memory_space<vmem>>
      %dma_wait3A_141 = tpu.memref_squeeze %dma_wait3A_140 : memref<1x128xi32, #tpu.memory_space<vmem>> -> memref<128xi32, #tpu.memory_space<vmem>>
      %dma_wait3A_142 = arith.constant 0 : i32
      %dma_wait3A_143 = arith.constant 0 : i32
      %dma_wait3A_144 = tpu.memref_slice %arg8[%dma_wait3A_142, %dma_wait3A_143] : memref<10240x8xf32, #tpu.memory_space<vmem_shared>> -> memref<10240x8xf32, #tpu.memory_space<vmem_shared>>
      tpu.wait_indirect_dma semaphore(%arg9 : memref<!tpu.dma_semaphore, #tpu.memory_space<semaphore_mem>>) src(%arg7 : memref<128x8xf32, #tpu.memory_space<vmem>>) dst(%dma_wait3A_144 : memref<10240x8xf32, #tpu.memory_space<vmem_shared>>)
      %mul3A_145 = arith.constant 8 : i32
      %mul3A_146 = arith.muli %scan3A_7, %mul3A_145 : i32
      %add3A_147 = arith.constant 6 : i32
      %add3A_148 = arith.addi %mul3A_146, %add3A_147 : i32
      %dma_wait3A_149 = arith.constant 0 : i32
      %dma_wait3A_150 = tpu.memref_slice %arg6[%add3A_148, %dma_wait3A_149] : memref<80x128xi32, #tpu.memory_space<vmem>> -> memref<1x128xi32, #tpu.memory_space<vmem>>
      %dma_wait3A_151 = tpu.memref_squeeze %dma_wait3A_150 : memref<1x128xi32, #tpu.memory_space<vmem>> -> memref<128xi32, #tpu.memory_space<vmem>>
      %dma_wait3A_152 = arith.constant 0 : i32
      %dma_wait3A_153 = arith.constant 0 : i32
      %dma_wait3A_154 = tpu.memref_slice %arg8[%dma_wait3A_152, %dma_wait3A_153] : memref<10240x8xf32, #tpu.memory_space<vmem_shared>> -> memref<10240x8xf32, #tpu.memory_space<vmem_shared>>
      tpu.wait_indirect_dma semaphore(%arg9 : memref<!tpu.dma_semaphore, #tpu.memory_space<semaphore_mem>>) src(%arg7 : memref<128x8xf32, #tpu.memory_space<vmem>>) dst(%dma_wait3A_154 : memref<10240x8xf32, #tpu.memory_space<vmem_shared>>)
      %mul3A_155 = arith.constant 8 : i32
      %mul3A_156 = arith.muli %scan3A_7, %mul3A_155 : i32
      %add3A_157 = arith.constant 7 : i32
      %add3A_158 = arith.addi %mul3A_156, %add3A_157 : i32
      %dma_wait3A_159 = arith.constant 0 : i32
      %dma_wait3A_160 = tpu.memref_slice %arg6[%add3A_158, %dma_wait3A_159] : memref<80x128xi32, #tpu.memory_space<vmem>> -> memref<1x128xi32, #tpu.memory_space<vmem>>
      %dma_wait3A_161 = tpu.memref_squeeze %dma_wait3A_160 : memref<1x128xi32, #tpu.memory_space<vmem>> -> memref<128xi32, #tpu.memory_space<vmem>>
      %dma_wait3A_162 = arith.constant 0 : i32
      %dma_wait3A_163 = arith.constant 0 : i32
      %dma_wait3A_164 = tpu.memref_slice %arg8[%dma_wait3A_162, %dma_wait3A_163] : memref<10240x8xf32, #tpu.memory_space<vmem_shared>> -> memref<10240x8xf32, #tpu.memory_space<vmem_shared>>
      tpu.wait_indirect_dma semaphore(%arg9 : memref<!tpu.dma_semaphore, #tpu.memory_space<semaphore_mem>>) src(%arg7 : memref<128x8xf32, #tpu.memory_space<vmem>>) dst(%dma_wait3A_164 : memref<10240x8xf32, #tpu.memory_space<vmem_shared>>)
    }
    %scan3A_5 = arith.constant 10 : i32
    %barrier3A_6 = arith.constant 0 : index
    tpu.barrier barrier_id(%barrier3A_6)
    "tpu.region"() ({
      %run_scoped3A = tpu.sem_alloc : memref<!tpu.dma_semaphore, #tpu.memory_space<semaphore_mem>>
      %dma_start3A = arith.constant 0 : i32
      %dma_start3A_7 = tpu.memref_slice %arg5[%arg0, %mul3A_0, %dma_start3A] : memref<2x10240x8xf32, #tpu.memory_space<hbm>> -> memref<1x640x8xf32, #tpu.memory_space<hbm>>
      %dma_start3A_8 = tpu.memref_squeeze %dma_start3A_7 : memref<1x640x8xf32, #tpu.memory_space<hbm>> -> memref<640x8xf32, #tpu.memory_space<hbm>>
      %dma_start3A_9 = arith.constant 0 : i32
      %dma_start3A_10 = tpu.memref_slice %arg8[%mul3A_0, %dma_start3A_9] : memref<10240x8xf32, #tpu.memory_space<vmem_shared>> -> memref<640x8xf32, #tpu.memory_space<vmem_shared>>
      tpu.enqueue_dma source(%dma_start3A_10 : memref<640x8xf32, #tpu.memory_space<vmem_shared>>) target(%dma_start3A_8 : memref<640x8xf32, #tpu.memory_space<hbm>>) target_semaphore(%run_scoped3A : memref<!tpu.dma_semaphore, #tpu.memory_space<semaphore_mem>>)
      %dma_wait3A = arith.constant 0 : i32
      %dma_wait3A_11 = tpu.memref_slice %arg5[%arg0, %mul3A_0, %dma_wait3A] : memref<2x10240x8xf32, #tpu.memory_space<hbm>> -> memref<1x640x8xf32, #tpu.memory_space<hbm>>
      %dma_wait3A_12 = tpu.memref_squeeze %dma_wait3A_11 : memref<1x640x8xf32, #tpu.memory_space<hbm>> -> memref<640x8xf32, #tpu.memory_space<hbm>>
      %dma_wait3A_13 = arith.constant 0 : i32
      %dma_wait3A_14 = tpu.memref_slice %arg8[%mul3A_0, %dma_wait3A_13] : memref<10240x8xf32, #tpu.memory_space<vmem_shared>> -> memref<640x8xf32, #tpu.memory_space<vmem_shared>>
      tpu.wait_dma2 semaphore(%run_scoped3A : memref<!tpu.dma_semaphore, #tpu.memory_space<semaphore_mem>>) src(%dma_wait3A_14 : memref<640x8xf32, #tpu.memory_space<vmem_shared>>) dst(%dma_wait3A_12 : memref<640x8xf32, #tpu.memory_space<hbm>>)
      tpu.yield
    }) : () -> ()
    return
  }
}

#map = affine_map<(d0, d1) -> (0, 0)>
#map1 = affine_map<(d0, d1) -> (0, 0, 0, 0)>
#map2 = affine_map<(d0, d1) -> (0, 0, 0)>
module attributes {stable_mosaic.version = 14 : i64} {
  func.func @scat(%arg0: i32, %arg1: i32, %arg2: memref<10240x64xf32, #tpu.memory_space<hbm>>, %arg3: memref<2x16x80x128xi32, #tpu.memory_space<hbm>>, %arg4: memref<2x16x80x128xi32, #tpu.memory_space<hbm>>, %arg5: memref<2x10240x64xf32, #tpu.memory_space<hbm>>, %arg6: memref<80x128xi32, #tpu.memory_space<vmem>>, %arg7: memref<80x128xi32, #tpu.memory_space<vmem>>, %arg8: memref<8x128x64xf32, #tpu.memory_space<vmem>>, %arg9: memref<10240x64xf32, #tpu.memory_space<vmem_shared>>, %arg10: memref<!tpu.dma_semaphore, #tpu.memory_space<semaphore_mem>>, %arg11: memref<!tpu.dma_semaphore, #tpu.memory_space<semaphore_mem>>) attributes {dimension_semantics = [#tpu.dimension_semantics<core_parallel>, #tpu.dimension_semantics<subcore_parallel>], iteration_bounds = array<i64: 2, 16>, scalar_prefetch = 0 : i64, scratch_operands = 6 : i64, tpu.core_type = #tpu.core_type<sc_vector_subcore>, window_params = [{transform_indices = #map}, {transform_indices = #map1}, {transform_indices = #map1}, {transform_indices = #map2}]} {
    %mul3A = arith.constant 640 : i32
    %mul3A_0 = arith.muli %arg1, %mul3A : i32
    "tpu.region"() ({
      %run_scoped3A = tpu.sem_alloc : memref<!tpu.dma_semaphore, #tpu.memory_space<semaphore_mem>>
      %dma_start3A_54 = arith.constant 0 : i32
      %dma_start3A_55 = tpu.memref_slice %arg9[%mul3A_0, %dma_start3A_54] : memref<10240x64xf32, #tpu.memory_space<vmem_shared>> -> memref<640x64xf32, #tpu.memory_space<vmem_shared>>
      %dma_start3A_56 = arith.constant 0 : i32
      %dma_start3A_57 = tpu.memref_slice %arg2[%mul3A_0, %dma_start3A_56] : memref<10240x64xf32, #tpu.memory_space<hbm>> -> memref<640x64xf32, #tpu.memory_space<hbm>>
      tpu.enqueue_dma source(%dma_start3A_57 : memref<640x64xf32, #tpu.memory_space<hbm>>) target(%dma_start3A_55 : memref<640x64xf32, #tpu.memory_space<vmem_shared>>) target_semaphore(%run_scoped3A : memref<!tpu.dma_semaphore, #tpu.memory_space<semaphore_mem>>)
      %dma_wait3A = arith.constant 0 : i32
      %dma_wait3A_58 = tpu.memref_slice %arg9[%mul3A_0, %dma_wait3A] : memref<10240x64xf32, #tpu.memory_space<vmem_shared>> -> memref<640x64xf32, #tpu.memory_space<vmem_shared>>
      %dma_wait3A_59 = arith.constant 0 : i32
      %dma_wait3A_60 = tpu.memref_slice %arg2[%mul3A_0, %dma_wait3A_59] : memref<10240x64xf32, #tpu.memory_space<hbm>> -> memref<640x64xf32, #tpu.memory_space<hbm>>
      tpu.wait_dma2 semaphore(%run_scoped3A : memref<!tpu.dma_semaphore, #tpu.memory_space<semaphore_mem>>) src(%dma_wait3A_60 : memref<640x64xf32, #tpu.memory_space<hbm>>) dst(%dma_wait3A_58 : memref<640x64xf32, #tpu.memory_space<vmem_shared>>)
      tpu.yield
    }) : () -> ()
    "tpu.region"() ({
      %run_scoped3A = tpu.sem_alloc : memref<!tpu.dma_semaphore, #tpu.memory_space<semaphore_mem>>
      %dma_start3A_54 = arith.constant 0 : i32
      %dma_start3A_55 = arith.constant 0 : i32
      %dma_start3A_56 = tpu.memref_slice %arg3[%arg0, %arg1, %dma_start3A_54, %dma_start3A_55] : memref<2x16x80x128xi32, #tpu.memory_space<hbm>> -> memref<1x1x80x128xi32, #tpu.memory_space<hbm>>
      %dma_start3A_57 = tpu.memref_squeeze %dma_start3A_56 : memref<1x1x80x128xi32, #tpu.memory_space<hbm>> -> memref<80x128xi32, #tpu.memory_space<hbm>>
      %dma_start3A_58 = arith.constant 0 : i32
      %dma_start3A_59 = arith.constant 0 : i32
      %dma_start3A_60 = tpu.memref_slice %arg3[%arg0, %arg1, %dma_start3A_58, %dma_start3A_59] : memref<2x16x80x128xi32, #tpu.memory_space<hbm>> -> memref<1x1x80x128xi32, #tpu.memory_space<hbm>>
      %dma_start3A_61 = tpu.memref_squeeze %dma_start3A_60 : memref<1x1x80x128xi32, #tpu.memory_space<hbm>> -> memref<80x128xi32, #tpu.memory_space<hbm>>
      tpu.enqueue_dma source(%dma_start3A_61 : memref<80x128xi32, #tpu.memory_space<hbm>>) target(%arg6 : memref<80x128xi32, #tpu.memory_space<vmem>>) target_semaphore(%run_scoped3A : memref<!tpu.dma_semaphore, #tpu.memory_space<semaphore_mem>>)
      %dma_wait3A = arith.constant 0 : i32
      %dma_wait3A_62 = arith.constant 0 : i32
      %dma_wait3A_63 = tpu.memref_slice %arg3[%arg0, %arg1, %dma_wait3A, %dma_wait3A_62] : memref<2x16x80x128xi32, #tpu.memory_space<hbm>> -> memref<1x1x80x128xi32, #tpu.memory_space<hbm>>
      %dma_wait3A_64 = tpu.memref_squeeze %dma_wait3A_63 : memref<1x1x80x128xi32, #tpu.memory_space<hbm>> -> memref<80x128xi32, #tpu.memory_space<hbm>>
      %dma_wait3A_65 = arith.constant 0 : i32
      %dma_wait3A_66 = arith.constant 0 : i32
      %dma_wait3A_67 = tpu.memref_slice %arg3[%arg0, %arg1, %dma_wait3A_65, %dma_wait3A_66] : memref<2x16x80x128xi32, #tpu.memory_space<hbm>> -> memref<1x1x80x128xi32, #tpu.memory_space<hbm>>
      %dma_wait3A_68 = tpu.memref_squeeze %dma_wait3A_67 : memref<1x1x80x128xi32, #tpu.memory_space<hbm>> -> memref<80x128xi32, #tpu.memory_space<hbm>>
      tpu.wait_dma2 semaphore(%run_scoped3A : memref<!tpu.dma_semaphore, #tpu.memory_space<semaphore_mem>>) src(%dma_wait3A_68 : memref<80x128xi32, #tpu.memory_space<hbm>>) dst(%arg6 : memref<80x128xi32, #tpu.memory_space<vmem>>)
      tpu.yield
    }) : () -> ()
    "tpu.region"() ({
      %run_scoped3A = tpu.sem_alloc : memref<!tpu.dma_semaphore, #tpu.memory_space<semaphore_mem>>
      %dma_start3A_54 = arith.constant 0 : i32
      %dma_start3A_55 = arith.constant 0 : i32
      %dma_start3A_56 = tpu.memref_slice %arg4[%arg0, %arg1, %dma_start3A_54, %dma_start3A_55] : memref<2x16x80x128xi32, #tpu.memory_space<hbm>> -> memref<1x1x80x128xi32, #tpu.memory_space<hbm>>
      %dma_start3A_57 = tpu.memref_squeeze %dma_start3A_56 : memref<1x1x80x128xi32, #tpu.memory_space<hbm>> -> memref<80x128xi32, #tpu.memory_space<hbm>>
      %dma_start3A_58 = arith.constant 0 : i32
      %dma_start3A_59 = arith.constant 0 : i32
      %dma_start3A_60 = tpu.memref_slice %arg4[%arg0, %arg1, %dma_start3A_58, %dma_start3A_59] : memref<2x16x80x128xi32, #tpu.memory_space<hbm>> -> memref<1x1x80x128xi32, #tpu.memory_space<hbm>>
      %dma_start3A_61 = tpu.memref_squeeze %dma_start3A_60 : memref<1x1x80x128xi32, #tpu.memory_space<hbm>> -> memref<80x128xi32, #tpu.memory_space<hbm>>
      tpu.enqueue_dma source(%dma_start3A_61 : memref<80x128xi32, #tpu.memory_space<hbm>>) target(%arg7 : memref<80x128xi32, #tpu.memory_space<vmem>>) target_semaphore(%run_scoped3A : memref<!tpu.dma_semaphore, #tpu.memory_space<semaphore_mem>>)
      %dma_wait3A = arith.constant 0 : i32
      %dma_wait3A_62 = arith.constant 0 : i32
      %dma_wait3A_63 = tpu.memref_slice %arg4[%arg0, %arg1, %dma_wait3A, %dma_wait3A_62] : memref<2x16x80x128xi32, #tpu.memory_space<hbm>> -> memref<1x1x80x128xi32, #tpu.memory_space<hbm>>
      %dma_wait3A_64 = tpu.memref_squeeze %dma_wait3A_63 : memref<1x1x80x128xi32, #tpu.memory_space<hbm>> -> memref<80x128xi32, #tpu.memory_space<hbm>>
      %dma_wait3A_65 = arith.constant 0 : i32
      %dma_wait3A_66 = arith.constant 0 : i32
      %dma_wait3A_67 = tpu.memref_slice %arg4[%arg0, %arg1, %dma_wait3A_65, %dma_wait3A_66] : memref<2x16x80x128xi32, #tpu.memory_space<hbm>> -> memref<1x1x80x128xi32, #tpu.memory_space<hbm>>
      %dma_wait3A_68 = tpu.memref_squeeze %dma_wait3A_67 : memref<1x1x80x128xi32, #tpu.memory_space<hbm>> -> memref<80x128xi32, #tpu.memory_space<hbm>>
      tpu.wait_dma2 semaphore(%run_scoped3A : memref<!tpu.dma_semaphore, #tpu.memory_space<semaphore_mem>>) src(%dma_wait3A_68 : memref<80x128xi32, #tpu.memory_space<hbm>>) dst(%arg7 : memref<80x128xi32, #tpu.memory_space<vmem>>)
      tpu.yield
    }) : () -> ()
    %barrier3A = arith.constant 0 : index
    tpu.barrier barrier_id(%barrier3A)
    %dma_start3A = arith.constant 0 : i32
    %dma_start3A_1 = arith.constant 0 : i32
    %dma_start3A_2 = arith.constant 0 : i32
    %dma_start3A_3 = arith.constant 0 : i32
    %dma_start3A_4 = tpu.memref_slice %arg8[%dma_start3A_1, %dma_start3A_2, %dma_start3A_3] : memref<8x128x64xf32, #tpu.memory_space<vmem>> -> memref<1x128x64xf32, #tpu.memory_space<vmem>>
    %dma_start3A_5 = tpu.memref_squeeze %dma_start3A_4 : memref<1x128x64xf32, #tpu.memory_space<vmem>> -> memref<128x64xf32, #tpu.memory_space<vmem>>
    %dma_start3A_6 = arith.constant 0 : i32
    %dma_start3A_7 = tpu.memref_slice %arg6[%dma_start3A, %dma_start3A_6] : memref<80x128xi32, #tpu.memory_space<vmem>> -> memref<1x128xi32, #tpu.memory_space<vmem>>
    %dma_start3A_8 = tpu.memref_squeeze %dma_start3A_7 : memref<1x128xi32, #tpu.memory_space<vmem>> -> memref<128xi32, #tpu.memory_space<vmem>>
    %dma_start3A_9 = arith.constant 0 : i32
    %dma_start3A_10 = arith.constant 0 : i32
    %dma_start3A_11 = tpu.memref_slice %arg2[%dma_start3A_9, %dma_start3A_10] : memref<10240x64xf32, #tpu.memory_space<hbm>> -> memref<10240x64xf32, #tpu.memory_space<hbm>>
    tpu.enqueue_indirect_dma source(%dma_start3A_11 : memref<10240x64xf32, #tpu.memory_space<hbm>>) target(%dma_start3A_5 : memref<128x64xf32, #tpu.memory_space<vmem>>) offsets(%dma_start3A_8 : memref<128xi32, #tpu.memory_space<vmem>>) semaphore(%arg10 : memref<!tpu.dma_semaphore, #tpu.memory_space<semaphore_mem>>)
    %dma_start3A_12 = arith.constant 1 : i32
    %dma_start3A_13 = arith.constant 1 : i32
    %dma_start3A_14 = arith.constant 0 : i32
    %dma_start3A_15 = arith.constant 0 : i32
    %dma_start3A_16 = tpu.memref_slice %arg8[%dma_start3A_13, %dma_start3A_14, %dma_start3A_15] : memref<8x128x64xf32, #tpu.memory_space<vmem>> -> memref<1x128x64xf32, #tpu.memory_space<vmem>>
    %dma_start3A_17 = tpu.memref_squeeze %dma_start3A_16 : memref<1x128x64xf32, #tpu.memory_space<vmem>> -> memref<128x64xf32, #tpu.memory_space<vmem>>
    %dma_start3A_18 = arith.constant 0 : i32
    %dma_start3A_19 = tpu.memref_slice %arg6[%dma_start3A_12, %dma_start3A_18] : memref<80x128xi32, #tpu.memory_space<vmem>> -> memref<1x128xi32, #tpu.memory_space<vmem>>
    %dma_start3A_20 = tpu.memref_squeeze %dma_start3A_19 : memref<1x128xi32, #tpu.memory_space<vmem>> -> memref<128xi32, #tpu.memory_space<vmem>>
    %dma_start3A_21 = arith.constant 0 : i32
    %dma_start3A_22 = arith.constant 0 : i32
    %dma_start3A_23 = tpu.memref_slice %arg2[%dma_start3A_21, %dma_start3A_22] : memref<10240x64xf32, #tpu.memory_space<hbm>> -> memref<10240x64xf32, #tpu.memory_space<hbm>>
    tpu.enqueue_indirect_dma source(%dma_start3A_23 : memref<10240x64xf32, #tpu.memory_space<hbm>>) target(%dma_start3A_17 : memref<128x64xf32, #tpu.memory_space<vmem>>) offsets(%dma_start3A_20 : memref<128xi32, #tpu.memory_space<vmem>>) semaphore(%arg10 : memref<!tpu.dma_semaphore, #tpu.memory_space<semaphore_mem>>)
    %dma_start3A_24 = arith.constant 2 : i32
    %dma_start3A_25 = arith.constant 2 : i32
    %dma_start3A_26 = arith.constant 0 : i32
    %dma_start3A_27 = arith.constant 0 : i32
    %dma_start3A_28 = tpu.memref_slice %arg8[%dma_start3A_25, %dma_start3A_26, %dma_start3A_27] : memref<8x128x64xf32, #tpu.memory_space<vmem>> -> memref<1x128x64xf32, #tpu.memory_space<vmem>>
    %dma_start3A_29 = tpu.memref_squeeze %dma_start3A_28 : memref<1x128x64xf32, #tpu.memory_space<vmem>> -> memref<128x64xf32, #tpu.memory_space<vmem>>
    %dma_start3A_30 = arith.constant 0 : i32
    %dma_start3A_31 = tpu.memref_slice %arg6[%dma_start3A_24, %dma_start3A_30] : memref<80x128xi32, #tpu.memory_space<vmem>> -> memref<1x128xi32, #tpu.memory_space<vmem>>
    %dma_start3A_32 = tpu.memref_squeeze %dma_start3A_31 : memref<1x128xi32, #tpu.memory_space<vmem>> -> memref<128xi32, #tpu.memory_space<vmem>>
    %dma_start3A_33 = arith.constant 0 : i32
    %dma_start3A_34 = arith.constant 0 : i32
    %dma_start3A_35 = tpu.memref_slice %arg2[%dma_start3A_33, %dma_start3A_34] : memref<10240x64xf32, #tpu.memory_space<hbm>> -> memref<10240x64xf32, #tpu.memory_space<hbm>>
    tpu.enqueue_indirect_dma source(%dma_start3A_35 : memref<10240x64xf32, #tpu.memory_space<hbm>>) target(%dma_start3A_29 : memref<128x64xf32, #tpu.memory_space<vmem>>) offsets(%dma_start3A_32 : memref<128xi32, #tpu.memory_space<vmem>>) semaphore(%arg10 : memref<!tpu.dma_semaphore, #tpu.memory_space<semaphore_mem>>)
    %dma_start3A_36 = arith.constant 3 : i32
    %dma_start3A_37 = arith.constant 3 : i32
    %dma_start3A_38 = arith.constant 0 : i32
    %dma_start3A_39 = arith.constant 0 : i32
    %dma_start3A_40 = tpu.memref_slice %arg8[%dma_start3A_37, %dma_start3A_38, %dma_start3A_39] : memref<8x128x64xf32, #tpu.memory_space<vmem>> -> memref<1x128x64xf32, #tpu.memory_space<vmem>>
    %dma_start3A_41 = tpu.memref_squeeze %dma_start3A_40 : memref<1x128x64xf32, #tpu.memory_space<vmem>> -> memref<128x64xf32, #tpu.memory_space<vmem>>
    %dma_start3A_42 = arith.constant 0 : i32
    %dma_start3A_43 = tpu.memref_slice %arg6[%dma_start3A_36, %dma_start3A_42] : memref<80x128xi32, #tpu.memory_space<vmem>> -> memref<1x128xi32, #tpu.memory_space<vmem>>
    %dma_start3A_44 = tpu.memref_squeeze %dma_start3A_43 : memref<1x128xi32, #tpu.memory_space<vmem>> -> memref<128xi32, #tpu.memory_space<vmem>>
    %dma_start3A_45 = arith.constant 0 : i32
    %dma_start3A_46 = arith.constant 0 : i32
    %dma_start3A_47 = tpu.memref_slice %arg2[%dma_start3A_45, %dma_start3A_46] : memref<10240x64xf32, #tpu.memory_space<hbm>> -> memref<10240x64xf32, #tpu.memory_space<hbm>>
    tpu.enqueue_indirect_dma source(%dma_start3A_47 : memref<10240x64xf32, #tpu.memory_space<hbm>>) target(%dma_start3A_41 : memref<128x64xf32, #tpu.memory_space<vmem>>) offsets(%dma_start3A_44 : memref<128xi32, #tpu.memory_space<vmem>>) semaphore(%arg10 : memref<!tpu.dma_semaphore, #tpu.memory_space<semaphore_mem>>)
    %scan3A = arith.constant 0 : i32
    %scan3A_48 = arith.constant 0 : i32
    %scan3A_49 = arith.constant 10 : i32
    %scan3A_50 = arith.addi %scan3A_48, %scan3A_49 : i32
    %scan3A_51 = arith.constant 1 : i32
    scf.for %scan3A_54 = %scan3A_48 to %scan3A_50 step %scan3A_51  : i32 {
      %mul3A_55 = arith.constant 2 : i32
      %mul3A_56 = arith.muli %mul3A_55, %scan3A_54 : i32
      %mul3A_57 = arith.constant 2 : i32
      %mul3A_58 = arith.muli %mul3A_57, %scan3A_54 : i32
      %add3A = arith.constant 1 : i32
      %add3A_59 = arith.addi %mul3A_58, %add3A : i32
      %mul3A_60 = arith.constant 4 : i32
      %mul3A_61 = arith.muli %add3A_59, %mul3A_60 : i32
      %add3A_62 = arith.constant 0 : i32
      %add3A_63 = arith.addi %mul3A_61, %add3A_62 : i32
      %dma_start3A_64 = arith.constant 4 : i32
      %dma_start3A_65 = arith.constant 0 : i32
      %dma_start3A_66 = arith.constant 0 : i32
      %dma_start3A_67 = tpu.memref_slice %arg8[%dma_start3A_64, %dma_start3A_65, %dma_start3A_66] : memref<8x128x64xf32, #tpu.memory_space<vmem>> -> memref<1x128x64xf32, #tpu.memory_space<vmem>>
      %dma_start3A_68 = tpu.memref_squeeze %dma_start3A_67 : memref<1x128x64xf32, #tpu.memory_space<vmem>> -> memref<128x64xf32, #tpu.memory_space<vmem>>
      %dma_start3A_69 = arith.constant 0 : i32
      %dma_start3A_70 = tpu.memref_slice %arg6[%add3A_63, %dma_start3A_69] : memref<80x128xi32, #tpu.memory_space<vmem>> -> memref<1x128xi32, #tpu.memory_space<vmem>>
      %dma_start3A_71 = tpu.memref_squeeze %dma_start3A_70 : memref<1x128xi32, #tpu.memory_space<vmem>> -> memref<128xi32, #tpu.memory_space<vmem>>
      %dma_start3A_72 = arith.constant 0 : i32
      %dma_start3A_73 = arith.constant 0 : i32
      %dma_start3A_74 = tpu.memref_slice %arg2[%dma_start3A_72, %dma_start3A_73] : memref<10240x64xf32, #tpu.memory_space<hbm>> -> memref<10240x64xf32, #tpu.memory_space<hbm>>
      tpu.enqueue_indirect_dma source(%dma_start3A_74 : memref<10240x64xf32, #tpu.memory_space<hbm>>) target(%dma_start3A_68 : memref<128x64xf32, #tpu.memory_space<vmem>>) offsets(%dma_start3A_71 : memref<128xi32, #tpu.memory_space<vmem>>) semaphore(%arg11 : memref<!tpu.dma_semaphore, #tpu.memory_space<semaphore_mem>>)
      %mul3A_75 = arith.constant 4 : i32
      %mul3A_76 = arith.muli %add3A_59, %mul3A_75 : i32
      %add3A_77 = arith.constant 1 : i32
      %add3A_78 = arith.addi %mul3A_76, %add3A_77 : i32
      %dma_start3A_79 = arith.constant 5 : i32
      %dma_start3A_80 = arith.constant 0 : i32
      %dma_start3A_81 = arith.constant 0 : i32
      %dma_start3A_82 = tpu.memref_slice %arg8[%dma_start3A_79, %dma_start3A_80, %dma_start3A_81] : memref<8x128x64xf32, #tpu.memory_space<vmem>> -> memref<1x128x64xf32, #tpu.memory_space<vmem>>
      %dma_start3A_83 = tpu.memref_squeeze %dma_start3A_82 : memref<1x128x64xf32, #tpu.memory_space<vmem>> -> memref<128x64xf32, #tpu.memory_space<vmem>>
      %dma_start3A_84 = arith.constant 0 : i32
      %dma_start3A_85 = tpu.memref_slice %arg6[%add3A_78, %dma_start3A_84] : memref<80x128xi32, #tpu.memory_space<vmem>> -> memref<1x128xi32, #tpu.memory_space<vmem>>
      %dma_start3A_86 = tpu.memref_squeeze %dma_start3A_85 : memref<1x128xi32, #tpu.memory_space<vmem>> -> memref<128xi32, #tpu.memory_space<vmem>>
      %dma_start3A_87 = arith.constant 0 : i32
      %dma_start3A_88 = arith.constant 0 : i32
      %dma_start3A_89 = tpu.memref_slice %arg2[%dma_start3A_87, %dma_start3A_88] : memref<10240x64xf32, #tpu.memory_space<hbm>> -> memref<10240x64xf32, #tpu.memory_space<hbm>>
      tpu.enqueue_indirect_dma source(%dma_start3A_89 : memref<10240x64xf32, #tpu.memory_space<hbm>>) target(%dma_start3A_83 : memref<128x64xf32, #tpu.memory_space<vmem>>) offsets(%dma_start3A_86 : memref<128xi32, #tpu.memory_space<vmem>>) semaphore(%arg11 : memref<!tpu.dma_semaphore, #tpu.memory_space<semaphore_mem>>)
      %mul3A_90 = arith.constant 4 : i32
      %mul3A_91 = arith.muli %add3A_59, %mul3A_90 : i32
      %add3A_92 = arith.constant 2 : i32
      %add3A_93 = arith.addi %mul3A_91, %add3A_92 : i32
      %dma_start3A_94 = arith.constant 6 : i32
      %dma_start3A_95 = arith.constant 0 : i32
      %dma_start3A_96 = arith.constant 0 : i32
      %dma_start3A_97 = tpu.memref_slice %arg8[%dma_start3A_94, %dma_start3A_95, %dma_start3A_96] : memref<8x128x64xf32, #tpu.memory_space<vmem>> -> memref<1x128x64xf32, #tpu.memory_space<vmem>>
      %dma_start3A_98 = tpu.memref_squeeze %dma_start3A_97 : memref<1x128x64xf32, #tpu.memory_space<vmem>> -> memref<128x64xf32, #tpu.memory_space<vmem>>
      %dma_start3A_99 = arith.constant 0 : i32
      %dma_start3A_100 = tpu.memref_slice %arg6[%add3A_93, %dma_start3A_99] : memref<80x128xi32, #tpu.memory_space<vmem>> -> memref<1x128xi32, #tpu.memory_space<vmem>>
      %dma_start3A_101 = tpu.memref_squeeze %dma_start3A_100 : memref<1x128xi32, #tpu.memory_space<vmem>> -> memref<128xi32, #tpu.memory_space<vmem>>
      %dma_start3A_102 = arith.constant 0 : i32
      %dma_start3A_103 = arith.constant 0 : i32
      %dma_start3A_104 = tpu.memref_slice %arg2[%dma_start3A_102, %dma_start3A_103] : memref<10240x64xf32, #tpu.memory_space<hbm>> -> memref<10240x64xf32, #tpu.memory_space<hbm>>
      tpu.enqueue_indirect_dma source(%dma_start3A_104 : memref<10240x64xf32, #tpu.memory_space<hbm>>) target(%dma_start3A_98 : memref<128x64xf32, #tpu.memory_space<vmem>>) offsets(%dma_start3A_101 : memref<128xi32, #tpu.memory_space<vmem>>) semaphore(%arg11 : memref<!tpu.dma_semaphore, #tpu.memory_space<semaphore_mem>>)
      %mul3A_105 = arith.constant 4 : i32
      %mul3A_106 = arith.muli %add3A_59, %mul3A_105 : i32
      %add3A_107 = arith.constant 3 : i32
      %add3A_108 = arith.addi %mul3A_106, %add3A_107 : i32
      %dma_start3A_109 = arith.constant 7 : i32
      %dma_start3A_110 = arith.constant 0 : i32
      %dma_start3A_111 = arith.constant 0 : i32
      %dma_start3A_112 = tpu.memref_slice %arg8[%dma_start3A_109, %dma_start3A_110, %dma_start3A_111] : memref<8x128x64xf32, #tpu.memory_space<vmem>> -> memref<1x128x64xf32, #tpu.memory_space<vmem>>
      %dma_start3A_113 = tpu.memref_squeeze %dma_start3A_112 : memref<1x128x64xf32, #tpu.memory_space<vmem>> -> memref<128x64xf32, #tpu.memory_space<vmem>>
      %dma_start3A_114 = arith.constant 0 : i32
      %dma_start3A_115 = tpu.memref_slice %arg6[%add3A_108, %dma_start3A_114] : memref<80x128xi32, #tpu.memory_space<vmem>> -> memref<1x128xi32, #tpu.memory_space<vmem>>
      %dma_start3A_116 = tpu.memref_squeeze %dma_start3A_115 : memref<1x128xi32, #tpu.memory_space<vmem>> -> memref<128xi32, #tpu.memory_space<vmem>>
      %dma_start3A_117 = arith.constant 0 : i32
      %dma_start3A_118 = arith.constant 0 : i32
      %dma_start3A_119 = tpu.memref_slice %arg2[%dma_start3A_117, %dma_start3A_118] : memref<10240x64xf32, #tpu.memory_space<hbm>> -> memref<10240x64xf32, #tpu.memory_space<hbm>>
      tpu.enqueue_indirect_dma source(%dma_start3A_119 : memref<10240x64xf32, #tpu.memory_space<hbm>>) target(%dma_start3A_113 : memref<128x64xf32, #tpu.memory_space<vmem>>) offsets(%dma_start3A_116 : memref<128xi32, #tpu.memory_space<vmem>>) semaphore(%arg11 : memref<!tpu.dma_semaphore, #tpu.memory_space<semaphore_mem>>)
      %mul3A_120 = arith.constant 4 : i32
      %mul3A_121 = arith.muli %mul3A_56, %mul3A_120 : i32
      %add3A_122 = arith.constant 0 : i32
      %add3A_123 = arith.addi %mul3A_121, %add3A_122 : i32
      %dma_wait3A = arith.constant 0 : i32
      %dma_wait3A_124 = arith.constant 0 : i32
      %dma_wait3A_125 = arith.constant 0 : i32
      %dma_wait3A_126 = tpu.memref_slice %arg8[%dma_wait3A, %dma_wait3A_124, %dma_wait3A_125] : memref<8x128x64xf32, #tpu.memory_space<vmem>> -> memref<1x128x64xf32, #tpu.memory_space<vmem>>
      %dma_wait3A_127 = tpu.memref_squeeze %dma_wait3A_126 : memref<1x128x64xf32, #tpu.memory_space<vmem>> -> memref<128x64xf32, #tpu.memory_space<vmem>>
      %dma_wait3A_128 = arith.constant 0 : i32
      %dma_wait3A_129 = tpu.memref_slice %arg6[%add3A_123, %dma_wait3A_128] : memref<80x128xi32, #tpu.memory_space<vmem>> -> memref<1x128xi32, #tpu.memory_space<vmem>>
      %dma_wait3A_130 = tpu.memref_squeeze %dma_wait3A_129 : memref<1x128xi32, #tpu.memory_space<vmem>> -> memref<128xi32, #tpu.memory_space<vmem>>
      %dma_wait3A_131 = arith.constant 0 : i32
      %dma_wait3A_132 = arith.constant 0 : i32
      %dma_wait3A_133 = tpu.memref_slice %arg2[%dma_wait3A_131, %dma_wait3A_132] : memref<10240x64xf32, #tpu.memory_space<hbm>> -> memref<10240x64xf32, #tpu.memory_space<hbm>>
      tpu.wait_indirect_dma semaphore(%arg10 : memref<!tpu.dma_semaphore, #tpu.memory_space<semaphore_mem>>) src(%dma_wait3A_133 : memref<10240x64xf32, #tpu.memory_space<hbm>>) dst(%dma_wait3A_127 : memref<128x64xf32, #tpu.memory_space<vmem>>)
      %mul3A_134 = arith.constant 4 : i32
      %mul3A_135 = arith.muli %mul3A_56, %mul3A_134 : i32
      %add3A_136 = arith.constant 1 : i32
      %add3A_137 = arith.addi %mul3A_135, %add3A_136 : i32
      %dma_wait3A_138 = arith.constant 1 : i32
      %dma_wait3A_139 = arith.constant 0 : i32
      %dma_wait3A_140 = arith.constant 0 : i32
      %dma_wait3A_141 = tpu.memref_slice %arg8[%dma_wait3A_138, %dma_wait3A_139, %dma_wait3A_140] : memref<8x128x64xf32, #tpu.memory_space<vmem>> -> memref<1x128x64xf32, #tpu.memory_space<vmem>>
      %dma_wait3A_142 = tpu.memref_squeeze %dma_wait3A_141 : memref<1x128x64xf32, #tpu.memory_space<vmem>> -> memref<128x64xf32, #tpu.memory_space<vmem>>
      %dma_wait3A_143 = arith.constant 0 : i32
      %dma_wait3A_144 = tpu.memref_slice %arg6[%add3A_137, %dma_wait3A_143] : memref<80x128xi32, #tpu.memory_space<vmem>> -> memref<1x128xi32, #tpu.memory_space<vmem>>
      %dma_wait3A_145 = tpu.memref_squeeze %dma_wait3A_144 : memref<1x128xi32, #tpu.memory_space<vmem>> -> memref<128xi32, #tpu.memory_space<vmem>>
      %dma_wait3A_146 = arith.constant 0 : i32
      %dma_wait3A_147 = arith.constant 0 : i32
      %dma_wait3A_148 = tpu.memref_slice %arg2[%dma_wait3A_146, %dma_wait3A_147] : memref<10240x64xf32, #tpu.memory_space<hbm>> -> memref<10240x64xf32, #tpu.memory_space<hbm>>
      tpu.wait_indirect_dma semaphore(%arg10 : memref<!tpu.dma_semaphore, #tpu.memory_space<semaphore_mem>>) src(%dma_wait3A_148 : memref<10240x64xf32, #tpu.memory_space<hbm>>) dst(%dma_wait3A_142 : memref<128x64xf32, #tpu.memory_space<vmem>>)
      %mul3A_149 = arith.constant 4 : i32
      %mul3A_150 = arith.muli %mul3A_56, %mul3A_149 : i32
      %add3A_151 = arith.constant 2 : i32
      %add3A_152 = arith.addi %mul3A_150, %add3A_151 : i32
      %dma_wait3A_153 = arith.constant 2 : i32
      %dma_wait3A_154 = arith.constant 0 : i32
      %dma_wait3A_155 = arith.constant 0 : i32
      %dma_wait3A_156 = tpu.memref_slice %arg8[%dma_wait3A_153, %dma_wait3A_154, %dma_wait3A_155] : memref<8x128x64xf32, #tpu.memory_space<vmem>> -> memref<1x128x64xf32, #tpu.memory_space<vmem>>
      %dma_wait3A_157 = tpu.memref_squeeze %dma_wait3A_156 : memref<1x128x64xf32, #tpu.memory_space<vmem>> -> memref<128x64xf32, #tpu.memory_space<vmem>>
      %dma_wait3A_158 = arith.constant 0 : i32
      %dma_wait3A_159 = tpu.memref_slice %arg6[%add3A_152, %dma_wait3A_158] : memref<80x128xi32, #tpu.memory_space<vmem>> -> memref<1x128xi32, #tpu.memory_space<vmem>>
      %dma_wait3A_160 = tpu.memref_squeeze %dma_wait3A_159 : memref<1x128xi32, #tpu.memory_space<vmem>> -> memref<128xi32, #tpu.memory_space<vmem>>
      %dma_wait3A_161 = arith.constant 0 : i32
      %dma_wait3A_162 = arith.constant 0 : i32
      %dma_wait3A_163 = tpu.memref_slice %arg2[%dma_wait3A_161, %dma_wait3A_162] : memref<10240x64xf32, #tpu.memory_space<hbm>> -> memref<10240x64xf32, #tpu.memory_space<hbm>>
      tpu.wait_indirect_dma semaphore(%arg10 : memref<!tpu.dma_semaphore, #tpu.memory_space<semaphore_mem>>) src(%dma_wait3A_163 : memref<10240x64xf32, #tpu.memory_space<hbm>>) dst(%dma_wait3A_157 : memref<128x64xf32, #tpu.memory_space<vmem>>)
      %mul3A_164 = arith.constant 4 : i32
      %mul3A_165 = arith.muli %mul3A_56, %mul3A_164 : i32
      %add3A_166 = arith.constant 3 : i32
      %add3A_167 = arith.addi %mul3A_165, %add3A_166 : i32
      %dma_wait3A_168 = arith.constant 3 : i32
      %dma_wait3A_169 = arith.constant 0 : i32
      %dma_wait3A_170 = arith.constant 0 : i32
      %dma_wait3A_171 = tpu.memref_slice %arg8[%dma_wait3A_168, %dma_wait3A_169, %dma_wait3A_170] : memref<8x128x64xf32, #tpu.memory_space<vmem>> -> memref<1x128x64xf32, #tpu.memory_space<vmem>>
      %dma_wait3A_172 = tpu.memref_squeeze %dma_wait3A_171 : memref<1x128x64xf32, #tpu.memory_space<vmem>> -> memref<128x64xf32, #tpu.memory_space<vmem>>
      %dma_wait3A_173 = arith.constant 0 : i32
      %dma_wait3A_174 = tpu.memref_slice %arg6[%add3A_167, %dma_wait3A_173] : memref<80x128xi32, #tpu.memory_space<vmem>> -> memref<1x128xi32, #tpu.memory_space<vmem>>
      %dma_wait3A_175 = tpu.memref_squeeze %dma_wait3A_174 : memref<1x128xi32, #tpu.memory_space<vmem>> -> memref<128xi32, #tpu.memory_space<vmem>>
      %dma_wait3A_176 = arith.constant 0 : i32
      %dma_wait3A_177 = arith.constant 0 : i32
      %dma_wait3A_178 = tpu.memref_slice %arg2[%dma_wait3A_176, %dma_wait3A_177] : memref<10240x64xf32, #tpu.memory_space<hbm>> -> memref<10240x64xf32, #tpu.memory_space<hbm>>
      tpu.wait_indirect_dma semaphore(%arg10 : memref<!tpu.dma_semaphore, #tpu.memory_space<semaphore_mem>>) src(%dma_wait3A_178 : memref<10240x64xf32, #tpu.memory_space<hbm>>) dst(%dma_wait3A_172 : memref<128x64xf32, #tpu.memory_space<vmem>>)
      %mul3A_179 = arith.constant 4 : i32
      %mul3A_180 = arith.muli %mul3A_56, %mul3A_179 : i32
      %add3A_181 = arith.constant 0 : i32
      %add3A_182 = arith.addi %mul3A_180, %add3A_181 : i32
      %run_scoped3A = arith.constant 0 : i32
      "tpu.region"() ({
        %run_scoped3A_282 = tpu.sem_alloc : memref<!tpu.dma_semaphore, #tpu.memory_space<semaphore_mem>>
        %dma_start3A_283 = arith.constant 0 : i32
        %dma_start3A_284 = arith.constant 0 : i32
        %dma_start3A_285 = tpu.memref_slice %arg8[%run_scoped3A, %dma_start3A_283, %dma_start3A_284] : memref<8x128x64xf32, #tpu.memory_space<vmem>> -> memref<1x128x64xf32, #tpu.memory_space<vmem>>
        %dma_start3A_286 = tpu.memref_squeeze %dma_start3A_285 : memref<1x128x64xf32, #tpu.memory_space<vmem>> -> memref<128x64xf32, #tpu.memory_space<vmem>>
        %dma_start3A_287 = arith.constant 0 : i32
        %dma_start3A_288 = tpu.memref_slice %arg7[%add3A_182, %dma_start3A_287] : memref<80x128xi32, #tpu.memory_space<vmem>> -> memref<1x128xi32, #tpu.memory_space<vmem>>
        %dma_start3A_289 = tpu.memref_squeeze %dma_start3A_288 : memref<1x128xi32, #tpu.memory_space<vmem>> -> memref<128xi32, #tpu.memory_space<vmem>>
        %dma_start3A_290 = arith.constant 0 : i32
        %dma_start3A_291 = arith.constant 0 : i32
        %dma_start3A_292 = tpu.memref_slice %arg9[%dma_start3A_290, %dma_start3A_291] : memref<10240x64xf32, #tpu.memory_space<vmem_shared>> -> memref<10240x64xf32, #tpu.memory_space<vmem_shared>>
        tpu.enqueue_indirect_dma source(%dma_start3A_286 : memref<128x64xf32, #tpu.memory_space<vmem>>) target(%dma_start3A_292 : memref<10240x64xf32, #tpu.memory_space<vmem_shared>>) offsets(%dma_start3A_289 : memref<128xi32, #tpu.memory_space<vmem>>) semaphore(%run_scoped3A_282 : memref<!tpu.dma_semaphore, #tpu.memory_space<semaphore_mem>>) {add = true}
        %dma_wait3A_293 = arith.constant 0 : i32
        %dma_wait3A_294 = arith.constant 0 : i32
        %dma_wait3A_295 = tpu.memref_slice %arg8[%run_scoped3A, %dma_wait3A_293, %dma_wait3A_294] : memref<8x128x64xf32, #tpu.memory_space<vmem>> -> memref<1x128x64xf32, #tpu.memory_space<vmem>>
        %dma_wait3A_296 = tpu.memref_squeeze %dma_wait3A_295 : memref<1x128x64xf32, #tpu.memory_space<vmem>> -> memref<128x64xf32, #tpu.memory_space<vmem>>
        %dma_wait3A_297 = arith.constant 0 : i32
        %dma_wait3A_298 = tpu.memref_slice %arg7[%add3A_182, %dma_wait3A_297] : memref<80x128xi32, #tpu.memory_space<vmem>> -> memref<1x128xi32, #tpu.memory_space<vmem>>
        %dma_wait3A_299 = tpu.memref_squeeze %dma_wait3A_298 : memref<1x128xi32, #tpu.memory_space<vmem>> -> memref<128xi32, #tpu.memory_space<vmem>>
        %dma_wait3A_300 = arith.constant 0 : i32
        %dma_wait3A_301 = arith.constant 0 : i32
        %dma_wait3A_302 = tpu.memref_slice %arg9[%dma_wait3A_300, %dma_wait3A_301] : memref<10240x64xf32, #tpu.memory_space<vmem_shared>> -> memref<10240x64xf32, #tpu.memory_space<vmem_shared>>
        tpu.wait_indirect_dma semaphore(%run_scoped3A_282 : memref<!tpu.dma_semaphore, #tpu.memory_space<semaphore_mem>>) src(%dma_wait3A_296 : memref<128x64xf32, #tpu.memory_space<vmem>>) dst(%dma_wait3A_302 : memref<10240x64xf32, #tpu.memory_space<vmem_shared>>)
        tpu.yield
      }) : () -> ()
      %mul3A_183 = arith.constant 4 : i32
      %mul3A_184 = arith.muli %mul3A_56, %mul3A_183 : i32
      %add3A_185 = arith.constant 1 : i32
      %add3A_186 = arith.addi %mul3A_184, %add3A_185 : i32
      %run_scoped3A_187 = arith.constant 1 : i32
      "tpu.region"() ({
        %run_scoped3A_282 = tpu.sem_alloc : memref<!tpu.dma_semaphore, #tpu.memory_space<semaphore_mem>>
        %dma_start3A_283 = arith.constant 0 : i32
        %dma_start3A_284 = arith.constant 0 : i32
        %dma_start3A_285 = tpu.memref_slice %arg8[%run_scoped3A_187, %dma_start3A_283, %dma_start3A_284] : memref<8x128x64xf32, #tpu.memory_space<vmem>> -> memref<1x128x64xf32, #tpu.memory_space<vmem>>
        %dma_start3A_286 = tpu.memref_squeeze %dma_start3A_285 : memref<1x128x64xf32, #tpu.memory_space<vmem>> -> memref<128x64xf32, #tpu.memory_space<vmem>>
        %dma_start3A_287 = arith.constant 0 : i32
        %dma_start3A_288 = tpu.memref_slice %arg7[%add3A_186, %dma_start3A_287] : memref<80x128xi32, #tpu.memory_space<vmem>> -> memref<1x128xi32, #tpu.memory_space<vmem>>
        %dma_start3A_289 = tpu.memref_squeeze %dma_start3A_288 : memref<1x128xi32, #tpu.memory_space<vmem>> -> memref<128xi32, #tpu.memory_space<vmem>>
        %dma_start3A_290 = arith.constant 0 : i32
        %dma_start3A_291 = arith.constant 0 : i32
        %dma_start3A_292 = tpu.memref_slice %arg9[%dma_start3A_290, %dma_start3A_291] : memref<10240x64xf32, #tpu.memory_space<vmem_shared>> -> memref<10240x64xf32, #tpu.memory_space<vmem_shared>>
        tpu.enqueue_indirect_dma source(%dma_start3A_286 : memref<128x64xf32, #tpu.memory_space<vmem>>) target(%dma_start3A_292 : memref<10240x64xf32, #tpu.memory_space<vmem_shared>>) offsets(%dma_start3A_289 : memref<128xi32, #tpu.memory_space<vmem>>) semaphore(%run_scoped3A_282 : memref<!tpu.dma_semaphore, #tpu.memory_space<semaphore_mem>>) {add = true}
        %dma_wait3A_293 = arith.constant 0 : i32
        %dma_wait3A_294 = arith.constant 0 : i32
        %dma_wait3A_295 = tpu.memref_slice %arg8[%run_scoped3A_187, %dma_wait3A_293, %dma_wait3A_294] : memref<8x128x64xf32, #tpu.memory_space<vmem>> -> memref<1x128x64xf32, #tpu.memory_space<vmem>>
        %dma_wait3A_296 = tpu.memref_squeeze %dma_wait3A_295 : memref<1x128x64xf32, #tpu.memory_space<vmem>> -> memref<128x64xf32, #tpu.memory_space<vmem>>
        %dma_wait3A_297 = arith.constant 0 : i32
        %dma_wait3A_298 = tpu.memref_slice %arg7[%add3A_186, %dma_wait3A_297] : memref<80x128xi32, #tpu.memory_space<vmem>> -> memref<1x128xi32, #tpu.memory_space<vmem>>
        %dma_wait3A_299 = tpu.memref_squeeze %dma_wait3A_298 : memref<1x128xi32, #tpu.memory_space<vmem>> -> memref<128xi32, #tpu.memory_space<vmem>>
        %dma_wait3A_300 = arith.constant 0 : i32
        %dma_wait3A_301 = arith.constant 0 : i32
        %dma_wait3A_302 = tpu.memref_slice %arg9[%dma_wait3A_300, %dma_wait3A_301] : memref<10240x64xf32, #tpu.memory_space<vmem_shared>> -> memref<10240x64xf32, #tpu.memory_space<vmem_shared>>
        tpu.wait_indirect_dma semaphore(%run_scoped3A_282 : memref<!tpu.dma_semaphore, #tpu.memory_space<semaphore_mem>>) src(%dma_wait3A_296 : memref<128x64xf32, #tpu.memory_space<vmem>>) dst(%dma_wait3A_302 : memref<10240x64xf32, #tpu.memory_space<vmem_shared>>)
        tpu.yield
      }) : () -> ()
      %mul3A_188 = arith.constant 4 : i32
      %mul3A_189 = arith.muli %mul3A_56, %mul3A_188 : i32
      %add3A_190 = arith.constant 2 : i32
      %add3A_191 = arith.addi %mul3A_189, %add3A_190 : i32
      %run_scoped3A_192 = arith.constant 2 : i32
      "tpu.region"() ({
        %run_scoped3A_282 = tpu.sem_alloc : memref<!tpu.dma_semaphore, #tpu.memory_space<semaphore_mem>>
        %dma_start3A_283 = arith.constant 0 : i32
        %dma_start3A_284 = arith.constant 0 : i32
        %dma_start3A_285 = tpu.memref_slice %arg8[%run_scoped3A_192, %dma_start3A_283, %dma_start3A_284] : memref<8x128x64xf32, #tpu.memory_space<vmem>> -> memref<1x128x64xf32, #tpu.memory_space<vmem>>
        %dma_start3A_286 = tpu.memref_squeeze %dma_start3A_285 : memref<1x128x64xf32, #tpu.memory_space<vmem>> -> memref<128x64xf32, #tpu.memory_space<vmem>>
        %dma_start3A_287 = arith.constant 0 : i32
        %dma_start3A_288 = tpu.memref_slice %arg7[%add3A_191, %dma_start3A_287] : memref<80x128xi32, #tpu.memory_space<vmem>> -> memref<1x128xi32, #tpu.memory_space<vmem>>
        %dma_start3A_289 = tpu.memref_squeeze %dma_start3A_288 : memref<1x128xi32, #tpu.memory_space<vmem>> -> memref<128xi32, #tpu.memory_space<vmem>>
        %dma_start3A_290 = arith.constant 0 : i32
        %dma_start3A_291 = arith.constant 0 : i32
        %dma_start3A_292 = tpu.memref_slice %arg9[%dma_start3A_290, %dma_start3A_291] : memref<10240x64xf32, #tpu.memory_space<vmem_shared>> -> memref<10240x64xf32, #tpu.memory_space<vmem_shared>>
        tpu.enqueue_indirect_dma source(%dma_start3A_286 : memref<128x64xf32, #tpu.memory_space<vmem>>) target(%dma_start3A_292 : memref<10240x64xf32, #tpu.memory_space<vmem_shared>>) offsets(%dma_start3A_289 : memref<128xi32, #tpu.memory_space<vmem>>) semaphore(%run_scoped3A_282 : memref<!tpu.dma_semaphore, #tpu.memory_space<semaphore_mem>>) {add = true}
        %dma_wait3A_293 = arith.constant 0 : i32
        %dma_wait3A_294 = arith.constant 0 : i32
        %dma_wait3A_295 = tpu.memref_slice %arg8[%run_scoped3A_192, %dma_wait3A_293, %dma_wait3A_294] : memref<8x128x64xf32, #tpu.memory_space<vmem>> -> memref<1x128x64xf32, #tpu.memory_space<vmem>>
        %dma_wait3A_296 = tpu.memref_squeeze %dma_wait3A_295 : memref<1x128x64xf32, #tpu.memory_space<vmem>> -> memref<128x64xf32, #tpu.memory_space<vmem>>
        %dma_wait3A_297 = arith.constant 0 : i32
        %dma_wait3A_298 = tpu.memref_slice %arg7[%add3A_191, %dma_wait3A_297] : memref<80x128xi32, #tpu.memory_space<vmem>> -> memref<1x128xi32, #tpu.memory_space<vmem>>
        %dma_wait3A_299 = tpu.memref_squeeze %dma_wait3A_298 : memref<1x128xi32, #tpu.memory_space<vmem>> -> memref<128xi32, #tpu.memory_space<vmem>>
        %dma_wait3A_300 = arith.constant 0 : i32
        %dma_wait3A_301 = arith.constant 0 : i32
        %dma_wait3A_302 = tpu.memref_slice %arg9[%dma_wait3A_300, %dma_wait3A_301] : memref<10240x64xf32, #tpu.memory_space<vmem_shared>> -> memref<10240x64xf32, #tpu.memory_space<vmem_shared>>
        tpu.wait_indirect_dma semaphore(%run_scoped3A_282 : memref<!tpu.dma_semaphore, #tpu.memory_space<semaphore_mem>>) src(%dma_wait3A_296 : memref<128x64xf32, #tpu.memory_space<vmem>>) dst(%dma_wait3A_302 : memref<10240x64xf32, #tpu.memory_space<vmem_shared>>)
        tpu.yield
      }) : () -> ()
      %mul3A_193 = arith.constant 4 : i32
      %mul3A_194 = arith.muli %mul3A_56, %mul3A_193 : i32
      %add3A_195 = arith.constant 3 : i32
      %add3A_196 = arith.addi %mul3A_194, %add3A_195 : i32
      %run_scoped3A_197 = arith.constant 3 : i32
      "tpu.region"() ({
        %run_scoped3A_282 = tpu.sem_alloc : memref<!tpu.dma_semaphore, #tpu.memory_space<semaphore_mem>>
        %dma_start3A_283 = arith.constant 0 : i32
        %dma_start3A_284 = arith.constant 0 : i32
        %dma_start3A_285 = tpu.memref_slice %arg8[%run_scoped3A_197, %dma_start3A_283, %dma_start3A_284] : memref<8x128x64xf32, #tpu.memory_space<vmem>> -> memref<1x128x64xf32, #tpu.memory_space<vmem>>
        %dma_start3A_286 = tpu.memref_squeeze %dma_start3A_285 : memref<1x128x64xf32, #tpu.memory_space<vmem>> -> memref<128x64xf32, #tpu.memory_space<vmem>>
        %dma_start3A_287 = arith.constant 0 : i32
        %dma_start3A_288 = tpu.memref_slice %arg7[%add3A_196, %dma_start3A_287] : memref<80x128xi32, #tpu.memory_space<vmem>> -> memref<1x128xi32, #tpu.memory_space<vmem>>
        %dma_start3A_289 = tpu.memref_squeeze %dma_start3A_288 : memref<1x128xi32, #tpu.memory_space<vmem>> -> memref<128xi32, #tpu.memory_space<vmem>>
        %dma_start3A_290 = arith.constant 0 : i32
        %dma_start3A_291 = arith.constant 0 : i32
        %dma_start3A_292 = tpu.memref_slice %arg9[%dma_start3A_290, %dma_start3A_291] : memref<10240x64xf32, #tpu.memory_space<vmem_shared>> -> memref<10240x64xf32, #tpu.memory_space<vmem_shared>>
        tpu.enqueue_indirect_dma source(%dma_start3A_286 : memref<128x64xf32, #tpu.memory_space<vmem>>) target(%dma_start3A_292 : memref<10240x64xf32, #tpu.memory_space<vmem_shared>>) offsets(%dma_start3A_289 : memref<128xi32, #tpu.memory_space<vmem>>) semaphore(%run_scoped3A_282 : memref<!tpu.dma_semaphore, #tpu.memory_space<semaphore_mem>>) {add = true}
        %dma_wait3A_293 = arith.constant 0 : i32
        %dma_wait3A_294 = arith.constant 0 : i32
        %dma_wait3A_295 = tpu.memref_slice %arg8[%run_scoped3A_197, %dma_wait3A_293, %dma_wait3A_294] : memref<8x128x64xf32, #tpu.memory_space<vmem>> -> memref<1x128x64xf32, #tpu.memory_space<vmem>>
        %dma_wait3A_296 = tpu.memref_squeeze %dma_wait3A_295 : memref<1x128x64xf32, #tpu.memory_space<vmem>> -> memref<128x64xf32, #tpu.memory_space<vmem>>
        %dma_wait3A_297 = arith.constant 0 : i32
        %dma_wait3A_298 = tpu.memref_slice %arg7[%add3A_196, %dma_wait3A_297] : memref<80x128xi32, #tpu.memory_space<vmem>> -> memref<1x128xi32, #tpu.memory_space<vmem>>
        %dma_wait3A_299 = tpu.memref_squeeze %dma_wait3A_298 : memref<1x128xi32, #tpu.memory_space<vmem>> -> memref<128xi32, #tpu.memory_space<vmem>>
        %dma_wait3A_300 = arith.constant 0 : i32
        %dma_wait3A_301 = arith.constant 0 : i32
        %dma_wait3A_302 = tpu.memref_slice %arg9[%dma_wait3A_300, %dma_wait3A_301] : memref<10240x64xf32, #tpu.memory_space<vmem_shared>> -> memref<10240x64xf32, #tpu.memory_space<vmem_shared>>
        tpu.wait_indirect_dma semaphore(%run_scoped3A_282 : memref<!tpu.dma_semaphore, #tpu.memory_space<semaphore_mem>>) src(%dma_wait3A_296 : memref<128x64xf32, #tpu.memory_space<vmem>>) dst(%dma_wait3A_302 : memref<10240x64xf32, #tpu.memory_space<vmem_shared>>)
        tpu.yield
      }) : () -> ()
      %add3A_198 = arith.constant 1 : i32
      %add3A_199 = arith.addi %add3A_59, %add3A_198 : i32
      %lt3A = arith.constant 20 : i32
      %lt3A_200 = arith.cmpi slt, %add3A_199, %lt3A : i32
      %convert_element_type3A = arith.extui %lt3A_200 : i1 to i32
      %cond3A = arith.constant 0 : i32
      %cond3A_201 = arith.cmpi ne, %convert_element_type3A, %cond3A : i32
      scf.if %cond3A_201 {
        %add3A_282 = arith.constant 1 : i32
        %add3A_283 = arith.addi %add3A_59, %add3A_282 : i32
        %mul3A_284 = arith.constant 4 : i32
        %mul3A_285 = arith.muli %add3A_283, %mul3A_284 : i32
        %add3A_286 = arith.constant 0 : i32
        %add3A_287 = arith.addi %mul3A_285, %add3A_286 : i32
        %dma_start3A_288 = arith.constant 0 : i32
        %dma_start3A_289 = arith.constant 0 : i32
        %dma_start3A_290 = arith.constant 0 : i32
        %dma_start3A_291 = tpu.memref_slice %arg8[%dma_start3A_288, %dma_start3A_289, %dma_start3A_290] : memref<8x128x64xf32, #tpu.memory_space<vmem>> -> memref<1x128x64xf32, #tpu.memory_space<vmem>>
        %dma_start3A_292 = tpu.memref_squeeze %dma_start3A_291 : memref<1x128x64xf32, #tpu.memory_space<vmem>> -> memref<128x64xf32, #tpu.memory_space<vmem>>
        %dma_start3A_293 = arith.constant 0 : i32
        %dma_start3A_294 = tpu.memref_slice %arg6[%add3A_287, %dma_start3A_293] : memref<80x128xi32, #tpu.memory_space<vmem>> -> memref<1x128xi32, #tpu.memory_space<vmem>>
        %dma_start3A_295 = tpu.memref_squeeze %dma_start3A_294 : memref<1x128xi32, #tpu.memory_space<vmem>> -> memref<128xi32, #tpu.memory_space<vmem>>
        %dma_start3A_296 = arith.constant 0 : i32
        %dma_start3A_297 = arith.constant 0 : i32
        %dma_start3A_298 = tpu.memref_slice %arg2[%dma_start3A_296, %dma_start3A_297] : memref<10240x64xf32, #tpu.memory_space<hbm>> -> memref<10240x64xf32, #tpu.memory_space<hbm>>
        tpu.enqueue_indirect_dma source(%dma_start3A_298 : memref<10240x64xf32, #tpu.memory_space<hbm>>) target(%dma_start3A_292 : memref<128x64xf32, #tpu.memory_space<vmem>>) offsets(%dma_start3A_295 : memref<128xi32, #tpu.memory_space<vmem>>) semaphore(%arg10 : memref<!tpu.dma_semaphore, #tpu.memory_space<semaphore_mem>>)
        %mul3A_299 = arith.constant 4 : i32
        %mul3A_300 = arith.muli %add3A_283, %mul3A_299 : i32
        %add3A_301 = arith.constant 1 : i32
        %add3A_302 = arith.addi %mul3A_300, %add3A_301 : i32
        %dma_start3A_303 = arith.constant 1 : i32
        %dma_start3A_304 = arith.constant 0 : i32
        %dma_start3A_305 = arith.constant 0 : i32
        %dma_start3A_306 = tpu.memref_slice %arg8[%dma_start3A_303, %dma_start3A_304, %dma_start3A_305] : memref<8x128x64xf32, #tpu.memory_space<vmem>> -> memref<1x128x64xf32, #tpu.memory_space<vmem>>
        %dma_start3A_307 = tpu.memref_squeeze %dma_start3A_306 : memref<1x128x64xf32, #tpu.memory_space<vmem>> -> memref<128x64xf32, #tpu.memory_space<vmem>>
        %dma_start3A_308 = arith.constant 0 : i32
        %dma_start3A_309 = tpu.memref_slice %arg6[%add3A_302, %dma_start3A_308] : memref<80x128xi32, #tpu.memory_space<vmem>> -> memref<1x128xi32, #tpu.memory_space<vmem>>
        %dma_start3A_310 = tpu.memref_squeeze %dma_start3A_309 : memref<1x128xi32, #tpu.memory_space<vmem>> -> memref<128xi32, #tpu.memory_space<vmem>>
        %dma_start3A_311 = arith.constant 0 : i32
        %dma_start3A_312 = arith.constant 0 : i32
        %dma_start3A_313 = tpu.memref_slice %arg2[%dma_start3A_311, %dma_start3A_312] : memref<10240x64xf32, #tpu.memory_space<hbm>> -> memref<10240x64xf32, #tpu.memory_space<hbm>>
        tpu.enqueue_indirect_dma source(%dma_start3A_313 : memref<10240x64xf32, #tpu.memory_space<hbm>>) target(%dma_start3A_307 : memref<128x64xf32, #tpu.memory_space<vmem>>) offsets(%dma_start3A_310 : memref<128xi32, #tpu.memory_space<vmem>>) semaphore(%arg10 : memref<!tpu.dma_semaphore, #tpu.memory_space<semaphore_mem>>)
        %mul3A_314 = arith.constant 4 : i32
        %mul3A_315 = arith.muli %add3A_283, %mul3A_314 : i32
        %add3A_316 = arith.constant 2 : i32
        %add3A_317 = arith.addi %mul3A_315, %add3A_316 : i32
        %dma_start3A_318 = arith.constant 2 : i32
        %dma_start3A_319 = arith.constant 0 : i32
        %dma_start3A_320 = arith.constant 0 : i32
        %dma_start3A_321 = tpu.memref_slice %arg8[%dma_start3A_318, %dma_start3A_319, %dma_start3A_320] : memref<8x128x64xf32, #tpu.memory_space<vmem>> -> memref<1x128x64xf32, #tpu.memory_space<vmem>>
        %dma_start3A_322 = tpu.memref_squeeze %dma_start3A_321 : memref<1x128x64xf32, #tpu.memory_space<vmem>> -> memref<128x64xf32, #tpu.memory_space<vmem>>
        %dma_start3A_323 = arith.constant 0 : i32
        %dma_start3A_324 = tpu.memref_slice %arg6[%add3A_317, %dma_start3A_323] : memref<80x128xi32, #tpu.memory_space<vmem>> -> memref<1x128xi32, #tpu.memory_space<vmem>>
        %dma_start3A_325 = tpu.memref_squeeze %dma_start3A_324 : memref<1x128xi32, #tpu.memory_space<vmem>> -> memref<128xi32, #tpu.memory_space<vmem>>
        %dma_start3A_326 = arith.constant 0 : i32
        %dma_start3A_327 = arith.constant 0 : i32
        %dma_start3A_328 = tpu.memref_slice %arg2[%dma_start3A_326, %dma_start3A_327] : memref<10240x64xf32, #tpu.memory_space<hbm>> -> memref<10240x64xf32, #tpu.memory_space<hbm>>
        tpu.enqueue_indirect_dma source(%dma_start3A_328 : memref<10240x64xf32, #tpu.memory_space<hbm>>) target(%dma_start3A_322 : memref<128x64xf32, #tpu.memory_space<vmem>>) offsets(%dma_start3A_325 : memref<128xi32, #tpu.memory_space<vmem>>) semaphore(%arg10 : memref<!tpu.dma_semaphore, #tpu.memory_space<semaphore_mem>>)
        %mul3A_329 = arith.constant 4 : i32
        %mul3A_330 = arith.muli %add3A_283, %mul3A_329 : i32
        %add3A_331 = arith.constant 3 : i32
        %add3A_332 = arith.addi %mul3A_330, %add3A_331 : i32
        %dma_start3A_333 = arith.constant 3 : i32
        %dma_start3A_334 = arith.constant 0 : i32
        %dma_start3A_335 = arith.constant 0 : i32
        %dma_start3A_336 = tpu.memref_slice %arg8[%dma_start3A_333, %dma_start3A_334, %dma_start3A_335] : memref<8x128x64xf32, #tpu.memory_space<vmem>> -> memref<1x128x64xf32, #tpu.memory_space<vmem>>
        %dma_start3A_337 = tpu.memref_squeeze %dma_start3A_336 : memref<1x128x64xf32, #tpu.memory_space<vmem>> -> memref<128x64xf32, #tpu.memory_space<vmem>>
        %dma_start3A_338 = arith.constant 0 : i32
        %dma_start3A_339 = tpu.memref_slice %arg6[%add3A_332, %dma_start3A_338] : memref<80x128xi32, #tpu.memory_space<vmem>> -> memref<1x128xi32, #tpu.memory_space<vmem>>
        %dma_start3A_340 = tpu.memref_squeeze %dma_start3A_339 : memref<1x128xi32, #tpu.memory_space<vmem>> -> memref<128xi32, #tpu.memory_space<vmem>>
        %dma_start3A_341 = arith.constant 0 : i32
        %dma_start3A_342 = arith.constant 0 : i32
        %dma_start3A_343 = tpu.memref_slice %arg2[%dma_start3A_341, %dma_start3A_342] : memref<10240x64xf32, #tpu.memory_space<hbm>> -> memref<10240x64xf32, #tpu.memory_space<hbm>>
        tpu.enqueue_indirect_dma source(%dma_start3A_343 : memref<10240x64xf32, #tpu.memory_space<hbm>>) target(%dma_start3A_337 : memref<128x64xf32, #tpu.memory_space<vmem>>) offsets(%dma_start3A_340 : memref<128xi32, #tpu.memory_space<vmem>>) semaphore(%arg10 : memref<!tpu.dma_semaphore, #tpu.memory_space<semaphore_mem>>)
      } else {
      }
      %mul3A_202 = arith.constant 4 : i32
      %mul3A_203 = arith.muli %add3A_59, %mul3A_202 : i32
      %add3A_204 = arith.constant 0 : i32
      %add3A_205 = arith.addi %mul3A_203, %add3A_204 : i32
      %dma_wait3A_206 = arith.constant 4 : i32
      %dma_wait3A_207 = arith.constant 0 : i32
      %dma_wait3A_208 = arith.constant 0 : i32
      %dma_wait3A_209 = tpu.memref_slice %arg8[%dma_wait3A_206, %dma_wait3A_207, %dma_wait3A_208] : memref<8x128x64xf32, #tpu.memory_space<vmem>> -> memref<1x128x64xf32, #tpu.memory_space<vmem>>
      %dma_wait3A_210 = tpu.memref_squeeze %dma_wait3A_209 : memref<1x128x64xf32, #tpu.memory_space<vmem>> -> memref<128x64xf32, #tpu.memory_space<vmem>>
      %dma_wait3A_211 = arith.constant 0 : i32
      %dma_wait3A_212 = tpu.memref_slice %arg6[%add3A_205, %dma_wait3A_211] : memref<80x128xi32, #tpu.memory_space<vmem>> -> memref<1x128xi32, #tpu.memory_space<vmem>>
      %dma_wait3A_213 = tpu.memref_squeeze %dma_wait3A_212 : memref<1x128xi32, #tpu.memory_space<vmem>> -> memref<128xi32, #tpu.memory_space<vmem>>
      %dma_wait3A_214 = arith.constant 0 : i32
      %dma_wait3A_215 = arith.constant 0 : i32
      %dma_wait3A_216 = tpu.memref_slice %arg2[%dma_wait3A_214, %dma_wait3A_215] : memref<10240x64xf32, #tpu.memory_space<hbm>> -> memref<10240x64xf32, #tpu.memory_space<hbm>>
      tpu.wait_indirect_dma semaphore(%arg11 : memref<!tpu.dma_semaphore, #tpu.memory_space<semaphore_mem>>) src(%dma_wait3A_216 : memref<10240x64xf32, #tpu.memory_space<hbm>>) dst(%dma_wait3A_210 : memref<128x64xf32, #tpu.memory_space<vmem>>)
      %mul3A_217 = arith.constant 4 : i32
      %mul3A_218 = arith.muli %add3A_59, %mul3A_217 : i32
      %add3A_219 = arith.constant 1 : i32
      %add3A_220 = arith.addi %mul3A_218, %add3A_219 : i32
      %dma_wait3A_221 = arith.constant 5 : i32
      %dma_wait3A_222 = arith.constant 0 : i32
      %dma_wait3A_223 = arith.constant 0 : i32
      %dma_wait3A_224 = tpu.memref_slice %arg8[%dma_wait3A_221, %dma_wait3A_222, %dma_wait3A_223] : memref<8x128x64xf32, #tpu.memory_space<vmem>> -> memref<1x128x64xf32, #tpu.memory_space<vmem>>
      %dma_wait3A_225 = tpu.memref_squeeze %dma_wait3A_224 : memref<1x128x64xf32, #tpu.memory_space<vmem>> -> memref<128x64xf32, #tpu.memory_space<vmem>>
      %dma_wait3A_226 = arith.constant 0 : i32
      %dma_wait3A_227 = tpu.memref_slice %arg6[%add3A_220, %dma_wait3A_226] : memref<80x128xi32, #tpu.memory_space<vmem>> -> memref<1x128xi32, #tpu.memory_space<vmem>>
      %dma_wait3A_228 = tpu.memref_squeeze %dma_wait3A_227 : memref<1x128xi32, #tpu.memory_space<vmem>> -> memref<128xi32, #tpu.memory_space<vmem>>
      %dma_wait3A_229 = arith.constant 0 : i32
      %dma_wait3A_230 = arith.constant 0 : i32
      %dma_wait3A_231 = tpu.memref_slice %arg2[%dma_wait3A_229, %dma_wait3A_230] : memref<10240x64xf32, #tpu.memory_space<hbm>> -> memref<10240x64xf32, #tpu.memory_space<hbm>>
      tpu.wait_indirect_dma semaphore(%arg11 : memref<!tpu.dma_semaphore, #tpu.memory_space<semaphore_mem>>) src(%dma_wait3A_231 : memref<10240x64xf32, #tpu.memory_space<hbm>>) dst(%dma_wait3A_225 : memref<128x64xf32, #tpu.memory_space<vmem>>)
      %mul3A_232 = arith.constant 4 : i32
      %mul3A_233 = arith.muli %add3A_59, %mul3A_232 : i32
      %add3A_234 = arith.constant 2 : i32
      %add3A_235 = arith.addi %mul3A_233, %add3A_234 : i32
      %dma_wait3A_236 = arith.constant 6 : i32
      %dma_wait3A_237 = arith.constant 0 : i32
      %dma_wait3A_238 = arith.constant 0 : i32
      %dma_wait3A_239 = tpu.memref_slice %arg8[%dma_wait3A_236, %dma_wait3A_237, %dma_wait3A_238] : memref<8x128x64xf32, #tpu.memory_space<vmem>> -> memref<1x128x64xf32, #tpu.memory_space<vmem>>
      %dma_wait3A_240 = tpu.memref_squeeze %dma_wait3A_239 : memref<1x128x64xf32, #tpu.memory_space<vmem>> -> memref<128x64xf32, #tpu.memory_space<vmem>>
      %dma_wait3A_241 = arith.constant 0 : i32
      %dma_wait3A_242 = tpu.memref_slice %arg6[%add3A_235, %dma_wait3A_241] : memref<80x128xi32, #tpu.memory_space<vmem>> -> memref<1x128xi32, #tpu.memory_space<vmem>>
      %dma_wait3A_243 = tpu.memref_squeeze %dma_wait3A_242 : memref<1x128xi32, #tpu.memory_space<vmem>> -> memref<128xi32, #tpu.memory_space<vmem>>
      %dma_wait3A_244 = arith.constant 0 : i32
      %dma_wait3A_245 = arith.constant 0 : i32
      %dma_wait3A_246 = tpu.memref_slice %arg2[%dma_wait3A_244, %dma_wait3A_245] : memref<10240x64xf32, #tpu.memory_space<hbm>> -> memref<10240x64xf32, #tpu.memory_space<hbm>>
      tpu.wait_indirect_dma semaphore(%arg11 : memref<!tpu.dma_semaphore, #tpu.memory_space<semaphore_mem>>) src(%dma_wait3A_246 : memref<10240x64xf32, #tpu.memory_space<hbm>>) dst(%dma_wait3A_240 : memref<128x64xf32, #tpu.memory_space<vmem>>)
      %mul3A_247 = arith.constant 4 : i32
      %mul3A_248 = arith.muli %add3A_59, %mul3A_247 : i32
      %add3A_249 = arith.constant 3 : i32
      %add3A_250 = arith.addi %mul3A_248, %add3A_249 : i32
      %dma_wait3A_251 = arith.constant 7 : i32
      %dma_wait3A_252 = arith.constant 0 : i32
      %dma_wait3A_253 = arith.constant 0 : i32
      %dma_wait3A_254 = tpu.memref_slice %arg8[%dma_wait3A_251, %dma_wait3A_252, %dma_wait3A_253] : memref<8x128x64xf32, #tpu.memory_space<vmem>> -> memref<1x128x64xf32, #tpu.memory_space<vmem>>
      %dma_wait3A_255 = tpu.memref_squeeze %dma_wait3A_254 : memref<1x128x64xf32, #tpu.memory_space<vmem>> -> memref<128x64xf32, #tpu.memory_space<vmem>>
      %dma_wait3A_256 = arith.constant 0 : i32
      %dma_wait3A_257 = tpu.memref_slice %arg6[%add3A_250, %dma_wait3A_256] : memref<80x128xi32, #tpu.memory_space<vmem>> -> memref<1x128xi32, #tpu.memory_space<vmem>>
      %dma_wait3A_258 = tpu.memref_squeeze %dma_wait3A_257 : memref<1x128xi32, #tpu.memory_space<vmem>> -> memref<128xi32, #tpu.memory_space<vmem>>
      %dma_wait3A_259 = arith.constant 0 : i32
      %dma_wait3A_260 = arith.constant 0 : i32
      %dma_wait3A_261 = tpu.memref_slice %arg2[%dma_wait3A_259, %dma_wait3A_260] : memref<10240x64xf32, #tpu.memory_space<hbm>> -> memref<10240x64xf32, #tpu.memory_space<hbm>>
      tpu.wait_indirect_dma semaphore(%arg11 : memref<!tpu.dma_semaphore, #tpu.memory_space<semaphore_mem>>) src(%dma_wait3A_261 : memref<10240x64xf32, #tpu.memory_space<hbm>>) dst(%dma_wait3A_255 : memref<128x64xf32, #tpu.memory_space<vmem>>)
      %mul3A_262 = arith.constant 4 : i32
      %mul3A_263 = arith.muli %add3A_59, %mul3A_262 : i32
      %add3A_264 = arith.constant 0 : i32
      %add3A_265 = arith.addi %mul3A_263, %add3A_264 : i32
      %run_scoped3A_266 = arith.constant 4 : i32
      "tpu.region"() ({
        %run_scoped3A_282 = tpu.sem_alloc : memref<!tpu.dma_semaphore, #tpu.memory_space<semaphore_mem>>
        %dma_start3A_283 = arith.constant 0 : i32
        %dma_start3A_284 = arith.constant 0 : i32
        %dma_start3A_285 = tpu.memref_slice %arg8[%run_scoped3A_266, %dma_start3A_283, %dma_start3A_284] : memref<8x128x64xf32, #tpu.memory_space<vmem>> -> memref<1x128x64xf32, #tpu.memory_space<vmem>>
        %dma_start3A_286 = tpu.memref_squeeze %dma_start3A_285 : memref<1x128x64xf32, #tpu.memory_space<vmem>> -> memref<128x64xf32, #tpu.memory_space<vmem>>
        %dma_start3A_287 = arith.constant 0 : i32
        %dma_start3A_288 = tpu.memref_slice %arg7[%add3A_265, %dma_start3A_287] : memref<80x128xi32, #tpu.memory_space<vmem>> -> memref<1x128xi32, #tpu.memory_space<vmem>>
        %dma_start3A_289 = tpu.memref_squeeze %dma_start3A_288 : memref<1x128xi32, #tpu.memory_space<vmem>> -> memref<128xi32, #tpu.memory_space<vmem>>
        %dma_start3A_290 = arith.constant 0 : i32
        %dma_start3A_291 = arith.constant 0 : i32
        %dma_start3A_292 = tpu.memref_slice %arg9[%dma_start3A_290, %dma_start3A_291] : memref<10240x64xf32, #tpu.memory_space<vmem_shared>> -> memref<10240x64xf32, #tpu.memory_space<vmem_shared>>
        tpu.enqueue_indirect_dma source(%dma_start3A_286 : memref<128x64xf32, #tpu.memory_space<vmem>>) target(%dma_start3A_292 : memref<10240x64xf32, #tpu.memory_space<vmem_shared>>) offsets(%dma_start3A_289 : memref<128xi32, #tpu.memory_space<vmem>>) semaphore(%run_scoped3A_282 : memref<!tpu.dma_semaphore, #tpu.memory_space<semaphore_mem>>) {add = true}
        %dma_wait3A_293 = arith.constant 0 : i32
        %dma_wait3A_294 = arith.constant 0 : i32
        %dma_wait3A_295 = tpu.memref_slice %arg8[%run_scoped3A_266, %dma_wait3A_293, %dma_wait3A_294] : memref<8x128x64xf32, #tpu.memory_space<vmem>> -> memref<1x128x64xf32, #tpu.memory_space<vmem>>
        %dma_wait3A_296 = tpu.memref_squeeze %dma_wait3A_295 : memref<1x128x64xf32, #tpu.memory_space<vmem>> -> memref<128x64xf32, #tpu.memory_space<vmem>>
        %dma_wait3A_297 = arith.constant 0 : i32
        %dma_wait3A_298 = tpu.memref_slice %arg7[%add3A_265, %dma_wait3A_297] : memref<80x128xi32, #tpu.memory_space<vmem>> -> memref<1x128xi32, #tpu.memory_space<vmem>>
        %dma_wait3A_299 = tpu.memref_squeeze %dma_wait3A_298 : memref<1x128xi32, #tpu.memory_space<vmem>> -> memref<128xi32, #tpu.memory_space<vmem>>
        %dma_wait3A_300 = arith.constant 0 : i32
        %dma_wait3A_301 = arith.constant 0 : i32
        %dma_wait3A_302 = tpu.memref_slice %arg9[%dma_wait3A_300, %dma_wait3A_301] : memref<10240x64xf32, #tpu.memory_space<vmem_shared>> -> memref<10240x64xf32, #tpu.memory_space<vmem_shared>>
        tpu.wait_indirect_dma semaphore(%run_scoped3A_282 : memref<!tpu.dma_semaphore, #tpu.memory_space<semaphore_mem>>) src(%dma_wait3A_296 : memref<128x64xf32, #tpu.memory_space<vmem>>) dst(%dma_wait3A_302 : memref<10240x64xf32, #tpu.memory_space<vmem_shared>>)
        tpu.yield
      }) : () -> ()
      %mul3A_267 = arith.constant 4 : i32
      %mul3A_268 = arith.muli %add3A_59, %mul3A_267 : i32
      %add3A_269 = arith.constant 1 : i32
      %add3A_270 = arith.addi %mul3A_268, %add3A_269 : i32
      %run_scoped3A_271 = arith.constant 5 : i32
      "tpu.region"() ({
        %run_scoped3A_282 = tpu.sem_alloc : memref<!tpu.dma_semaphore, #tpu.memory_space<semaphore_mem>>
        %dma_start3A_283 = arith.constant 0 : i32
        %dma_start3A_284 = arith.constant 0 : i32
        %dma_start3A_285 = tpu.memref_slice %arg8[%run_scoped3A_271, %dma_start3A_283, %dma_start3A_284] : memref<8x128x64xf32, #tpu.memory_space<vmem>> -> memref<1x128x64xf32, #tpu.memory_space<vmem>>
        %dma_start3A_286 = tpu.memref_squeeze %dma_start3A_285 : memref<1x128x64xf32, #tpu.memory_space<vmem>> -> memref<128x64xf32, #tpu.memory_space<vmem>>
        %dma_start3A_287 = arith.constant 0 : i32
        %dma_start3A_288 = tpu.memref_slice %arg7[%add3A_270, %dma_start3A_287] : memref<80x128xi32, #tpu.memory_space<vmem>> -> memref<1x128xi32, #tpu.memory_space<vmem>>
        %dma_start3A_289 = tpu.memref_squeeze %dma_start3A_288 : memref<1x128xi32, #tpu.memory_space<vmem>> -> memref<128xi32, #tpu.memory_space<vmem>>
        %dma_start3A_290 = arith.constant 0 : i32
        %dma_start3A_291 = arith.constant 0 : i32
        %dma_start3A_292 = tpu.memref_slice %arg9[%dma_start3A_290, %dma_start3A_291] : memref<10240x64xf32, #tpu.memory_space<vmem_shared>> -> memref<10240x64xf32, #tpu.memory_space<vmem_shared>>
        tpu.enqueue_indirect_dma source(%dma_start3A_286 : memref<128x64xf32, #tpu.memory_space<vmem>>) target(%dma_start3A_292 : memref<10240x64xf32, #tpu.memory_space<vmem_shared>>) offsets(%dma_start3A_289 : memref<128xi32, #tpu.memory_space<vmem>>) semaphore(%run_scoped3A_282 : memref<!tpu.dma_semaphore, #tpu.memory_space<semaphore_mem>>) {add = true}
        %dma_wait3A_293 = arith.constant 0 : i32
        %dma_wait3A_294 = arith.constant 0 : i32
        %dma_wait3A_295 = tpu.memref_slice %arg8[%run_scoped3A_271, %dma_wait3A_293, %dma_wait3A_294] : memref<8x128x64xf32, #tpu.memory_space<vmem>> -> memref<1x128x64xf32, #tpu.memory_space<vmem>>
        %dma_wait3A_296 = tpu.memref_squeeze %dma_wait3A_295 : memref<1x128x64xf32, #tpu.memory_space<vmem>> -> memref<128x64xf32, #tpu.memory_space<vmem>>
        %dma_wait3A_297 = arith.constant 0 : i32
        %dma_wait3A_298 = tpu.memref_slice %arg7[%add3A_270, %dma_wait3A_297] : memref<80x128xi32, #tpu.memory_space<vmem>> -> memref<1x128xi32, #tpu.memory_space<vmem>>
        %dma_wait3A_299 = tpu.memref_squeeze %dma_wait3A_298 : memref<1x128xi32, #tpu.memory_space<vmem>> -> memref<128xi32, #tpu.memory_space<vmem>>
        %dma_wait3A_300 = arith.constant 0 : i32
        %dma_wait3A_301 = arith.constant 0 : i32
        %dma_wait3A_302 = tpu.memref_slice %arg9[%dma_wait3A_300, %dma_wait3A_301] : memref<10240x64xf32, #tpu.memory_space<vmem_shared>> -> memref<10240x64xf32, #tpu.memory_space<vmem_shared>>
        tpu.wait_indirect_dma semaphore(%run_scoped3A_282 : memref<!tpu.dma_semaphore, #tpu.memory_space<semaphore_mem>>) src(%dma_wait3A_296 : memref<128x64xf32, #tpu.memory_space<vmem>>) dst(%dma_wait3A_302 : memref<10240x64xf32, #tpu.memory_space<vmem_shared>>)
        tpu.yield
      }) : () -> ()
      %mul3A_272 = arith.constant 4 : i32
      %mul3A_273 = arith.muli %add3A_59, %mul3A_272 : i32
      %add3A_274 = arith.constant 2 : i32
      %add3A_275 = arith.addi %mul3A_273, %add3A_274 : i32
      %run_scoped3A_276 = arith.constant 6 : i32
      "tpu.region"() ({
        %run_scoped3A_282 = tpu.sem_alloc : memref<!tpu.dma_semaphore, #tpu.memory_space<semaphore_mem>>
        %dma_start3A_283 = arith.constant 0 : i32
        %dma_start3A_284 = arith.constant 0 : i32
        %dma_start3A_285 = tpu.memref_slice %arg8[%run_scoped3A_276, %dma_start3A_283, %dma_start3A_284] : memref<8x128x64xf32, #tpu.memory_space<vmem>> -> memref<1x128x64xf32, #tpu.memory_space<vmem>>
        %dma_start3A_286 = tpu.memref_squeeze %dma_start3A_285 : memref<1x128x64xf32, #tpu.memory_space<vmem>> -> memref<128x64xf32, #tpu.memory_space<vmem>>
        %dma_start3A_287 = arith.constant 0 : i32
        %dma_start3A_288 = tpu.memref_slice %arg7[%add3A_275, %dma_start3A_287] : memref<80x128xi32, #tpu.memory_space<vmem>> -> memref<1x128xi32, #tpu.memory_space<vmem>>
        %dma_start3A_289 = tpu.memref_squeeze %dma_start3A_288 : memref<1x128xi32, #tpu.memory_space<vmem>> -> memref<128xi32, #tpu.memory_space<vmem>>
        %dma_start3A_290 = arith.constant 0 : i32
        %dma_start3A_291 = arith.constant 0 : i32
        %dma_start3A_292 = tpu.memref_slice %arg9[%dma_start3A_290, %dma_start3A_291] : memref<10240x64xf32, #tpu.memory_space<vmem_shared>> -> memref<10240x64xf32, #tpu.memory_space<vmem_shared>>
        tpu.enqueue_indirect_dma source(%dma_start3A_286 : memref<128x64xf32, #tpu.memory_space<vmem>>) target(%dma_start3A_292 : memref<10240x64xf32, #tpu.memory_space<vmem_shared>>) offsets(%dma_start3A_289 : memref<128xi32, #tpu.memory_space<vmem>>) semaphore(%run_scoped3A_282 : memref<!tpu.dma_semaphore, #tpu.memory_space<semaphore_mem>>) {add = true}
        %dma_wait3A_293 = arith.constant 0 : i32
        %dma_wait3A_294 = arith.constant 0 : i32
        %dma_wait3A_295 = tpu.memref_slice %arg8[%run_scoped3A_276, %dma_wait3A_293, %dma_wait3A_294] : memref<8x128x64xf32, #tpu.memory_space<vmem>> -> memref<1x128x64xf32, #tpu.memory_space<vmem>>
        %dma_wait3A_296 = tpu.memref_squeeze %dma_wait3A_295 : memref<1x128x64xf32, #tpu.memory_space<vmem>> -> memref<128x64xf32, #tpu.memory_space<vmem>>
        %dma_wait3A_297 = arith.constant 0 : i32
        %dma_wait3A_298 = tpu.memref_slice %arg7[%add3A_275, %dma_wait3A_297] : memref<80x128xi32, #tpu.memory_space<vmem>> -> memref<1x128xi32, #tpu.memory_space<vmem>>
        %dma_wait3A_299 = tpu.memref_squeeze %dma_wait3A_298 : memref<1x128xi32, #tpu.memory_space<vmem>> -> memref<128xi32, #tpu.memory_space<vmem>>
        %dma_wait3A_300 = arith.constant 0 : i32
        %dma_wait3A_301 = arith.constant 0 : i32
        %dma_wait3A_302 = tpu.memref_slice %arg9[%dma_wait3A_300, %dma_wait3A_301] : memref<10240x64xf32, #tpu.memory_space<vmem_shared>> -> memref<10240x64xf32, #tpu.memory_space<vmem_shared>>
        tpu.wait_indirect_dma semaphore(%run_scoped3A_282 : memref<!tpu.dma_semaphore, #tpu.memory_space<semaphore_mem>>) src(%dma_wait3A_296 : memref<128x64xf32, #tpu.memory_space<vmem>>) dst(%dma_wait3A_302 : memref<10240x64xf32, #tpu.memory_space<vmem_shared>>)
        tpu.yield
      }) : () -> ()
      %mul3A_277 = arith.constant 4 : i32
      %mul3A_278 = arith.muli %add3A_59, %mul3A_277 : i32
      %add3A_279 = arith.constant 3 : i32
      %add3A_280 = arith.addi %mul3A_278, %add3A_279 : i32
      %run_scoped3A_281 = arith.constant 7 : i32
      "tpu.region"() ({
        %run_scoped3A_282 = tpu.sem_alloc : memref<!tpu.dma_semaphore, #tpu.memory_space<semaphore_mem>>
        %dma_start3A_283 = arith.constant 0 : i32
        %dma_start3A_284 = arith.constant 0 : i32
        %dma_start3A_285 = tpu.memref_slice %arg8[%run_scoped3A_281, %dma_start3A_283, %dma_start3A_284] : memref<8x128x64xf32, #tpu.memory_space<vmem>> -> memref<1x128x64xf32, #tpu.memory_space<vmem>>
        %dma_start3A_286 = tpu.memref_squeeze %dma_start3A_285 : memref<1x128x64xf32, #tpu.memory_space<vmem>> -> memref<128x64xf32, #tpu.memory_space<vmem>>
        %dma_start3A_287 = arith.constant 0 : i32
        %dma_start3A_288 = tpu.memref_slice %arg7[%add3A_280, %dma_start3A_287] : memref<80x128xi32, #tpu.memory_space<vmem>> -> memref<1x128xi32, #tpu.memory_space<vmem>>
        %dma_start3A_289 = tpu.memref_squeeze %dma_start3A_288 : memref<1x128xi32, #tpu.memory_space<vmem>> -> memref<128xi32, #tpu.memory_space<vmem>>
        %dma_start3A_290 = arith.constant 0 : i32
        %dma_start3A_291 = arith.constant 0 : i32
        %dma_start3A_292 = tpu.memref_slice %arg9[%dma_start3A_290, %dma_start3A_291] : memref<10240x64xf32, #tpu.memory_space<vmem_shared>> -> memref<10240x64xf32, #tpu.memory_space<vmem_shared>>
        tpu.enqueue_indirect_dma source(%dma_start3A_286 : memref<128x64xf32, #tpu.memory_space<vmem>>) target(%dma_start3A_292 : memref<10240x64xf32, #tpu.memory_space<vmem_shared>>) offsets(%dma_start3A_289 : memref<128xi32, #tpu.memory_space<vmem>>) semaphore(%run_scoped3A_282 : memref<!tpu.dma_semaphore, #tpu.memory_space<semaphore_mem>>) {add = true}
        %dma_wait3A_293 = arith.constant 0 : i32
        %dma_wait3A_294 = arith.constant 0 : i32
        %dma_wait3A_295 = tpu.memref_slice %arg8[%run_scoped3A_281, %dma_wait3A_293, %dma_wait3A_294] : memref<8x128x64xf32, #tpu.memory_space<vmem>> -> memref<1x128x64xf32, #tpu.memory_space<vmem>>
        %dma_wait3A_296 = tpu.memref_squeeze %dma_wait3A_295 : memref<1x128x64xf32, #tpu.memory_space<vmem>> -> memref<128x64xf32, #tpu.memory_space<vmem>>
        %dma_wait3A_297 = arith.constant 0 : i32
        %dma_wait3A_298 = tpu.memref_slice %arg7[%add3A_280, %dma_wait3A_297] : memref<80x128xi32, #tpu.memory_space<vmem>> -> memref<1x128xi32, #tpu.memory_space<vmem>>
        %dma_wait3A_299 = tpu.memref_squeeze %dma_wait3A_298 : memref<1x128xi32, #tpu.memory_space<vmem>> -> memref<128xi32, #tpu.memory_space<vmem>>
        %dma_wait3A_300 = arith.constant 0 : i32
        %dma_wait3A_301 = arith.constant 0 : i32
        %dma_wait3A_302 = tpu.memref_slice %arg9[%dma_wait3A_300, %dma_wait3A_301] : memref<10240x64xf32, #tpu.memory_space<vmem_shared>> -> memref<10240x64xf32, #tpu.memory_space<vmem_shared>>
        tpu.wait_indirect_dma semaphore(%run_scoped3A_282 : memref<!tpu.dma_semaphore, #tpu.memory_space<semaphore_mem>>) src(%dma_wait3A_296 : memref<128x64xf32, #tpu.memory_space<vmem>>) dst(%dma_wait3A_302 : memref<10240x64xf32, #tpu.memory_space<vmem_shared>>)
        tpu.yield
      }) : () -> ()
    }
    %scan3A_52 = arith.constant 10 : i32
    %barrier3A_53 = arith.constant 0 : index
    tpu.barrier barrier_id(%barrier3A_53)
    "tpu.region"() ({
      %run_scoped3A = tpu.sem_alloc : memref<!tpu.dma_semaphore, #tpu.memory_space<semaphore_mem>>
      %dma_start3A_54 = arith.constant 0 : i32
      %dma_start3A_55 = tpu.memref_slice %arg5[%arg0, %mul3A_0, %dma_start3A_54] : memref<2x10240x64xf32, #tpu.memory_space<hbm>> -> memref<1x640x64xf32, #tpu.memory_space<hbm>>
      %dma_start3A_56 = tpu.memref_squeeze %dma_start3A_55 : memref<1x640x64xf32, #tpu.memory_space<hbm>> -> memref<640x64xf32, #tpu.memory_space<hbm>>
      %dma_start3A_57 = arith.constant 0 : i32
      %dma_start3A_58 = tpu.memref_slice %arg9[%mul3A_0, %dma_start3A_57] : memref<10240x64xf32, #tpu.memory_space<vmem_shared>> -> memref<640x64xf32, #tpu.memory_space<vmem_shared>>
      tpu.enqueue_dma source(%dma_start3A_58 : memref<640x64xf32, #tpu.memory_space<vmem_shared>>) target(%dma_start3A_56 : memref<640x64xf32, #tpu.memory_space<hbm>>) target_semaphore(%run_scoped3A : memref<!tpu.dma_semaphore, #tpu.memory_space<semaphore_mem>>)
      %dma_wait3A = arith.constant 0 : i32
      %dma_wait3A_59 = tpu.memref_slice %arg5[%arg0, %mul3A_0, %dma_wait3A] : memref<2x10240x64xf32, #tpu.memory_space<hbm>> -> memref<1x640x64xf32, #tpu.memory_space<hbm>>
      %dma_wait3A_60 = tpu.memref_squeeze %dma_wait3A_59 : memref<1x640x64xf32, #tpu.memory_space<hbm>> -> memref<640x64xf32, #tpu.memory_space<hbm>>
      %dma_wait3A_61 = arith.constant 0 : i32
      %dma_wait3A_62 = tpu.memref_slice %arg9[%mul3A_0, %dma_wait3A_61] : memref<10240x64xf32, #tpu.memory_space<vmem_shared>> -> memref<640x64xf32, #tpu.memory_space<vmem_shared>>
      tpu.wait_dma2 semaphore(%run_scoped3A : memref<!tpu.dma_semaphore, #tpu.memory_space<semaphore_mem>>) src(%dma_wait3A_62 : memref<640x64xf32, #tpu.memory_space<vmem_shared>>) dst(%dma_wait3A_60 : memref<640x64xf32, #tpu.memory_space<hbm>>)
      tpu.yield
    }) : () -> ()
    return
  }
}

module attributes {stable_mosaic.version = 14 : i64} {
  func.func @_tc_a_body(%arg0: i32, %arg1: memref<2x1024x8xf32, #tpu.memory_space<vmem>>, %arg2: memref<1024x128xf32, #tpu.memory_space<vmem>>, %arg3: memref<128x64xf32, #tpu.memory_space<vmem>>, %arg4: memref<1024x1xf32, #tpu.memory_space<vmem>>, %arg5: memref<1024x64xf32, #tpu.memory_space<vmem>>) attributes {dimension_semantics = [#tpu.dimension_semantics<arbitrary>], iteration_bounds = array<i64: 10>, scalar_prefetch = 0 : i64, scratch_operands = 0 : i64, tpu.core_type = #tpu.core_type<tc>, window_params = [{transform_indices = @transform_0, window_bounds = array<i64: 2, 1024, 8>}, {transform_indices = @transform_1, window_bounds = array<i64: 1024, 128>}, {pipeline_mode = #tpu.pipeline_mode<synchronous>, transform_indices = @transform_2, window_bounds = array<i64: 128, 64>}, {transform_indices = @transform_3, window_bounds = array<i64: 1024, 1>}, {transform_indices = @transform_4, window_bounds = array<i64: 1024, 64>}]} {
    %get3A = arith.constant 0 : index
    %get3A_0 = arith.constant 0 : index
    %get3A_1 = arith.constant 0 : index
    %get3A_2 = vector.load %arg1[%get3A, %get3A_0, %get3A_1] : memref<2x1024x8xf32, #tpu.memory_space<vmem>>, vector<1x1024x1xf32>
    %get3A_3 = vector.shape_cast %get3A_2 : vector<1x1024x1xf32> to vector<1024x1xf32>
    %get3A_4 = arith.constant 1 : index
    %get3A_5 = arith.constant 0 : index
    %get3A_6 = arith.constant 0 : index
    %get3A_7 = vector.load %arg1[%get3A_4, %get3A_5, %get3A_6] : memref<2x1024x8xf32, #tpu.memory_space<vmem>>, vector<1x1024x1xf32>
    %get3A_8 = vector.shape_cast %get3A_7 : vector<1x1024x1xf32> to vector<1024x1xf32>
    %add3A = arith.addf %get3A_3, %get3A_8 : vector<1024x1xf32>
    %add3A_9 = arith.constant 1.000000e+00 : f32
    %add3A_10 = vector.broadcast %add3A_9 : f32 to vector<1024x1xf32>
    %add3A_11 = arith.addf %add3A, %add3A_10 : vector<1024x1xf32>
    %rsqrt3A = math.rsqrt %add3A_11 : vector<1024x1xf32>
    %swap3A = arith.constant 0 : index
    %swap3A_12 = arith.constant 0 : index
    %swap3A_13 = vector.load %arg4[%swap3A, %swap3A_12] : memref<1024x1xf32, #tpu.memory_space<vmem>>, vector<1024x1xf32>
    tpu.vector_store %arg4[%swap3A, %swap3A_12], %rsqrt3A {strides = array<i32>} : memref<1024x1xf32, #tpu.memory_space<vmem>>, vector<1024x1xf32>,
    %get3A_14 = arith.constant 0 : index
    %get3A_15 = arith.constant 0 : index
    %get3A_16 = vector.load %arg2[%get3A_14, %get3A_15] : memref<1024x128xf32, #tpu.memory_space<vmem>>, vector<1024x128xf32>
    %get3A_17 = arith.constant 0 : index
    %get3A_18 = arith.constant 0 : index
    %get3A_19 = vector.load %arg3[%get3A_17, %get3A_18] : memref<128x64xf32, #tpu.memory_space<vmem>>, vector<128x64xf32>
    %dot_general3A = arith.constant dense<0.000000e+00> : vector<1024x64xf32>
    %dot_general3A_20 = tpu.matmul %get3A_16, %get3A_19, %dot_general3A {dimension_numbers = #tpu.dot_dimension_numbers<[1], [0], [0], [1], [0, 0, 1, 1], [], []>, transpose_lhs_hint = false} : vector<1024x128xf32>, vector<128x64xf32>, vector<1024x64xf32> -> vector<1024x64xf32>
    %mul3A = vector.broadcast %rsqrt3A : vector<1024x1xf32> to vector<1024x64xf32>
    %mul3A_21 = arith.mulf %dot_general3A_20, %mul3A : vector<1024x64xf32>
    %swap3A_22 = arith.constant 0 : index
    %swap3A_23 = arith.constant 0 : index
    %swap3A_24 = vector.load %arg5[%swap3A_22, %swap3A_23] : memref<1024x64xf32, #tpu.memory_space<vmem>>, vector<1024x64xf32>
    tpu.vector_store %arg5[%swap3A_22, %swap3A_23], %mul3A_21 {strides = array<i32>} : memref<1024x64xf32, #tpu.memory_space<vmem>>, vector<1024x64xf32>,
    return
  }
  func.func @transform_0(%arg0: i32) -> (i32, i32, i32) {
    %c0_i32 = arith.constant 0 : i32
    %c0_i32_0 = arith.constant 0 : i32
    %c0_i32_1 = arith.constant 0 : i32
    return %c0_i32, %arg0, %c0_i32_0 : i32, i32, i32
  }
  func.func @transform_1(%arg0: i32) -> (i32, i32) {
    %c0_i32 = arith.constant 0 : i32
    %c0_i32_0 = arith.constant 0 : i32
    return %arg0, %c0_i32 : i32, i32
  }
  func.func @transform_2(%arg0: i32) -> (i32, i32) {
    %c0_i32 = arith.constant 0 : i32
    %c0_i32_0 = arith.constant 0 : i32
    %c0_i32_1 = arith.constant 0 : i32
    return %c0_i32, %c0_i32_0 : i32, i32
  }
  func.func @transform_3(%arg0: i32) -> (i32, i32) {
    %c0_i32 = arith.constant 0 : i32
    %c0_i32_0 = arith.constant 0 : i32
    return %arg0, %c0_i32 : i32, i32
  }
  func.func @transform_4(%arg0: i32) -> (i32, i32) {
    %c0_i32 = arith.constant 0 : i32
    %c0_i32_0 = arith.constant 0 : i32
    return %arg0, %c0_i32 : i32, i32
  }
}

module attributes {stable_mosaic.version = 14 : i64} {
  func.func @_tc_mid_body(%arg0: i32, %arg1: memref<2x1024x64xf32, #tpu.memory_space<vmem>>, %arg2: memref<1024x64xf32, #tpu.memory_space<vmem>>, %arg3: memref<1024x1xf32, #tpu.memory_space<vmem>>, %arg4: memref<1x64xf32, #tpu.memory_space<vmem>>, %arg5: memref<1x64xf32, #tpu.memory_space<vmem>>, %arg6: memref<1x64xf32, #tpu.memory_space<vmem>>, %arg7: memref<64x32xf32, #tpu.memory_space<vmem>>, %arg8: memref<1024x32xf32, #tpu.memory_space<vmem>>) attributes {dimension_semantics = [#tpu.dimension_semantics<arbitrary>], iteration_bounds = array<i64: 10>, scalar_prefetch = 0 : i64, scratch_operands = 0 : i64, tpu.core_type = #tpu.core_type<tc>, window_params = [{transform_indices = @transform_0, window_bounds = array<i64: 2, 1024, 64>}, {transform_indices = @transform_1, window_bounds = array<i64: 1024, 64>}, {transform_indices = @transform_2, window_bounds = array<i64: 1024, 1>}, {pipeline_mode = #tpu.pipeline_mode<synchronous>, transform_indices = @transform_3, window_bounds = array<i64: 1, 64>}, {pipeline_mode = #tpu.pipeline_mode<synchronous>, transform_indices = @transform_4, window_bounds = array<i64: 1, 64>}, {pipeline_mode = #tpu.pipeline_mode<synchronous>, transform_indices = @transform_5, window_bounds = array<i64: 1, 64>}, {pipeline_mode = #tpu.pipeline_mode<synchronous>, transform_indices = @transform_6, window_bounds = array<i64: 64, 32>}, {transform_indices = @transform_7, window_bounds = array<i64: 1024, 32>}]} {
    %sqrt3A = arith.constant 1.000010e+00 : f32
    %sqrt3A_0 = math.sqrt %sqrt3A : f32
    %div3A = arith.constant 1.000000e+00 : f32
    %div3A_1 = arith.divf %div3A, %sqrt3A_0 : f32
    %get3A = arith.constant 0 : index
    %get3A_2 = arith.constant 0 : index
    %get3A_3 = vector.load %arg3[%get3A, %get3A_2] : memref<1024x1xf32, #tpu.memory_space<vmem>>, vector<1024x1xf32>
    %get3A_4 = arith.constant 0 : index
    %get3A_5 = arith.constant 0 : index
    %get3A_6 = arith.constant 0 : index
    %get3A_7 = vector.load %arg1[%get3A_4, %get3A_5, %get3A_6] : memref<2x1024x64xf32, #tpu.memory_space<vmem>>, vector<1x1024x64xf32>
    %get3A_8 = vector.shape_cast %get3A_7 : vector<1x1024x64xf32> to vector<1024x64xf32>
    %get3A_9 = arith.constant 1 : index
    %get3A_10 = arith.constant 0 : index
    %get3A_11 = arith.constant 0 : index
    %get3A_12 = vector.load %arg1[%get3A_9, %get3A_10, %get3A_11] : memref<2x1024x64xf32, #tpu.memory_space<vmem>>, vector<1x1024x64xf32>
    %get3A_13 = vector.shape_cast %get3A_12 : vector<1x1024x64xf32> to vector<1024x64xf32>
    %add3A = arith.addf %get3A_8, %get3A_13 : vector<1024x64xf32>
    %get3A_14 = arith.constant 0 : index
    %get3A_15 = arith.constant 0 : index
    %get3A_16 = vector.load %arg2[%get3A_14, %get3A_15] : memref<1024x64xf32, #tpu.memory_space<vmem>>, vector<1024x64xf32>
    %sub3A = arith.subf %add3A, %get3A_16 : vector<1024x64xf32>
    %mul3A = vector.broadcast %get3A_3 : vector<1024x1xf32> to vector<1024x64xf32>
    %mul3A_17 = arith.mulf %sub3A, %mul3A : vector<1024x64xf32>
    %get3A_18 = arith.constant 0 : index
    %get3A_19 = arith.constant 0 : index
    %get3A_20 = vector.load %arg4[%get3A_18, %get3A_19] : memref<1x64xf32, #tpu.memory_space<vmem>>, vector<1x64xf32>
    %add3A_21 = vector.broadcast %get3A_20 : vector<1x64xf32> to vector<1024x64xf32>
    %add3A_22 = arith.addf %mul3A_17, %add3A_21 : vector<1024x64xf32>
    %get3A_23 = arith.constant 0 : index
    %get3A_24 = arith.constant 0 : index
    %get3A_25 = vector.load %arg5[%get3A_23, %get3A_24] : memref<1x64xf32, #tpu.memory_space<vmem>>, vector<1x64xf32>
    %mul3A_26 = vector.broadcast %div3A_1 : f32 to vector<1024x64xf32>
    %mul3A_27 = arith.mulf %add3A_22, %mul3A_26 : vector<1024x64xf32>
    %mul3A_28 = vector.broadcast %get3A_25 : vector<1x64xf32> to vector<1024x64xf32>
    %mul3A_29 = arith.mulf %mul3A_28, %mul3A_27 : vector<1024x64xf32>
    %get3A_30 = arith.constant 0 : index
    %get3A_31 = arith.constant 0 : index
    %get3A_32 = vector.load %arg6[%get3A_30, %get3A_31] : memref<1x64xf32, #tpu.memory_space<vmem>>, vector<1x64xf32>
    %add3A_33 = vector.broadcast %get3A_32 : vector<1x64xf32> to vector<1024x64xf32>
    %add3A_34 = arith.addf %mul3A_29, %add3A_33 : vector<1024x64xf32>
    %max3A = arith.constant 0.000000e+00 : f32
    %max3A_35 = vector.broadcast %max3A : f32 to vector<1024x64xf32>
    %max3A_36 = arith.maximumf %add3A_34, %max3A_35 : vector<1024x64xf32>
    %get3A_37 = arith.constant 0 : index
    %get3A_38 = arith.constant 0 : index
    %get3A_39 = vector.load %arg7[%get3A_37, %get3A_38] : memref<64x32xf32, #tpu.memory_space<vmem>>, vector<64x32xf32>
    %dot_general3A = arith.constant dense<0.000000e+00> : vector<1024x32xf32>
    %dot_general3A_40 = tpu.matmul %max3A_36, %get3A_39, %dot_general3A {dimension_numbers = #tpu.dot_dimension_numbers<[1], [0], [0], [1], [0, 0, 1, 1], [], []>, transpose_lhs_hint = false} : vector<1024x64xf32>, vector<64x32xf32>, vector<1024x32xf32> -> vector<1024x32xf32>
    %mul3A_41 = vector.broadcast %get3A_3 : vector<1024x1xf32> to vector<1024x32xf32>
    %mul3A_42 = arith.mulf %dot_general3A_40, %mul3A_41 : vector<1024x32xf32>
    %swap3A = arith.constant 0 : index
    %swap3A_43 = arith.constant 0 : index
    %swap3A_44 = vector.load %arg8[%swap3A, %swap3A_43] : memref<1024x32xf32, #tpu.memory_space<vmem>>, vector<1024x32xf32>
    tpu.vector_store %arg8[%swap3A, %swap3A_43], %mul3A_42 {strides = array<i32>} : memref<1024x32xf32, #tpu.memory_space<vmem>>, vector<1024x32xf32>,
    return
  }
  func.func @transform_0(%arg0: i32) -> (i32, i32, i32) {
    %c0_i32 = arith.constant 0 : i32
    %c0_i32_0 = arith.constant 0 : i32
    %c0_i32_1 = arith.constant 0 : i32
    return %c0_i32, %arg0, %c0_i32_0 : i32, i32, i32
  }
  func.func @transform_1(%arg0: i32) -> (i32, i32) {
    %c0_i32 = arith.constant 0 : i32
    %c0_i32_0 = arith.constant 0 : i32
    return %arg0, %c0_i32 : i32, i32
  }
  func.func @transform_2(%arg0: i32) -> (i32, i32) {
    %c0_i32 = arith.constant 0 : i32
    %c0_i32_0 = arith.constant 0 : i32
    return %arg0, %c0_i32 : i32, i32
  }
  func.func @transform_3(%arg0: i32) -> (i32, i32) {
    %c0_i32 = arith.constant 0 : i32
    %c0_i32_0 = arith.constant 0 : i32
    %c0_i32_1 = arith.constant 0 : i32
    return %c0_i32, %c0_i32_0 : i32, i32
  }
  func.func @transform_4(%arg0: i32) -> (i32, i32) {
    %c0_i32 = arith.constant 0 : i32
    %c0_i32_0 = arith.constant 0 : i32
    %c0_i32_1 = arith.constant 0 : i32
    return %c0_i32, %c0_i32_0 : i32, i32
  }
  func.func @transform_5(%arg0: i32) -> (i32, i32) {
    %c0_i32 = arith.constant 0 : i32
    %c0_i32_0 = arith.constant 0 : i32
    %c0_i32_1 = arith.constant 0 : i32
    return %c0_i32, %c0_i32_0 : i32, i32
  }
  func.func @transform_6(%arg0: i32) -> (i32, i32) {
    %c0_i32 = arith.constant 0 : i32
    %c0_i32_0 = arith.constant 0 : i32
    %c0_i32_1 = arith.constant 0 : i32
    return %c0_i32, %c0_i32_0 : i32, i32
  }
  func.func @transform_7(%arg0: i32) -> (i32, i32) {
    %c0_i32 = arith.constant 0 : i32
    %c0_i32_0 = arith.constant 0 : i32
    return %arg0, %c0_i32 : i32, i32
  }
}

module attributes {stable_mosaic.version = 14 : i64} {
  func.func @_tc_final_body(%arg0: i32, %arg1: memref<2x1024x32xf32, #tpu.memory_space<vmem>>, %arg2: memref<1024x32xf32, #tpu.memory_space<vmem>>, %arg3: memref<1024x1xf32, #tpu.memory_space<vmem>>, %arg4: memref<1x32xf32, #tpu.memory_space<vmem>>, %arg5: memref<1x32xf32, #tpu.memory_space<vmem>>, %arg6: memref<1x32xf32, #tpu.memory_space<vmem>>, %arg7: memref<32x10xf32, #tpu.memory_space<vmem>>, %arg8: memref<1x10xf32, #tpu.memory_space<vmem>>, %arg9: memref<1024x10xf32, #tpu.memory_space<vmem>>) attributes {dimension_semantics = [#tpu.dimension_semantics<arbitrary>], iteration_bounds = array<i64: 10>, scalar_prefetch = 0 : i64, scratch_operands = 0 : i64, tpu.core_type = #tpu.core_type<tc>, window_params = [{transform_indices = @transform_0, window_bounds = array<i64: 2, 1024, 32>}, {transform_indices = @transform_1, window_bounds = array<i64: 1024, 32>}, {transform_indices = @transform_2, window_bounds = array<i64: 1024, 1>}, {pipeline_mode = #tpu.pipeline_mode<synchronous>, transform_indices = @transform_3, window_bounds = array<i64: 1, 32>}, {pipeline_mode = #tpu.pipeline_mode<synchronous>, transform_indices = @transform_4, window_bounds = array<i64: 1, 32>}, {pipeline_mode = #tpu.pipeline_mode<synchronous>, transform_indices = @transform_5, window_bounds = array<i64: 1, 32>}, {pipeline_mode = #tpu.pipeline_mode<synchronous>, transform_indices = @transform_6, window_bounds = array<i64: 32, 10>}, {pipeline_mode = #tpu.pipeline_mode<synchronous>, transform_indices = @transform_7, window_bounds = array<i64: 1, 10>}, {transform_indices = @transform_8, window_bounds = array<i64: 1024, 10>}]} {
    %sqrt3A = arith.constant 1.000010e+00 : f32
    %sqrt3A_0 = math.sqrt %sqrt3A : f32
    %div3A = arith.constant 1.000000e+00 : f32
    %div3A_1 = arith.divf %div3A, %sqrt3A_0 : f32
    %get3A = arith.constant 0 : index
    %get3A_2 = arith.constant 0 : index
    %get3A_3 = vector.load %arg3[%get3A, %get3A_2] : memref<1024x1xf32, #tpu.memory_space<vmem>>, vector<1024x1xf32>
    %get3A_4 = arith.constant 0 : index
    %get3A_5 = arith.constant 0 : index
    %get3A_6 = arith.constant 0 : index
    %get3A_7 = vector.load %arg1[%get3A_4, %get3A_5, %get3A_6] : memref<2x1024x32xf32, #tpu.memory_space<vmem>>, vector<1x1024x32xf32>
    %get3A_8 = vector.shape_cast %get3A_7 : vector<1x1024x32xf32> to vector<1024x32xf32>
    %get3A_9 = arith.constant 1 : index
    %get3A_10 = arith.constant 0 : index
    %get3A_11 = arith.constant 0 : index
    %get3A_12 = vector.load %arg1[%get3A_9, %get3A_10, %get3A_11] : memref<2x1024x32xf32, #tpu.memory_space<vmem>>, vector<1x1024x32xf32>
    %get3A_13 = vector.shape_cast %get3A_12 : vector<1x1024x32xf32> to vector<1024x32xf32>
    %add3A = arith.addf %get3A_8, %get3A_13 : vector<1024x32xf32>
    %get3A_14 = arith.constant 0 : index
    %get3A_15 = arith.constant 0 : index
    %get3A_16 = vector.load %arg2[%get3A_14, %get3A_15] : memref<1024x32xf32, #tpu.memory_space<vmem>>, vector<1024x32xf32>
    %sub3A = arith.subf %add3A, %get3A_16 : vector<1024x32xf32>
    %mul3A = vector.broadcast %get3A_3 : vector<1024x1xf32> to vector<1024x32xf32>
    %mul3A_17 = arith.mulf %sub3A, %mul3A : vector<1024x32xf32>
    %get3A_18 = arith.constant 0 : index
    %get3A_19 = arith.constant 0 : index
    %get3A_20 = vector.load %arg4[%get3A_18, %get3A_19] : memref<1x32xf32, #tpu.memory_space<vmem>>, vector<1x32xf32>
    %add3A_21 = vector.broadcast %get3A_20 : vector<1x32xf32> to vector<1024x32xf32>
    %add3A_22 = arith.addf %mul3A_17, %add3A_21 : vector<1024x32xf32>
    %get3A_23 = arith.constant 0 : index
    %get3A_24 = arith.constant 0 : index
    %get3A_25 = vector.load %arg5[%get3A_23, %get3A_24] : memref<1x32xf32, #tpu.memory_space<vmem>>, vector<1x32xf32>
    %mul3A_26 = vector.broadcast %div3A_1 : f32 to vector<1024x32xf32>
    %mul3A_27 = arith.mulf %add3A_22, %mul3A_26 : vector<1024x32xf32>
    %mul3A_28 = vector.broadcast %get3A_25 : vector<1x32xf32> to vector<1024x32xf32>
    %mul3A_29 = arith.mulf %mul3A_28, %mul3A_27 : vector<1024x32xf32>
    %get3A_30 = arith.constant 0 : index
    %get3A_31 = arith.constant 0 : index
    %get3A_32 = vector.load %arg6[%get3A_30, %get3A_31] : memref<1x32xf32, #tpu.memory_space<vmem>>, vector<1x32xf32>
    %add3A_33 = vector.broadcast %get3A_32 : vector<1x32xf32> to vector<1024x32xf32>
    %add3A_34 = arith.addf %mul3A_29, %add3A_33 : vector<1024x32xf32>
    %max3A = arith.constant 0.000000e+00 : f32
    %max3A_35 = vector.broadcast %max3A : f32 to vector<1024x32xf32>
    %max3A_36 = arith.maximumf %add3A_34, %max3A_35 : vector<1024x32xf32>
    %get3A_37 = arith.constant 0 : index
    %get3A_38 = arith.constant 0 : index
    %get3A_39 = vector.load %arg7[%get3A_37, %get3A_38] : memref<32x10xf32, #tpu.memory_space<vmem>>, vector<32x10xf32>
    %dot_general3A = arith.constant dense<0.000000e+00> : vector<1024x10xf32>
    %dot_general3A_40 = tpu.matmul %max3A_36, %get3A_39, %dot_general3A {dimension_numbers = #tpu.dot_dimension_numbers<[1], [0], [0], [1], [0, 0, 1, 1], [], []>, transpose_lhs_hint = false} : vector<1024x32xf32>, vector<32x10xf32>, vector<1024x10xf32> -> vector<1024x10xf32>
    %get3A_41 = arith.constant 0 : index
    %get3A_42 = arith.constant 0 : index
    %get3A_43 = vector.load %arg8[%get3A_41, %get3A_42] : memref<1x10xf32, #tpu.memory_space<vmem>>, vector<1x10xf32>
    %add3A_44 = vector.broadcast %get3A_43 : vector<1x10xf32> to vector<1024x10xf32>
    %add3A_45 = arith.addf %dot_general3A_40, %add3A_44 : vector<1024x10xf32>
    %swap3A = arith.constant 0 : index
    %swap3A_46 = arith.constant 0 : index
    %swap3A_47 = vector.load %arg9[%swap3A, %swap3A_46] : memref<1024x10xf32, #tpu.memory_space<vmem>>, vector<1024x10xf32>
    tpu.vector_store %arg9[%swap3A, %swap3A_46], %add3A_45 {strides = array<i32>} : memref<1024x10xf32, #tpu.memory_space<vmem>>, vector<1024x10xf32>,
    return
  }
  func.func @transform_0(%arg0: i32) -> (i32, i32, i32) {
    %c0_i32 = arith.constant 0 : i32
    %c0_i32_0 = arith.constant 0 : i32
    %c0_i32_1 = arith.constant 0 : i32
    return %c0_i32, %arg0, %c0_i32_0 : i32, i32, i32
  }
  func.func @transform_1(%arg0: i32) -> (i32, i32) {
    %c0_i32 = arith.constant 0 : i32
    %c0_i32_0 = arith.constant 0 : i32
    return %arg0, %c0_i32 : i32, i32
  }
  func.func @transform_2(%arg0: i32) -> (i32, i32) {
    %c0_i32 = arith.constant 0 : i32
    %c0_i32_0 = arith.constant 0 : i32
    return %arg0, %c0_i32 : i32, i32
  }
  func.func @transform_3(%arg0: i32) -> (i32, i32) {
    %c0_i32 = arith.constant 0 : i32
    %c0_i32_0 = arith.constant 0 : i32
    %c0_i32_1 = arith.constant 0 : i32
    return %c0_i32, %c0_i32_0 : i32, i32
  }
  func.func @transform_4(%arg0: i32) -> (i32, i32) {
    %c0_i32 = arith.constant 0 : i32
    %c0_i32_0 = arith.constant 0 : i32
    %c0_i32_1 = arith.constant 0 : i32
    return %c0_i32, %c0_i32_0 : i32, i32
  }
  func.func @transform_5(%arg0: i32) -> (i32, i32) {
    %c0_i32 = arith.constant 0 : i32
    %c0_i32_0 = arith.constant 0 : i32
    %c0_i32_1 = arith.constant 0 : i32
    return %c0_i32, %c0_i32_0 : i32, i32
  }
  func.func @transform_6(%arg0: i32) -> (i32, i32) {
    %c0_i32 = arith.constant 0 : i32
    %c0_i32_0 = arith.constant 0 : i32
    %c0_i32_1 = arith.constant 0 : i32
    return %c0_i32, %c0_i32_0 : i32, i32
  }
  func.func @transform_7(%arg0: i32) -> (i32, i32) {
    %c0_i32 = arith.constant 0 : i32
    %c0_i32_0 = arith.constant 0 : i32
    %c0_i32_1 = arith.constant 0 : i32
    return %c0_i32, %c0_i32_0 : i32, i32
  }
  func.func @transform_8(%arg0: i32) -> (i32, i32) {
    %c0_i32 = arith.constant 0 : i32
    %c0_i32_0 = arith.constant 0 : i32
    return %arg0, %c0_i32 : i32, i32
  }
}

</mosaic_0001>

<sc_bundles>
// kernel: kernel.11.cloned.1.call-start
scs
__scs_entry_jumppad:
0x0: {  	(pc) =	sbr.rel $0x88, $3  }
0x1: {  	(tag) =	ssettag $0x0;
	lr =	simm.s32 $0x1  }
0x2: {  	[smem:$0x3F95] =	sst lr;
	_ =	strace $0xD0000000  }
0x3: {  	_ = 	snop  }
0x4: {  	_ = 	snop  }
0x5: {  	_ = 	snop  }
0x6: {  	_ = 	snop  }
0x7: {  	_ = 	snop  }
__scs_overlays_trampoline_lowered:
0x8: {  	[smem:$0x3FA4] =	sst s0  }
0x9: {  	[smem:$0x3FA5] =	sst s1  }
0xa: {  	[smem:$0x3FA6] =	sst s2  }
0xb: {  	[smem:$0x3FA7] =	sst s3  }
0xc: {  	[smem:$0x3FA8] =	sst s4  }
0xd: {  	[smem:$0x3FA9] =	sst s5  }
0xe: {  	[smem:$0x3FAA] =	sst s6  }
0xf: {  	[smem:$0x3FAB] =	sst s7  }
0x10: {  	[smem:$0x3FAC] =	sst s8  }
0x11: {  	[smem:$0x3FAD] =	sst s9;
	s0 =	simm.s32 @!p0 $0x0  }
0x12: {  	s1 =	sld [smem:$0x3F93];
	s0 =	simm.s32 @p0 $0x1  }
0x13: {  	[smem:$0x3FAE] =	sst s0;
	s0 =	simm.s32 @!p1 $0x0  }
0x14: {  	s2 =	sld [smem:$0x3F92];
	s0 =	simm.s32 @p1 $0x1  }
0x15: {  	[smem:$0x3FAF] =	sst s0;
	s0 =	simm.s32 @!p2 $0x0  }
0x16: {  	s3 =	sld [smem:$0x3FDB];
	s0 =	simm.s32 @p2 $0x1  }
0x17: {  	s4 =	simm.s32 $0x1BF5;
	[smem:$0x3FB1] =	sst s0  }
0x18: {  	s0 =	sld [smem:$0x3F94];
	_ =	swait.ge [sflag:s4], $0x0  }
0x19: {  	s7 =	sld [smem:$0x3F95]  }
0x1a: {  	s8 =	sadd.s32 $0xFFFFE003, lr  }
0x1b: {  	s9 =	sadd.s32 $0xFFFFFEF7, lr;
	s5 =	simm.s32 $0xFFFFFFFF;
	p2 =	slt.u32 s8, $0xFFFFF086  }
0x1c: {  	p1 =	slt.u32 s9, $0xF7A;
	s5 =	simm.s32 @!p2 $0x0  }
0x1d: {  	s5 =	simm.s32 @p1 $0x1;
	p0 =	seq.s32 s7, s2  }
0x1e: {  	s7 =	smul.u32 @!p0 $0xF7A, s2;
	p2 =	seq.s32 @!p0 s5, $0x0  }
0x1f: {  	s9 =	smul.u32 $0xF7A, s1;
	s8 =	simm.s32 @!p0 $0x1BF5;
	p2 =	por !p2, p0  }
0x20: {  	[sflag:s8] =	ssyncset.s32 @!p0 $0xFFFFF086;
	s6 =	sadd.s32 @!p0 s3, s7;
	s7 =	simm.s32 @!p0 $0x108  }
0x21: {  	s3 =	sadd.s32 s3, s9;
	s6 =	sadd.s32 @!p0 $0x88, s6;
	s7 =	simm.s32 @p2 $0x1082  }
0x22: {  	[simem:s7], [sflag:s8] =	dma.local @!p0 [hbm:s6], $0xF7A  }
0x23: {  	s9 =	sor.u32 $0xD0000000, s2;
	s6 =	simm.s32 $0x108;
	_ =	swait.ge @!p0 [sflag:s8], $0x0  }
0x24: {  	s3 =	sadd.s32 $0x88, s3;
	s6 =	simm.s32 @!p1 $0x1082;
	[sflag:s4] =	ssyncset.s32 $0xFFFFF086  }
0x25: {  	[simem:s6], [sflag:s4] =	dma.local [hbm:s3], $0xF7A  }
0x26: {  	[smem:$0x3F95] =	sst s1;
	(tag) =	ssettag s2;
	_ =	strace s9  }
0x27: {  	s1 =	sld [smem:$0x3FA5]  }
0x28: {  	s2 =	sld [smem:$0x3FA6]  }
0x29: {  	s4 =	sld [smem:$0x3FA8]  }
0x2a: {  	p0 =	seq.s32 s5, $0x0;
	s5 =	sld [smem:$0x3FA9]  }
0x2b: {  	s6 =	sld [smem:$0x3FAA]  }
0x2c: {  	s7 =	sld [smem:$0x3FAB]  }
0x2d: {  	s3 =	simm.s32 $0x108;
	s8 =	sld [smem:$0x3FAC]  }
0x2e: {  	s3 =	simm.s32 @!p0 $0x1082;
	s9 =	sld [smem:$0x3FAD]  }
0x2f: {  	lr =	sadd.s32 s0, s3;
	s0 =	sld [smem:$0x3FA4]  }
0x30: {  	s3 =	sld [smem:$0x3FA7]  }
0x31: {  	[smem:$0x3FB0] =	sst s10  }
0x32: {  	s10 =	sld [smem:$0x3FAE];
	_ =	sdelay $0x3  }
0x33: {  	p0 =	seq.s32 s10, $0x1;
	s10 =	sld [smem:$0x3FB0];
	_ =	sdelay $0x3  }
0x34: {  	[smem:$0x3FB0] =	sst s10  }
0x35: {  	s10 =	sld [smem:$0x3FAF];
	_ =	sdelay $0x3  }
0x36: {  	p1 =	seq.s32 s10, $0x1;
	s10 =	sld [smem:$0x3FB0];
	_ =	sdelay $0x3  }
0x37: {  	[smem:$0x3FB0] =	sst s10  }
0x38: {  	s10 =	sld [smem:$0x3FB1]  }
0x39: {  	_ = 	snop;
	(pc) =	sbr.ind lr, $3  }
0x3a: {  	_ = 	snop  }
0x3b: {  	_ = 	snop  }
0x3c: {  	p2 =	seq.s32 s10, $0x1;
	s10 =	sld [smem:$0x3FB0]  }
0x3d: {  	_ =	shalt  }
0x3e: {  	_ =	shalt  }
0x3f: {  	_ =	shalt  }
0x40: {  	_ =	shalt  }
0x41: {  	_ =	shalt  }
0x42: {  	_ =	shalt  }
0x43: {  	_ =	shalt  }
0x44: {  	_ =	shalt  }
0x45: {  	_ =	shalt  }
0x46: {  	_ =	shalt  }
0x47: {  	_ =	shalt  }
0x48: {  	_ =	shalt  }
0x49: {  	_ =	shalt  }
0x4a: {  	_ =	shalt  }
0x4b: {  	_ =	shalt  }
0x4c: {  	_ =	shalt  }
0x4d: {  	_ =	shalt  }
0x4e: {  	_ =	shalt  }
0x4f: {  	_ =	shalt  }
0x50: {  	_ =	shalt  }
0x51: {  	_ =	shalt  }
0x52: {  	_ =	shalt  }
0x53: {  	_ =	shalt  }
0x54: {  	_ =	shalt  }
0x55: {  	_ =	shalt  }
0x56: {  	_ =	shalt  }
0x57: {  	_ =	shalt  }
0x58: {  	_ =	shalt  }
0x59: {  	_ =	shalt  }
0x5a: {  	_ =	shalt  }
0x5b: {  	_ =	shalt  }
0x5c: {  	_ =	shalt  }
0x5d: {  	_ =	shalt  }
0x5e: {  	_ =	shalt  }
0x5f: {  	_ =	shalt  }
0x60: {  	_ =	shalt  }
0x61: {  	_ =	shalt  }
0x62: {  	_ =	shalt  }
0x63: {  	_ =	shalt  }
0x64: {  	_ =	shalt  }
0x65: {  	_ =	shalt  }
0x66: {  	_ =	shalt  }
0x67: {  	_ =	shalt  }
0x68: {  	_ =	shalt  }
0x69: {  	_ =	shalt  }
0x6a: {  	_ =	shalt  }
0x6b: {  	_ =	shalt  }
0x6c: {  	_ =	shalt  }
0x6d: {  	_ =	shalt  }
0x6e: {  	_ =	shalt  }
0x6f: {  	_ =	shalt  }
0x70: {  	_ =	shalt  }
0x71: {  	_ =	shalt  }
0x72: {  	_ =	shalt  }
0x73: {  	_ =	shalt  }
0x74: {  	_ =	shalt  }
0x75: {  	_ =	shalt  }
0x76: {  	_ =	shalt  }
0x77: {  	_ =	shalt  }
0x78: {  	_ =	shalt  }
0x79: {  	_ =	shalt  }
0x7a: {  	_ =	shalt  }
0x7b: {  	_ =	shalt  }
0x7c: {  	_ =	shalt  }
0x7d: {  	_ =	shalt  }
0x7e: {  	_ =	shalt  }
0x7f: {  	_ =	shalt  }
0x80: {  	_ =	shalt  }
0x81: {  	_ =	shalt  }
0x82: {  	_ =	shalt  }
0x83: {  	_ =	shalt  }
0x84: {  	_ =	shalt  }
0x85: {  	_ =	shalt  }
0x86: {  	_ =	shalt  }
0x87: {  	_ =	shalt  }
.Lfunc_end0:
.L_simem_size_0:
called_computation.1_lowered:
.L_overlay_start_0:
0x88: {  	s2 =	sld [smem:$0x3FD9]  }
0x89: {  	s3 =	sld [smem:$0x3FFE];
	_ =	sdelay $0x1  }
0x8a: {  	s1 =	srdreg.scid  }
0x8b: {  	s0 =	sand.u32 $0x1, s1  }
0x8c: {  	s16 =	sshll.u32 s0, $0xA;
	s2 =	sadd.s32 s3, s2  }
0x8d: {  	s2 =	sadd.s32 s2, s16  }
0x8e: {  	[smem:$0x3FBC] =	sst s2  }
0x8f: {  	_ = 	snop  }
0x90: {  	(tm) =	ssettm $0x1  }
0x91: {  	s17 =	sld [smem:$0x3FFB];
	_ =	sdelay $0x3  }
0x92: {  	_ =	strace s17  }
0x93: {  	s2 =	sld [smem:$0x3FFC];
	_ =	sdelay $0x3  }
0x94: {  	_ =	strace s2  }
0x95: {  	s2 =	sld [smem:$0x3FFD];
	_ =	sdelay $0x3  }
0x96: {  	_ =	strace s2  }
0x97: {  	_ =	strace $0x8FFFFFFF  }
0x98: {  	s18 =	sld [smem:$0x3FDB];
	_ =	sdelay $0x1  }
0x99: {  	s19 =	simm.s32 $_scs_section_size  }
0x9a: {  	s4 =	simm.s32 $_size__tile_overlayer_lowered;
	s5 =	simm.s32 $_tile_overlayer_lowered  }
0x9b: {  	s22 =	simm.s32 $0x1BFF;
	s21 =	sshll.u32 s5, $0x1;
	s2 =	sadd.s32 s19, s18  }
0x9c: {  	s6 =	simm.s32 $0x0;
	s20 =	sshll.u32 s4, $0x1;
	s4 =	sadd.s32 s21, s2  }
0x9d: {  	[timem:s6], [sflag:s22] =	dma.local [hbm:s4], s20  }
0x9e: {  	_ =	swait.ge [sflag:s22], s20  }
0x9f: {  	s3 =	ssub.s32 $0x0, s20;
	[sflag:s22] =	ssyncset.done $0x0  }
0xa0: {  	[sflag:s22] =	ssyncadd.s32 s3;
	_ =	sdelay $0x1  }
0xa1: {  	s23 =	simm.s32 $0x1B8B  }
0xa2: {  	_ =	swait.ge [sflag:s23], $0x1  }
0xa3: {  	[sflag:s23] =	ssyncset.done $0x0  }
0xa4: {  	s25 =	simm.s32 $0x1B8E;
	s24 =	sld [smem:$0x3FFE];
	[sflag:s23] =	ssyncadd.s32 $0xFFFFFFFF  }
0xa5: {  	s26 =	simm.s32 $execute0_lowered;
	[smem:$0x3FD2] =	sst s25  }
0xa6: {  	s4 =	sshll.u32 s26, $0x1;
	_ =	strace $0x80000049;
	[dreg:$0x1] =	wrdreg $0xFFFFFFFF  }
0xa7: {  	s28 =	simm.s32 $_size_execute0_lowered;
	s2 =	sadd.s32 s2, s4;
	[dreg:$0x0] =	wrdreg $0x0  }
0xa8: {  	s4 =	sshll.u32 s28, $0x1;
	[dreg:$0x2] =	wrdreg s2  }
0xa9: {  	[dreg:$0x3] =	wrdreg s4  }
0xaa: {  	[dreg:$0x4] =	wrdreg $0xC0  }
0xab: {  	_ =	task [dreg:s6], $0x5FFFF  }
0xac: {  	[dreg:$0x1] =	wrdreg $0xFFFFFFFF  }
0xad: {  	[dreg:$0x0] =	wrdreg $0x60  }
0xae: {  	[dreg:$0x2] =	wrdreg s24  }
0xaf: {  	[dreg:$0x3] =	wrdreg $0x150000  }
0xb0: {  	[dreg:$0x4] =	wrdreg $0x9  }
0xb1: {  	_ =	task.clear_ibuf [dreg:s6], $0x5FFFF;
	_ =	strace $0x90000049  }
0xb2: {  	s29 =	simm.s32 $0x9;
	_ =	strace $0x8000004B  }
0xb3: {  	_ =	swait.ge [sflag:s29], $0x1  }
0xb4: {  	[sflag:s29] =	ssyncadd.s32 $0xFFFFFFFF  }
0xb5: {  	_ =	strace $0x9000004B  }
0xb6: {  	_ =	sfence  }
0xb7: {  	s30 =	sld [smem:$0x0];
	_ =	sdelay $0x2  }
0xb8: {  	s31 =	sshll.u32 s1, $0xD;
	s1 =	sshrl.u32 s1, $0x2  }
0xb9: {  	s3 =	sand.u32 $0x4000, s31;
	s1 =	sadd.s32 s1, s30  }
0xba: {  	s0 =	sor.u32 s3, s0;
	s1 =	sshll.u32 s1, $0x11  }
0xbb: {  	s0 =	sor.u32 s1, s0  }
0xbc: {  	s0 =	sadd.s32 $0x8F2B, s0  }
0xbd: {  	[sflag:s0] =	ssyncadd.remote.s32 $0x1  }
0xbe: {  	_ =	sfence.sel $0xFFFF  }
0xbf: {  	[dreg:$0x0] =	wrdreg $0xFFFFFFFF;
	(pc) =	sbr.abs _section_cstart, $3  }
0xc0: {  	[dreg:$0x1] =	wrdreg $0xFFFFFFFF  }
0xc1: {  	_ =	task.clear_ibuf [dreg:s6], $0x2FFFF;
	_ =	strace $0x9FFFFFFF  }
0xc2: {  	(tm) =	ssettm $0x7FFFFFFF  }
0xc3: {  	_ =	shalt  }
tec
execute0_lowered:
.L_overlay_start_1:
0x0: {  	(tag) =	ssettag $0x1  }
0x1: {  	s0 =	srdreg.scid  }
0x2: {  	s1 =	rddreg [dreg:$0x0];
	s24 =	stileid.u32  }
0x3: {  	s2 =	rddreg [dreg:$0x1];
	s3 =	simm.s32 $0x0;
	s12 =	simm.s32 $0x3  }
0x4: {  	s14 =	simm.s32 $0x80;
	s15 =	simm.s32 $0x5000;
	s16 =	simm.s32 $0x7000  }
0x5: {  	s18 =	simm.s32 $0x9000;
	s20 =	simm.s32 $0xB000;
	s21 =	simm.s32 $0xD000  }
0x6: {  	s22 =	simm.s32 $0xF000;
	s23 =	simm.s32 $0x11000;
	s7 =	smul.u32 $0x2800, s24  }
0x7: {  	s28 =	simm.s32 $0x0;
	s5 =	sand.u32 $0x1, s0;
	s8 =	smul.u32 $0xA000, s24  }
0x8: {  	[smem:$0x7FF] =	sst s3;
	s4 =	sadd.s32 $0x1B400, s1;
	s6 =	smul.u32 $0x28000, s5  }
0x9: {  	s31 =	sshll.u32 s24, $0x6;
	s9 =	smul.u32 $0xA0000, s5;
	s5 =	ssub.s32 $0x2, s5  }
0xa: {  	s24 =	simm.s32 $0x13000;
	_ =	strace $0x8000004A;
	s29 =	sshrl.u32 s5, $0x1  }
0xb: {  	s30 =	sshrl.u32 s8, $0x3;
	s11 =	sadd.s32 s8, s2;
	s6 =	sadd.s32 s7, s6  }
0xc: {  	s25 =	sadd.s32 s8, s9;
	s10 =	ssub.s32 s5, s29;
	s5 =	sadd.s32 s4, s30  }
0xd: {  	s11 =	sshrl.u32 s11, $0x3;
	s6 =	sshrl.u32 s6, $0x3;
	s7 =	sshrl.u32 s25, $0x3  }
0xe: {  	s10 =	smax.u32 s10, $0x1;
	s25 =	simm.s32 $0x1;
	s26 =	sadd.s32 s6, s1  }
0xf: {  	s1 =	sadd.s32 s7, s1;
	s6 =	sor.u32 $0x1C03, s31;
	s7 =	sadd.s32 $0x11400, s26  }
0x10: {  	s8 =	sadd.s32 $0x2200, s26;
	s9 =	sadd.s32 $0x2F400, s1;
	s26 =	simm.s32 $0x2  }
.LBB2_1:
0x11: {  	[spmem:s11], [sflag:s6] =	dma.local [hbm:s5], $0x1400  }
0x12: {  	_ =	swait.ge [sflag:s12], $0x1400  }
0x13: {  	[sflag:s12] =	ssyncset.done $0x0  }
0x14: {  	[sflag:s12] =	ssyncadd.s32 $0xFFFFEC00  }
0x15: {  	[tilespmem:s3], [sflag:$0x3] =	stream.linear.gather [hbm4b:s7+s3], $0x2800, $0x38;
	[tilespmem:$0x1F000] =	vst v63  }
0x16: {  	_ =	swait.ge [sflag:s12], $0x2800  }
0x17: {  	[sflag:s12] =	ssyncset.done $0x0  }
0x18: {  	s0 =	simm.s32 $0x2800;
	[sflag:s12] =	ssyncadd.s32 $0xFFFFD800  }
0x19: {  	[tilespmem:s0], [sflag:$0x3] =	stream.linear.gather [hbm4b:s8+s3], $0x2800, $0x38;
	[tilespmem:$0x1F000] =	vst v63  }
0x1a: {  	_ =	swait.ge [sflag:s12], $0x2800  }
0x1b: {  	[sflag:s12] =	ssyncset.done $0x0  }
0x1c: {  	[sflag:s12] =	ssyncadd.s32 $0xFFFFD800  }
0x1d: {  	[bflag:$0x0] =	sbarrier.arrive $0xFFFF  }
0x1e: {  	[tilespmem:s15], [sflag:$0x1] =	stream.indirect.gather [hbm4b:s4+s14], $0x40, s3, s14, $0xb8;
	[tilespmem:$0x1F000] =	vst v63  }
0x1f: {  	_ = 	snop  }
0x20: {  	[tilespmem:s16], [sflag:$0x1] =	stream.indirect.gather [hbm4b:s4+s14], $0x40, s14, s14, $0xb8;
	[tilespmem:$0x1F000] =	vst v63  }
0x21: {  	s19 =	simm.s32 $0x100  }
0x22: {  	[tilespmem:s18], [sflag:$0x1] =	stream.indirect.gather [hbm4b:s4+s14], $0x40, s19, s14, $0xb8;
	[tilespmem:$0x1F000] =	vst v63  }
0x23: {  	s1 =	simm.s32 $0x180  }
0x24: {  	[tilespmem:s20], [sflag:$0x1] =	stream.indirect.gather [hbm4b:s4+s14], $0x40, s1, s14, $0xb8;
	[tilespmem:$0x1F000] =	vst v63  }
0x25: {  	s1 =	simm.s32 $0x200  }
0x26: {  	[tilespmem:s21], [sflag:$0x2] =	stream.indirect.gather [hbm4b:s4+s14], $0x40, s1, s14, $0xb8;
	[tilespmem:$0x1F000] =	vst v63  }
0x27: {  	s13 =	simm.s32 $0x280  }
0x28: {  	[tilespmem:s22], [sflag:$0x2] =	stream.indirect.gather [hbm4b:s4+s14], $0x40, s13, s14, $0xb8;
	[tilespmem:$0x1F000] =	vst v63  }
0x29: {  	s17 =	simm.s32 $0x300  }
0x2a: {  	[tilespmem:s23], [sflag:$0x2] =	stream.indirect.gather [hbm4b:s4+s14], $0x40, s17, s14, $0xb8;
	[tilespmem:$0x1F000] =	vst v63  }
0x2b: {  	s19 =	simm.s32 $0x380  }
0x2c: {  	[tilespmem:s24], [sflag:$0x2] =	stream.indirect.gather [hbm4b:s4+s14], $0x40, s19, s14, $0xb8;
	[tilespmem:$0x1F000] =	vst v63  }
0x2d: {  	_ =	swait.ge [sflag:s25], $0x2000  }
0x2e: {  	[sflag:s25] =	ssyncset.done $0x0  }
0x2f: {  	[sflag:s25] =	ssyncadd.s32 $0xFFFFE000  }
0x30: {  	_ =	swait.ge [sflag:s25], $0x2000  }
0x31: {  	[sflag:s25] =	ssyncset.done $0x0  }
0x32: {  	[sflag:s25] =	ssyncadd.s32 $0xFFFFE000  }
0x33: {  	_ =	swait.ge [sflag:s25], $0x2000  }
0x34: {  	[sflag:s25] =	ssyncset.done $0x0  }
0x35: {  	[sflag:s25] =	ssyncadd.s32 $0xFFFFE000  }
0x36: {  	_ =	swait.ge [sflag:s25], $0x2000  }
0x37: {  	[sflag:s25] =	ssyncset.done $0x0  }
0x38: {  	s0 =	simm.s32 $0x2800;
	[sflag:s25] =	ssyncadd.s32 $0xFFFFE000  }
0x39: {  	[spmem:s2] =	stream.indirect.scatter.add.f32 [tilespmem:s15], [sflag:$0x3], $0x40, s0, s14, $0xb8;
	[tilespmem:$0x1F000] =	vst v63  }
0x3a: {  	_ =	swait.ge [sflag:s12], $0x2000  }
0x3b: {  	[sflag:s12] =	ssyncset.done $0x0  }
0x3c: {  	s13 =	simm.s32 $0x2880;
	[sflag:s12] =	ssyncadd.s32 $0xFFFFE000  }
0x3d: {  	[spmem:s2] =	stream.indirect.scatter.add.f32 [tilespmem:s16], [sflag:$0x3], $0x40, s13, s14, $0xb8;
	[tilespmem:$0x1F000] =	vst v63  }
0x3e: {  	_ =	swait.ge [sflag:s12], $0x2000  }
0x3f: {  	[sflag:s12] =	ssyncset.done $0x0  }
0x40: {  	s17 =	simm.s32 $0x2900;
	[sflag:s12] =	ssyncadd.s32 $0xFFFFE000  }
0x41: {  	[spmem:s2] =	stream.indirect.scatter.add.f32 [tilespmem:s18], [sflag:$0x3], $0x40, s17, s14, $0xb8;
	[tilespmem:$0x1F000] =	vst v63  }
0x42: {  	_ =	swait.ge [sflag:s12], $0x2000  }
0x43: {  	[sflag:s12] =	ssyncset.done $0x0  }
0x44: {  	s19 =	simm.s32 $0x2980;
	[sflag:s12] =	ssyncadd.s32 $0xFFFFE000  }
0x45: {  	[spmem:s2] =	stream.indirect.scatter.add.f32 [tilespmem:s20], [sflag:$0x3], $0x40, s19, s14, $0xb8;
	[tilespmem:$0x1F000] =	vst v63  }
0x46: {  	p0 =	por $0x0, $0x0;
	_ =	swait.ge [sflag:s12], $0x2000  }
0x47: {  	s29 =	simm.s32 @!p0 $0x400;
	[sflag:s12] =	ssyncset.done $0x0  }
0x48: {  	s30 =	simm.s32 @!p0 $0x80;
	s1 =	simm.s32 @!p0 $0x5000;
	[sflag:s12] =	ssyncadd.s32 $0xFFFFE000  }
0x49: {  	[tilespmem:s1], [sflag:$0x1] =	stream.indirect.gather @!p0 [hbm4b:s4+s30], $0x40, s29, s30, $0xb8;
	[tilespmem:$0x1F000] =	vst v63  }
0x4a: {  	s1 =	simm.s32 @!p0 $0x480;
	s29 =	simm.s32 @!p0 $0x7000  }
0x4b: {  	[tilespmem:s29], [sflag:$0x1] =	stream.indirect.gather @!p0 [hbm4b:s4+s30], $0x40, s1, s30, $0xb8;
	[tilespmem:$0x1F000] =	vst v63  }
0x4c: {  	s1 =	simm.s32 @!p0 $0x500;
	s29 =	simm.s32 @!p0 $0x9000  }
0x4d: {  	[tilespmem:s29], [sflag:$0x1] =	stream.indirect.gather @!p0 [hbm4b:s4+s30], $0x40, s1, s30, $0xb8;
	[tilespmem:$0x1F000] =	vst v63  }
0x4e: {  	s1 =	simm.s32 @!p0 $0x580;
	s29 =	simm.s32 @!p0 $0xB000  }
0x4f: {  	[tilespmem:s29], [sflag:$0x1] =	stream.indirect.gather @!p0 [hbm4b:s4+s30], $0x40, s1, s30, $0xb8;
	[tilespmem:$0x1F000] =	vst v63  }
0x50: {  	_ =	swait.ge [sflag:s26], $0x2000  }
0x51: {  	[sflag:s26] =	ssyncset.done $0x0  }
0x52: {  	[sflag:s26] =	ssyncadd.s32 $0xFFFFE000  }
0x53: {  	_ =	swait.ge [sflag:s26], $0x2000  }
0x54: {  	[sflag:s26] =	ssyncset.done $0x0  }
0x55: {  	[sflag:s26] =	ssyncadd.s32 $0xFFFFE000  }
0x56: {  	_ =	swait.ge [sflag:s26], $0x2000  }
0x57: {  	[sflag:s26] =	ssyncset.done $0x0  }
0x58: {  	[sflag:s26] =	ssyncadd.s32 $0xFFFFE000  }
0x59: {  	_ =	swait.ge [sflag:s26], $0x2000  }
0x5a: {  	[sflag:s26] =	ssyncset.done $0x0  }
0x5b: {  	s0 =	simm.s32 $0x2A00;
	[sflag:s26] =	ssyncadd.s32 $0xFFFFE000  }
0x5c: {  	[spmem:s2] =	stream.indirect.scatter.add.f32 [tilespmem:s21], [sflag:$0x3], $0x40, s0, s14, $0xb8;
	[tilespmem:$0x1F000] =	vst v63  }
0x5d: {  	_ =	swait.ge [sflag:s12], $0x2000  }
0x5e: {  	[sflag:s12] =	ssyncset.done $0x0  }
0x5f: {  	s13 =	simm.s32 $0x2A80;
	[sflag:s12] =	ssyncadd.s32 $0xFFFFE000  }
0x60: {  	[spmem:s2] =	stream.indirect.scatter.add.f32 [tilespmem:s22], [sflag:$0x3], $0x40, s13, s14, $0xb8;
	[tilespmem:$0x1F000] =	vst v63  }
0x61: {  	_ =	swait.ge [sflag:s12], $0x2000  }
0x62: {  	[sflag:s12] =	ssyncset.done $0x0  }
0x63: {  	s17 =	simm.s32 $0x2B00;
	[sflag:s12] =	ssyncadd.s32 $0xFFFFE000  }
0x64: {  	[spmem:s2] =	stream.indirect.scatter.add.f32 [tilespmem:s23], [sflag:$0x3], $0x40, s17, s14, $0xb8;
	[tilespmem:$0x1F000] =	vst v63  }
0x65: {  	_ =	swait.ge [sflag:s12], $0x2000  }
0x66: {  	[sflag:s12] =	ssyncset.done $0x0  }
0x67: {  	s19 =	simm.s32 $0x2B80;
	[sflag:s12] =	ssyncadd.s32 $0xFFFFE000  }
0x68: {  	[spmem:s2] =	stream.indirect.scatter.add.f32 [tilespmem:s24], [sflag:$0x3], $0x40, s19, s14, $0xb8;
	[tilespmem:$0x1F000] =	vst v63  }
0x69: {  	s31 =	simm.s32 $0x2000;
	_ =	swait.ge [sflag:s12], $0x2000  }
0x6a: {  	s30 =	simm.s32 $0x1000;
	s29 =	simm.s32 $0x400;
	[sflag:s12] =	ssyncset.done $0x0  }
.LBB2_2:
0x6b: {  	s0 =	sadd.s32 $0x200, s29  }
0x6c: {  	[sflag:s12] =	ssyncadd.s32 $0xFFFFE000;
	s1 =	smov.u32 s31;
	s31 =	sadd.s32 $0x1000, s31  }
0x6d: {  	[tilespmem:s21], [sflag:$0x2] =	stream.indirect.gather [hbm4b:s4+s14], $0x40, s0, s14, $0xb8;
	[tilespmem:$0x1F000] =	vst v63  }
0x6e: {  	p0 =	sne.s32 s31, $0xA000;
	s0 =	sadd.s32 $0x280, s29  }
0x6f: {  	[tilespmem:s22], [sflag:$0x2] =	stream.indirect.gather [hbm4b:s4+s14], $0x40, s0, s14, $0xb8;
	[tilespmem:$0x1F000] =	vst v63  }
0x70: {  	s0 =	sadd.s32 $0x300, s29  }
0x71: {  	[tilespmem:s23], [sflag:$0x2] =	stream.indirect.gather [hbm4b:s4+s14], $0x40, s0, s14, $0xb8;
	[tilespmem:$0x1F000] =	vst v63  }
0x72: {  	s0 =	sadd.s32 $0x380, s29  }
0x73: {  	[tilespmem:s24], [sflag:$0x2] =	stream.indirect.gather [hbm4b:s4+s14], $0x40, s0, s14, $0xb8;
	[tilespmem:$0x1F000] =	vst v63  }
0x74: {  	_ =	swait.ge [sflag:s25], $0x2000  }
0x75: {  	[sflag:s25] =	ssyncset.done $0x0  }
0x76: {  	[sflag:s25] =	ssyncadd.s32 $0xFFFFE000  }
0x77: {  	_ =	swait.ge [sflag:s25], $0x2000  }
0x78: {  	[sflag:s25] =	ssyncset.done $0x0  }
0x79: {  	[sflag:s25] =	ssyncadd.s32 $0xFFFFE000  }
0x7a: {  	_ =	swait.ge [sflag:s25], $0x2000  }
0x7b: {  	[sflag:s25] =	ssyncset.done $0x0  }
0x7c: {  	[sflag:s25] =	ssyncadd.s32 $0xFFFFE000  }
0x7d: {  	_ =	swait.ge [sflag:s25], $0x2000  }
0x7e: {  	[sflag:s25] =	ssyncset.done $0x0  }
0x7f: {  	s0 =	sadd.s32 $0x2800, s29;
	[sflag:s25] =	ssyncadd.s32 $0xFFFFE000  }
0x80: {  	[spmem:s2] =	stream.indirect.scatter.add.f32 [tilespmem:s15], [sflag:$0x3], $0x40, s0, s14, $0xb8;
	[tilespmem:$0x1F000] =	vst v63  }
0x81: {  	_ =	swait.ge [sflag:s12], $0x2000  }
0x82: {  	[sflag:s12] =	ssyncset.done $0x0  }
0x83: {  	s0 =	sadd.s32 $0x2880, s29;
	[sflag:s12] =	ssyncadd.s32 $0xFFFFE000  }
0x84: {  	[spmem:s2] =	stream.indirect.scatter.add.f32 [tilespmem:s16], [sflag:$0x3], $0x40, s0, s14, $0xb8;
	[tilespmem:$0x1F000] =	vst v63  }
0x85: {  	_ =	swait.ge [sflag:s12], $0x2000  }
0x86: {  	[sflag:s12] =	ssyncset.done $0x0  }
0x87: {  	s0 =	sadd.s32 $0x2900, s29;
	[sflag:s12] =	ssyncadd.s32 $0xFFFFE000  }
0x88: {  	[spmem:s2] =	stream.indirect.scatter.add.f32 [tilespmem:s18], [sflag:$0x3], $0x40, s0, s14, $0xb8;
	[tilespmem:$0x1F000] =	vst v63  }
0x89: {  	_ =	swait.ge [sflag:s12], $0x2000  }
0x8a: {  	[sflag:s12] =	ssyncset.done $0x0  }
0x8b: {  	s0 =	sadd.s32 $0x2980, s29;
	[sflag:s12] =	ssyncadd.s32 $0xFFFFE000  }
0x8c: {  	[spmem:s2] =	stream.indirect.scatter.add.f32 [tilespmem:s20], [sflag:$0x3], $0x40, s0, s14, $0xb8;
	[tilespmem:$0x1F000] =	vst v63  }
0x8d: {  	p1 =	seq.s32 s30, $0x9000;
	_ =	swait.ge [sflag:s12], $0x2000  }
0x8e: {  	s0 =	sshra.s32 @!p1 s30, $0x2;
	s30 =	simm.s32 @!p1 $0x5000;
	[sflag:s12] =	ssyncset.done $0x0  }
0x8f: {  	s17 =	simm.s32 @!p1 $0x80;
	s13 =	sadd.s32 @!p1 $0x400, s0;
	[sflag:s12] =	ssyncadd.s32 $0xFFFFE000  }
0x90: {  	[tilespmem:s30], [sflag:$0x1] =	stream.indirect.gather @!p1 [hbm4b:s4+s17], $0x40, s13, s17, $0xb8;
	[tilespmem:$0x1F000] =	vst v63  }
0x91: {  	s19 =	sadd.s32 @!p1 $0x500, s0;
	s13 =	sadd.s32 @!p1 $0x480, s0;
	s30 =	simm.s32 @!p1 $0x7000  }
0x92: {  	[tilespmem:s30], [sflag:$0x1] =	stream.indirect.gather @!p1 [hbm4b:s4+s17], $0x40, s13, s17, $0xb8;
	[tilespmem:$0x1F000] =	vst v63  }
0x93: {  	s0 =	sadd.s32 @!p1 $0x580, s0;
	s13 =	simm.s32 @!p1 $0x9000;
	s30 =	smov.u32 s1  }
0x94: {  	[tilespmem:s13], [sflag:$0x1] =	stream.indirect.gather @!p1 [hbm4b:s4+s17], $0x40, s19, s17, $0xb8;
	[tilespmem:$0x1F000] =	vst v63  }
0x95: {  	s1 =	simm.s32 @!p1 $0xB000  }
0x96: {  	[tilespmem:s1], [sflag:$0x1] =	stream.indirect.gather @!p1 [hbm4b:s4+s17], $0x40, s0, s17, $0xb8;
	[tilespmem:$0x1F000] =	vst v63  }
0x97: {  	_ =	swait.ge [sflag:s26], $0x2000  }
0x98: {  	[sflag:s26] =	ssyncset.done $0x0  }
0x99: {  	[sflag:s26] =	ssyncadd.s32 $0xFFFFE000  }
0x9a: {  	_ =	swait.ge [sflag:s26], $0x2000  }
0x9b: {  	[sflag:s26] =	ssyncset.done $0x0  }
0x9c: {  	[sflag:s26] =	ssyncadd.s32 $0xFFFFE000  }
0x9d: {  	_ =	swait.ge [sflag:s26], $0x2000  }
0x9e: {  	[sflag:s26] =	ssyncset.done $0x0  }
0x9f: {  	[sflag:s26] =	ssyncadd.s32 $0xFFFFE000  }
0xa0: {  	_ =	swait.ge [sflag:s26], $0x2000  }
0xa1: {  	[sflag:s26] =	ssyncset.done $0x0  }
0xa2: {  	s0 =	sadd.s32 $0x2A00, s29;
	[sflag:s26] =	ssyncadd.s32 $0xFFFFE000  }
0xa3: {  	[spmem:s2] =	stream.indirect.scatter.add.f32 [tilespmem:s21], [sflag:$0x3], $0x40, s0, s14, $0xb8;
	[tilespmem:$0x1F000] =	vst v63  }
0xa4: {  	_ =	swait.ge [sflag:s12], $0x2000  }
0xa5: {  	[sflag:s12] =	ssyncset.done $0x0  }
0xa6: {  	s0 =	sadd.s32 $0x2A80, s29;
	[sflag:s12] =	ssyncadd.s32 $0xFFFFE000  }
0xa7: {  	[spmem:s2] =	stream.indirect.scatter.add.f32 [tilespmem:s22], [sflag:$0x3], $0x40, s0, s14, $0xb8;
	[tilespmem:$0x1F000] =	vst v63  }
0xa8: {  	_ =	swait.ge [sflag:s12], $0x2000  }
0xa9: {  	[sflag:s12] =	ssyncset.done $0x0  }
0xaa: {  	s0 =	sadd.s32 $0x2B00, s29;
	[sflag:s12] =	ssyncadd.s32 $0xFFFFE000  }
0xab: {  	[spmem:s2] =	stream.indirect.scatter.add.f32 [tilespmem:s23], [sflag:$0x3], $0x40, s0, s14, $0xb8;
	[tilespmem:$0x1F000] =	vst v63  }
0xac: {  	_ =	swait.ge [sflag:s12], $0x2000  }
.Ltmp0:
0xad: {  	[sflag:s12] =	ssyncset.done $0x0;
	(pc) =	sbr.rel @p0 .LBB2_2-.Ltmp0, $4  }
0xae: {  	s0 =	sadd.s32 $0x2B80, s29;
	[sflag:s12] =	ssyncadd.s32 $0xFFFFE000  }
0xaf: {  	[spmem:s2] =	stream.indirect.scatter.add.f32 [tilespmem:s24], [sflag:$0x3], $0x40, s0, s14, $0xb8;
	[tilespmem:$0x1F000] =	vst v63  }
0xb0: {  	_ =	swait.ge [sflag:s12], $0x2000  }
0xb1: {  	s29 =	sshra.s32 s30, $0x2;
	[sflag:s12] =	ssyncset.done $0x0  }
0xb2: {  	s0 =	sadd.s32 $0x200, s29;
	[sflag:s12] =	ssyncadd.s32 $0xFFFFE000  }
0xb3: {  	[tilespmem:s21], [sflag:$0x2] =	stream.indirect.gather [hbm4b:s4+s14], $0x40, s0, s14, $0xb8;
	[tilespmem:$0x1F000] =	vst v63  }
0xb4: {  	s1 =	sadd.s32 $0x280, s29  }
0xb5: {  	[tilespmem:s22], [sflag:$0x2] =	stream.indirect.gather [hbm4b:s4+s14], $0x40, s1, s14, $0xb8;
	[tilespmem:$0x1F000] =	vst v63  }
0xb6: {  	s13 =	sadd.s32 $0x300, s29  }
0xb7: {  	[tilespmem:s23], [sflag:$0x2] =	stream.indirect.gather [hbm4b:s4+s14], $0x40, s13, s14, $0xb8;
	[tilespmem:$0x1F000] =	vst v63  }
0xb8: {  	s17 =	sadd.s32 $0x380, s29  }
0xb9: {  	[tilespmem:s24], [sflag:$0x2] =	stream.indirect.gather [hbm4b:s4+s14], $0x40, s17, s14, $0xb8;
	[tilespmem:$0x1F000] =	vst v63  }
0xba: {  	_ =	swait.ge [sflag:s25], $0x2000  }
0xbb: {  	[sflag:s25] =	ssyncset.done $0x0  }
0xbc: {  	[sflag:s25] =	ssyncadd.s32 $0xFFFFE000  }
0xbd: {  	_ =	swait.ge [sflag:s25], $0x2000  }
0xbe: {  	[sflag:s25] =	ssyncset.done $0x0  }
0xbf: {  	[sflag:s25] =	ssyncadd.s32 $0xFFFFE000  }
0xc0: {  	_ =	swait.ge [sflag:s25], $0x2000  }
0xc1: {  	[sflag:s25] =	ssyncset.done $0x0  }
0xc2: {  	[sflag:s25] =	ssyncadd.s32 $0xFFFFE000  }
0xc3: {  	_ =	swait.ge [sflag:s25], $0x2000  }
0xc4: {  	[sflag:s25] =	ssyncset.done $0x0  }
0xc5: {  	s19 =	sadd.s32 $0x2800, s29;
	[sflag:s25] =	ssyncadd.s32 $0xFFFFE000  }
0xc6: {  	[spmem:s2] =	stream.indirect.scatter.add.f32 [tilespmem:s15], [sflag:$0x3], $0x40, s19, s14, $0xb8;
	[tilespmem:$0x1F000] =	vst v63  }
0xc7: {  	_ =	swait.ge [sflag:s12], $0x2000  }
0xc8: {  	[sflag:s12] =	ssyncset.done $0x0  }
0xc9: {  	s31 =	sadd.s32 $0x2880, s29;
	[sflag:s12] =	ssyncadd.s32 $0xFFFFE000  }
0xca: {  	[spmem:s2] =	stream.indirect.scatter.add.f32 [tilespmem:s16], [sflag:$0x3], $0x40, s31, s14, $0xb8;
	[tilespmem:$0x1F000] =	vst v63  }
0xcb: {  	_ =	swait.ge [sflag:s12], $0x2000  }
0xcc: {  	[sflag:s12] =	ssyncset.done $0x0  }
0xcd: {  	s1 =	sadd.s32 $0x2900, s29;
	[sflag:s12] =	ssyncadd.s32 $0xFFFFE000  }
0xce: {  	[spmem:s2] =	stream.indirect.scatter.add.f32 [tilespmem:s18], [sflag:$0x3], $0x40, s1, s14, $0xb8;
	[tilespmem:$0x1F000] =	vst v63  }
0xcf: {  	_ =	swait.ge [sflag:s12], $0x2000  }
0xd0: {  	[sflag:s12] =	ssyncset.done $0x0  }
0xd1: {  	s13 =	sadd.s32 $0x2980, s29;
	[sflag:s12] =	ssyncadd.s32 $0xFFFFE000  }
0xd2: {  	[spmem:s2] =	stream.indirect.scatter.add.f32 [tilespmem:s20], [sflag:$0x3], $0x40, s13, s14, $0xb8;
	[tilespmem:$0x1F000] =	vst v63  }
0xd3: {  	p0 =	seq.s32 s30, $0x9000;
	_ =	swait.ge [sflag:s12], $0x2000  }
0xd4: {  	s0 =	sshra.s32 @!p0 s30, $0x2;
	s17 =	simm.s32 @!p0 $0x80;
	[sflag:s12] =	ssyncset.done $0x0  }
0xd5: {  	s1 =	simm.s32 @!p0 $0x5000;
	s13 =	sadd.s32 @!p0 $0x400, s0;
	[sflag:s12] =	ssyncadd.s32 $0xFFFFE000  }
0xd6: {  	[tilespmem:s1], [sflag:$0x1] =	stream.indirect.gather @!p0 [hbm4b:s4+s17], $0x40, s13, s17, $0xb8;
	[tilespmem:$0x1F000] =	vst v63  }
0xd7: {  	s1 =	sadd.s32 @!p0 $0x480, s0;
	s13 =	simm.s32 @!p0 $0x7000  }
0xd8: {  	[tilespmem:s13], [sflag:$0x1] =	stream.indirect.gather @!p0 [hbm4b:s4+s17], $0x40, s1, s17, $0xb8;
	[tilespmem:$0x1F000] =	vst v63  }
0xd9: {  	s1 =	sadd.s32 @!p0 $0x500, s0;
	s13 =	simm.s32 @!p0 $0x9000  }
0xda: {  	[tilespmem:s13], [sflag:$0x1] =	stream.indirect.gather @!p0 [hbm4b:s4+s17], $0x40, s1, s17, $0xb8;
	[tilespmem:$0x1F000] =	vst v63  }
0xdb: {  	s0 =	sadd.s32 @!p0 $0x580, s0;
	s1 =	simm.s32 @!p0 $0xB000  }
0xdc: {  	[tilespmem:s1], [sflag:$0x1] =	stream.indirect.gather @!p0 [hbm4b:s4+s17], $0x40, s0, s17, $0xb8;
	[tilespmem:$0x1F000] =	vst v63  }
0xdd: {  	_ =	swait.ge [sflag:s26], $0x2000  }
0xde: {  	[sflag:s26] =	ssyncset.done $0x0  }
0xdf: {  	[sflag:s26] =	ssyncadd.s32 $0xFFFFE000  }
0xe0: {  	_ =	swait.ge [sflag:s26], $0x2000  }
0xe1: {  	[sflag:s26] =	ssyncset.done $0x0  }
0xe2: {  	[sflag:s26] =	ssyncadd.s32 $0xFFFFE000  }
0xe3: {  	_ =	swait.ge [sflag:s26], $0x2000  }
0xe4: {  	[sflag:s26] =	ssyncset.done $0x0  }
0xe5: {  	[sflag:s26] =	ssyncadd.s32 $0xFFFFE000  }
0xe6: {  	_ =	swait.ge [sflag:s26], $0x2000  }
0xe7: {  	[sflag:s26] =	ssyncset.done $0x0  }
0xe8: {  	s17 =	sadd.s32 $0x2A00, s29;
	[sflag:s26] =	ssyncadd.s32 $0xFFFFE000  }
0xe9: {  	[spmem:s2] =	stream.indirect.scatter.add.f32 [tilespmem:s21], [sflag:$0x3], $0x40, s17, s14, $0xb8;
	[tilespmem:$0x1F000] =	vst v63  }
0xea: {  	_ =	swait.ge [sflag:s12], $0x2000  }
0xeb: {  	[sflag:s12] =	ssyncset.done $0x0  }
0xec: {  	s19 =	sadd.s32 $0x2A80, s29;
	[sflag:s12] =	ssyncadd.s32 $0xFFFFE000  }
0xed: {  	[spmem:s2] =	stream.indirect.scatter.add.f32 [tilespmem:s22], [sflag:$0x3], $0x40, s19, s14, $0xb8;
	[tilespmem:$0x1F000] =	vst v63  }
0xee: {  	_ =	swait.ge [sflag:s12], $0x2000  }
0xef: {  	[sflag:s12] =	ssyncset.done $0x0  }
0xf0: {  	s30 =	sadd.s32 $0x2B00, s29;
	[sflag:s12] =	ssyncadd.s32 $0xFFFFE000  }
0xf1: {  	[spmem:s2] =	stream.indirect.scatter.add.f32 [tilespmem:s23], [sflag:$0x3], $0x40, s30, s14, $0xb8;
	[tilespmem:$0x1F000] =	vst v63  }
0xf2: {  	_ =	swait.ge [sflag:s12], $0x2000  }
0xf3: {  	[sflag:s12] =	ssyncset.done $0x0  }
0xf4: {  	s31 =	sadd.s32 $0x2B80, s29;
	[sflag:s12] =	ssyncadd.s32 $0xFFFFE000  }
0xf5: {  	[spmem:s2] =	stream.indirect.scatter.add.f32 [tilespmem:s24], [sflag:$0x3], $0x40, s31, s14, $0xb8;
	[tilespmem:$0x1F000] =	vst v63  }
0xf6: {  	_ =	swait.ge [sflag:s12], $0x2000  }
0xf7: {  	s28 =	sadd.s32 $0x1, s28;
	[sflag:s12] =	ssyncset.done $0x0  }
0xf8: {  	p0 =	sne.s32 s28, s10;
	[sflag:s12] =	ssyncadd.s32 $0xFFFFE000  }
.Ltmp1:
0xf9: {  	[bflag:$0x0] =	sbarrier.arrive $0xFFFF;
	(pc) =	sbr.rel @p0 .LBB2_1-.Ltmp1, $4  }
0xfa: {  	[hbm:s9], [sflag:s6] =	dma.local [spmem:s11], $0x1400  }
0xfb: {  	_ =	swait.ge [sflag:s12], $0x1400  }
0xfc: {  	[sflag:s12] =	ssyncset.done $0x0  }
0xfd: {  	[sflag:s12] =	ssyncadd.s32 $0xFFFFEC00  }
0xfe: {  	_ =	sfence.sel $0x180000  }
0xff: {  	[bflag:$0x0] =	sbarrier.arrive $0xFFFF  }
0x100: {  	_ =	strace $0x9000004A  }
0x101: {  	s0 =	stileid.u32;
	[bflag:$0x2] =	sbarrier.arrive $0xFFFF  }
0x102: {  	p0 =	sne.s32 s0, $0x0;
	s0 =	rddreg [dreg:$0x2]  }
0x103: {  	s0 =	sadd.s32 @!p0 $0x100000, s0  }
0x104: {  	[sflag:s0] =	ssyncadd.tile.s32 @!p0 $0x1;
	_ =	shalt  }
.Lfunc_end2:
_tile_overlayer_lowered:
.L_overlay_start_2:
0x105: {  	(tag) =	ssettag $0x2  }
0x106: {  	s0 =	rddreg [dreg:$0x0];
	s2 =	stileid.u32  }
0x107: {  	s1 =	rddreg [dreg:$0x1];
	p0 =	sne.s32 s2, $0x0  }
0x108: {  	s3 =	rddreg [dreg:$0x2];
	[bflag:$0x3] =	sbarrier.arrive $0xFFFF;
	s2 =	simm.s32 @!p0 $0x1C03  }
0x109: {  	[timem:s3], [sflag:s2] =	dma.local @!p0 [hbm:s0], s1  }
0x10a: {  	s0 =	simm.s32 @!p0 $0x3  }
0x10b: {  	_ =	swait.ge @!p0 [sflag:s0], s1  }
0x10c: {  	s1 =	ssub.s32 @!p0 $0x0, s1;
	[sflag:s0] =	ssyncset.done @!p0 $0x0  }
0x10d: {  	[sflag:s0] =	ssyncadd.s32 @!p0 s1  }
0x10e: {  	[bflag:$0x3] =	sbarrier.arrive $0xFFFF  }
0x10f: {  	_ =	shalt  }

// kernel: kernel.14.cloned.1.call-start
scs
__scs_entry_jumppad:
0x0: {  	(pc) =	sbr.rel $0x88, $3  }
0x1: {  	(tag) =	ssettag $0x0;
	lr =	simm.s32 $0x1  }
0x2: {  	[smem:$0x3F95] =	sst lr;
	_ =	strace $0xD0000000  }
0x3: {  	_ = 	snop  }
0x4: {  	_ = 	snop  }
0x5: {  	_ = 	snop  }
0x6: {  	_ = 	snop  }
0x7: {  	_ = 	snop  }
__scs_overlays_trampoline_lowered:
0x8: {  	[smem:$0x3FA4] =	sst s0  }
0x9: {  	[smem:$0x3FA5] =	sst s1  }
0xa: {  	[smem:$0x3FA6] =	sst s2  }
0xb: {  	[smem:$0x3FA7] =	sst s3  }
0xc: {  	[smem:$0x3FA8] =	sst s4  }
0xd: {  	[smem:$0x3FA9] =	sst s5  }
0xe: {  	[smem:$0x3FAA] =	sst s6  }
0xf: {  	[smem:$0x3FAB] =	sst s7  }
0x10: {  	[smem:$0x3FAC] =	sst s8  }
0x11: {  	[smem:$0x3FAD] =	sst s9;
	s0 =	simm.s32 @!p0 $0x0  }
0x12: {  	s1 =	sld [smem:$0x3F93];
	s0 =	simm.s32 @p0 $0x1  }
0x13: {  	[smem:$0x3FAE] =	sst s0;
	s0 =	simm.s32 @!p1 $0x0  }
0x14: {  	s2 =	sld [smem:$0x3F92];
	s0 =	simm.s32 @p1 $0x1  }
0x15: {  	[smem:$0x3FAF] =	sst s0;
	s0 =	simm.s32 @!p2 $0x0  }
0x16: {  	s3 =	sld [smem:$0x3FDB];
	s0 =	simm.s32 @p2 $0x1  }
0x17: {  	s4 =	simm.s32 $0x1BF5;
	[smem:$0x3FB1] =	sst s0  }
0x18: {  	s0 =	sld [smem:$0x3F94];
	_ =	swait.ge [sflag:s4], $0x0  }
0x19: {  	s7 =	sld [smem:$0x3F95]  }
0x1a: {  	s8 =	sadd.s32 $0xFFFFE003, lr  }
0x1b: {  	s9 =	sadd.s32 $0xFFFFFEF7, lr;
	s5 =	simm.s32 $0xFFFFFFFF;
	p2 =	slt.u32 s8, $0xFFFFF086  }
0x1c: {  	p1 =	slt.u32 s9, $0xF7A;
	s5 =	simm.s32 @!p2 $0x0  }
0x1d: {  	s5 =	simm.s32 @p1 $0x1;
	p0 =	seq.s32 s7, s2  }
0x1e: {  	s7 =	smul.u32 @!p0 $0xF7A, s2;
	p2 =	seq.s32 @!p0 s5, $0x0  }
0x1f: {  	s9 =	smul.u32 $0xF7A, s1;
	s8 =	simm.s32 @!p0 $0x1BF5;
	p2 =	por !p2, p0  }
0x20: {  	[sflag:s8] =	ssyncset.s32 @!p0 $0xFFFFF086;
	s6 =	sadd.s32 @!p0 s3, s7;
	s7 =	simm.s32 @!p0 $0x108  }
0x21: {  	s3 =	sadd.s32 s3, s9;
	s6 =	sadd.s32 @!p0 $0x88, s6;
	s7 =	simm.s32 @p2 $0x1082  }
0x22: {  	[simem:s7], [sflag:s8] =	dma.local @!p0 [hbm:s6], $0xF7A  }
0x23: {  	s9 =	sor.u32 $0xD0000000, s2;
	s6 =	simm.s32 $0x108;
	_ =	swait.ge @!p0 [sflag:s8], $0x0  }
0x24: {  	s3 =	sadd.s32 $0x88, s3;
	s6 =	simm.s32 @!p1 $0x1082;
	[sflag:s4] =	ssyncset.s32 $0xFFFFF086  }
0x25: {  	[simem:s6], [sflag:s4] =	dma.local [hbm:s3], $0xF7A  }
0x26: {  	[smem:$0x3F95] =	sst s1;
	(tag) =	ssettag s2;
	_ =	strace s9  }
0x27: {  	s1 =	sld [smem:$0x3FA5]  }
0x28: {  	s2 =	sld [smem:$0x3FA6]  }
0x29: {  	s4 =	sld [smem:$0x3FA8]  }
0x2a: {  	p0 =	seq.s32 s5, $0x0;
	s5 =	sld [smem:$0x3FA9]  }
0x2b: {  	s6 =	sld [smem:$0x3FAA]  }
0x2c: {  	s7 =	sld [smem:$0x3FAB]  }
0x2d: {  	s3 =	simm.s32 $0x108;
	s8 =	sld [smem:$0x3FAC]  }
0x2e: {  	s3 =	simm.s32 @!p0 $0x1082;
	s9 =	sld [smem:$0x3FAD]  }
0x2f: {  	lr =	sadd.s32 s0, s3;
	s0 =	sld [smem:$0x3FA4]  }
0x30: {  	s3 =	sld [smem:$0x3FA7]  }
0x31: {  	[smem:$0x3FB0] =	sst s10  }
0x32: {  	s10 =	sld [smem:$0x3FAE];
	_ =	sdelay $0x3  }
0x33: {  	p0 =	seq.s32 s10, $0x1;
	s10 =	sld [smem:$0x3FB0];
	_ =	sdelay $0x3  }
0x34: {  	[smem:$0x3FB0] =	sst s10  }
0x35: {  	s10 =	sld [smem:$0x3FAF];
	_ =	sdelay $0x3  }
0x36: {  	p1 =	seq.s32 s10, $0x1;
	s10 =	sld [smem:$0x3FB0];
	_ =	sdelay $0x3  }
0x37: {  	[smem:$0x3FB0] =	sst s10  }
0x38: {  	s10 =	sld [smem:$0x3FB1]  }
0x39: {  	_ = 	snop;
	(pc) =	sbr.ind lr, $3  }
0x3a: {  	_ = 	snop  }
0x3b: {  	_ = 	snop  }
0x3c: {  	p2 =	seq.s32 s10, $0x1;
	s10 =	sld [smem:$0x3FB0]  }
0x3d: {  	_ =	shalt  }
0x3e: {  	_ =	shalt  }
0x3f: {  	_ =	shalt  }
0x40: {  	_ =	shalt  }
0x41: {  	_ =	shalt  }
0x42: {  	_ =	shalt  }
0x43: {  	_ =	shalt  }
0x44: {  	_ =	shalt  }
0x45: {  	_ =	shalt  }
0x46: {  	_ =	shalt  }
0x47: {  	_ =	shalt  }
0x48: {  	_ =	shalt  }
0x49: {  	_ =	shalt  }
0x4a: {  	_ =	shalt  }
0x4b: {  	_ =	shalt  }
0x4c: {  	_ =	shalt  }
0x4d: {  	_ =	shalt  }
0x4e: {  	_ =	shalt  }
0x4f: {  	_ =	shalt  }
0x50: {  	_ =	shalt  }
0x51: {  	_ =	shalt  }
0x52: {  	_ =	shalt  }
0x53: {  	_ =	shalt  }
0x54: {  	_ =	shalt  }
0x55: {  	_ =	shalt  }
0x56: {  	_ =	shalt  }
0x57: {  	_ =	shalt  }
0x58: {  	_ =	shalt  }
0x59: {  	_ =	shalt  }
0x5a: {  	_ =	shalt  }
0x5b: {  	_ =	shalt  }
0x5c: {  	_ =	shalt  }
0x5d: {  	_ =	shalt  }
0x5e: {  	_ =	shalt  }
0x5f: {  	_ =	shalt  }
0x60: {  	_ =	shalt  }
0x61: {  	_ =	shalt  }
0x62: {  	_ =	shalt  }
0x63: {  	_ =	shalt  }
0x64: {  	_ =	shalt  }
0x65: {  	_ =	shalt  }
0x66: {  	_ =	shalt  }
0x67: {  	_ =	shalt  }
0x68: {  	_ =	shalt  }
0x69: {  	_ =	shalt  }
0x6a: {  	_ =	shalt  }
0x6b: {  	_ =	shalt  }
0x6c: {  	_ =	shalt  }
0x6d: {  	_ =	shalt  }
0x6e: {  	_ =	shalt  }
0x6f: {  	_ =	shalt  }
0x70: {  	_ =	shalt  }
0x71: {  	_ =	shalt  }
0x72: {  	_ =	shalt  }
0x73: {  	_ =	shalt  }
0x74: {  	_ =	shalt  }
0x75: {  	_ =	shalt  }
0x76: {  	_ =	shalt  }
0x77: {  	_ =	shalt  }
0x78: {  	_ =	shalt  }
0x79: {  	_ =	shalt  }
0x7a: {  	_ =	shalt  }
0x7b: {  	_ =	shalt  }
0x7c: {  	_ =	shalt  }
0x7d: {  	_ =	shalt  }
0x7e: {  	_ =	shalt  }
0x7f: {  	_ =	shalt  }
0x80: {  	_ =	shalt  }
0x81: {  	_ =	shalt  }
0x82: {  	_ =	shalt  }
0x83: {  	_ =	shalt  }
0x84: {  	_ =	shalt  }
0x85: {  	_ =	shalt  }
0x86: {  	_ =	shalt  }
0x87: {  	_ =	shalt  }
.Lfunc_end0:
.L_simem_size_0:
called_computation.2_lowered:
.L_overlay_start_0:
0x88: {  	s2 =	sld [smem:$0x3FD9]  }
0x89: {  	s3 =	sld [smem:$0x3FFE];
	_ =	sdelay $0x1  }
0x8a: {  	s1 =	srdreg.scid  }
0x8b: {  	s0 =	sand.u32 $0x1, s1  }
0x8c: {  	s16 =	sshll.u32 s0, $0xA;
	s2 =	sadd.s32 s3, s2  }
0x8d: {  	s2 =	sadd.s32 s2, s16  }
0x8e: {  	[smem:$0x3FBC] =	sst s2  }
0x8f: {  	_ = 	snop  }
0x90: {  	(tm) =	ssettm $0x1  }
0x91: {  	s17 =	sld [smem:$0x3FFB];
	_ =	sdelay $0x3  }
0x92: {  	_ =	strace s17  }
0x93: {  	s2 =	sld [smem:$0x3FFC];
	_ =	sdelay $0x3  }
0x94: {  	_ =	strace s2  }
0x95: {  	s2 =	sld [smem:$0x3FFD];
	_ =	sdelay $0x3  }
0x96: {  	_ =	strace s2  }
0x97: {  	_ =	strace $0x8FFFFFFF  }
0x98: {  	s18 =	sld [smem:$0x3FDB];
	_ =	sdelay $0x1  }
0x99: {  	s19 =	simm.s32 $_scs_section_size  }
0x9a: {  	s4 =	simm.s32 $_size__tile_overlayer_lowered;
	s5 =	simm.s32 $_tile_overlayer_lowered  }
0x9b: {  	s22 =	simm.s32 $0x1BFF;
	s21 =	sshll.u32 s5, $0x1;
	s2 =	sadd.s32 s19, s18  }
0x9c: {  	s6 =	simm.s32 $0x0;
	s20 =	sshll.u32 s4, $0x1;
	s4 =	sadd.s32 s21, s2  }
0x9d: {  	[timem:s6], [sflag:s22] =	dma.local [hbm:s4], s20  }
0x9e: {  	_ =	swait.ge [sflag:s22], s20  }
0x9f: {  	s3 =	ssub.s32 $0x0, s20;
	[sflag:s22] =	ssyncset.done $0x0  }
0xa0: {  	[sflag:s22] =	ssyncadd.s32 s3;
	_ =	sdelay $0x1  }
0xa1: {  	s23 =	simm.s32 $0x1B8B  }
0xa2: {  	_ =	swait.ge [sflag:s23], $0x1  }
0xa3: {  	[sflag:s23] =	ssyncset.done $0x0  }
0xa4: {  	s25 =	simm.s32 $0x1B8E;
	s24 =	sld [smem:$0x3FFE];
	[sflag:s23] =	ssyncadd.s32 $0xFFFFFFFF  }
0xa5: {  	s26 =	simm.s32 $execute0_lowered;
	[smem:$0x3FD2] =	sst s25  }
0xa6: {  	s4 =	sshll.u32 s26, $0x1;
	_ =	strace $0x8000004C;
	[dreg:$0x1] =	wrdreg $0xFFFFFFFF  }
0xa7: {  	s28 =	simm.s32 $_size_execute0_lowered;
	s2 =	sadd.s32 s2, s4;
	[dreg:$0x0] =	wrdreg $0x0  }
0xa8: {  	s4 =	sshll.u32 s28, $0x1;
	[dreg:$0x2] =	wrdreg s2  }
0xa9: {  	[dreg:$0x3] =	wrdreg s4  }
0xaa: {  	[dreg:$0x4] =	wrdreg $0xC0  }
0xab: {  	_ =	task [dreg:s6], $0x5FFFF  }
0xac: {  	[dreg:$0x1] =	wrdreg $0xFFFFFFFF  }
0xad: {  	[dreg:$0x0] =	wrdreg $0x60  }
0xae: {  	[dreg:$0x2] =	wrdreg s24  }
0xaf: {  	[dreg:$0x3] =	wrdreg $0xD0000  }
0xb0: {  	[dreg:$0x4] =	wrdreg $0x9  }
0xb1: {  	_ =	task.clear_ibuf [dreg:s6], $0x5FFFF;
	_ =	strace $0x9000004C  }
0xb2: {  	s29 =	simm.s32 $0x9;
	_ =	strace $0x8000004E  }
0xb3: {  	_ =	swait.ge [sflag:s29], $0x1  }
0xb4: {  	[sflag:s29] =	ssyncadd.s32 $0xFFFFFFFF  }
0xb5: {  	_ =	strace $0x9000004E  }
0xb6: {  	_ =	sfence  }
0xb7: {  	s30 =	sld [smem:$0x0];
	_ =	sdelay $0x2  }
0xb8: {  	s31 =	sshll.u32 s1, $0xD;
	s1 =	sshrl.u32 s1, $0x2  }
0xb9: {  	s3 =	sand.u32 $0x4000, s31;
	s1 =	sadd.s32 s1, s30  }
0xba: {  	s0 =	sor.u32 s3, s0;
	s1 =	sshll.u32 s1, $0x11  }
0xbb: {  	s0 =	sor.u32 s1, s0  }
0xbc: {  	s0 =	sadd.s32 $0x8F2B, s0  }
0xbd: {  	[sflag:s0] =	ssyncadd.remote.s32 $0x1  }
0xbe: {  	_ =	sfence.sel $0xFFFF  }
0xbf: {  	[dreg:$0x0] =	wrdreg $0xFFFFFFFF;
	(pc) =	sbr.abs _section_cstart, $3  }
0xc0: {  	[dreg:$0x1] =	wrdreg $0xFFFFFFFF  }
0xc1: {  	_ =	task.clear_ibuf [dreg:s6], $0x2FFFF;
	_ =	strace $0x9FFFFFFF  }
0xc2: {  	(tm) =	ssettm $0x7FFFFFFF  }
0xc3: {  	_ =	shalt  }
tec
execute0_lowered:
.L_overlay_start_1:
0x0: {  	(tag) =	ssettag $0x1  }
0x1: {  	s0 =	srdreg.scid  }
0x2: {  	s1 =	rddreg [dreg:$0x0];
	s24 =	stileid.u32  }
0x3: {  	s2 =	rddreg [dreg:$0x1];
	s3 =	simm.s32 $0x0;
	s12 =	simm.s32 $0x3  }
0x4: {  	s14 =	simm.s32 $0x80;
	s15 =	simm.s32 $0x5000;
	s16 =	simm.s32 $0x6000  }
0x5: {  	s18 =	simm.s32 $0x7000;
	s20 =	simm.s32 $0x8000;
	s21 =	simm.s32 $0x9000  }
0x6: {  	s22 =	simm.s32 $0xA000;
	s23 =	simm.s32 $0xB000;
	s7 =	smul.u32 $0x2800, s24  }
0x7: {  	s28 =	simm.s32 $0x0;
	s5 =	sand.u32 $0x1, s0;
	s8 =	smul.u32 $0x5000, s24  }
0x8: {  	[smem:$0x7FF] =	sst s3;
	s4 =	sadd.s32 $0x1B400, s1;
	s6 =	smul.u32 $0x28000, s5  }
0x9: {  	s31 =	sshll.u32 s24, $0x6;
	s9 =	smul.u32 $0x50000, s5;
	s5 =	ssub.s32 $0x2, s5  }
0xa: {  	s24 =	simm.s32 $0xC000;
	_ =	strace $0x8000004D;
	s29 =	sshrl.u32 s5, $0x1  }
0xb: {  	s30 =	sshrl.u32 s8, $0x3;
	s11 =	sadd.s32 s8, s2;
	s6 =	sadd.s32 s7, s6  }
0xc: {  	s25 =	sadd.s32 s8, s9;
	s10 =	ssub.s32 s5, s29;
	s5 =	sadd.s32 s4, s30  }
0xd: {  	s11 =	sshrl.u32 s11, $0x3;
	s6 =	sshrl.u32 s6, $0x3;
	s7 =	sshrl.u32 s25, $0x3  }
0xe: {  	s10 =	smax.u32 s10, $0x1;
	s25 =	simm.s32 $0x1;
	s26 =	sadd.s32 s6, s1  }
0xf: {  	s1 =	sadd.s32 s7, s1;
	s6 =	sor.u32 $0x1C03, s31;
	s7 =	sadd.s32 $0x11400, s26  }
0x10: {  	s8 =	sadd.s32 $0x2200, s26;
	s9 =	sadd.s32 $0x25400, s1;
	s26 =	simm.s32 $0x2  }
.LBB2_1:
0x11: {  	[spmem:s11], [sflag:s6] =	dma.local [hbm:s5], $0xA00  }
0x12: {  	_ =	swait.ge [sflag:s12], $0xA00  }
0x13: {  	[sflag:s12] =	ssyncset.done $0x0  }
0x14: {  	[sflag:s12] =	ssyncadd.s32 $0xFFFFF600  }
0x15: {  	[tilespmem:s3], [sflag:$0x3] =	stream.linear.gather [hbm4b:s7+s3], $0x2800, $0x38;
	[tilespmem:$0x12000] =	vst v63  }
0x16: {  	_ =	swait.ge [sflag:s12], $0x2800  }
0x17: {  	[sflag:s12] =	ssyncset.done $0x0  }
0x18: {  	s0 =	simm.s32 $0x2800;
	[sflag:s12] =	ssyncadd.s32 $0xFFFFD800  }
0x19: {  	[tilespmem:s0], [sflag:$0x3] =	stream.linear.gather [hbm4b:s8+s3], $0x2800, $0x38;
	[tilespmem:$0x12000] =	vst v63  }
0x1a: {  	_ =	swait.ge [sflag:s12], $0x2800  }
0x1b: {  	[sflag:s12] =	ssyncset.done $0x0  }
0x1c: {  	[sflag:s12] =	ssyncadd.s32 $0xFFFFD800  }
0x1d: {  	[bflag:$0x0] =	sbarrier.arrive $0xFFFF  }
0x1e: {  	[tilespmem:s15], [sflag:$0x1] =	stream.indirect.gather [hbm4b:s4+s14], $0x20, s3, s14, $0xb8;
	[tilespmem:$0x12000] =	vst v63  }
0x1f: {  	_ = 	snop  }
0x20: {  	[tilespmem:s16], [sflag:$0x1] =	stream.indirect.gather [hbm4b:s4+s14], $0x20, s14, s14, $0xb8;
	[tilespmem:$0x12000] =	vst v63  }
0x21: {  	s19 =	simm.s32 $0x100  }
0x22: {  	[tilespmem:s18], [sflag:$0x1] =	stream.indirect.gather [hbm4b:s4+s14], $0x20, s19, s14, $0xb8;
	[tilespmem:$0x12000] =	vst v63  }
0x23: {  	s1 =	simm.s32 $0x180  }
0x24: {  	[tilespmem:s20], [sflag:$0x1] =	stream.indirect.gather [hbm4b:s4+s14], $0x20, s1, s14, $0xb8;
	[tilespmem:$0x12000] =	vst v63  }
0x25: {  	s1 =	simm.s32 $0x200  }
0x26: {  	[tilespmem:s21], [sflag:$0x2] =	stream.indirect.gather [hbm4b:s4+s14], $0x20, s1, s14, $0xb8;
	[tilespmem:$0x12000] =	vst v63  }
0x27: {  	s13 =	simm.s32 $0x280  }
0x28: {  	[tilespmem:s22], [sflag:$0x2] =	stream.indirect.gather [hbm4b:s4+s14], $0x20, s13, s14, $0xb8;
	[tilespmem:$0x12000] =	vst v63  }
0x29: {  	s17 =	simm.s32 $0x300  }
0x2a: {  	[tilespmem:s23], [sflag:$0x2] =	stream.indirect.gather [hbm4b:s4+s14], $0x20, s17, s14, $0xb8;
	[tilespmem:$0x12000] =	vst v63  }
0x2b: {  	s19 =	simm.s32 $0x380  }
0x2c: {  	[tilespmem:s24], [sflag:$0x2] =	stream.indirect.gather [hbm4b:s4+s14], $0x20, s19, s14, $0xb8;
	[tilespmem:$0x12000] =	vst v63  }
0x2d: {  	_ =	swait.ge [sflag:s25], $0x1000  }
0x2e: {  	[sflag:s25] =	ssyncset.done $0x0  }
0x2f: {  	[sflag:s25] =	ssyncadd.s32 $0xFFFFF000  }
0x30: {  	_ =	swait.ge [sflag:s25], $0x1000  }
0x31: {  	[sflag:s25] =	ssyncset.done $0x0  }
0x32: {  	[sflag:s25] =	ssyncadd.s32 $0xFFFFF000  }
0x33: {  	_ =	swait.ge [sflag:s25], $0x1000  }
0x34: {  	[sflag:s25] =	ssyncset.done $0x0  }
0x35: {  	[sflag:s25] =	ssyncadd.s32 $0xFFFFF000  }
0x36: {  	_ =	swait.ge [sflag:s25], $0x1000  }
0x37: {  	[sflag:s25] =	ssyncset.done $0x0  }
0x38: {  	s0 =	simm.s32 $0x2800;
	[sflag:s25] =	ssyncadd.s32 $0xFFFFF000  }
0x39: {  	[spmem:s2] =	stream.indirect.scatter.add.f32 [tilespmem:s15], [sflag:$0x3], $0x20, s0, s14, $0xb8;
	[tilespmem:$0x12000] =	vst v63  }
0x3a: {  	_ =	swait.ge [sflag:s12], $0x1000  }
0x3b: {  	[sflag:s12] =	ssyncset.done $0x0  }
0x3c: {  	s13 =	simm.s32 $0x2880;
	[sflag:s12] =	ssyncadd.s32 $0xFFFFF000  }
0x3d: {  	[spmem:s2] =	stream.indirect.scatter.add.f32 [tilespmem:s16], [sflag:$0x3], $0x20, s13, s14, $0xb8;
	[tilespmem:$0x12000] =	vst v63  }
0x3e: {  	_ =	swait.ge [sflag:s12], $0x1000  }
0x3f: {  	[sflag:s12] =	ssyncset.done $0x0  }
0x40: {  	s17 =	simm.s32 $0x2900;
	[sflag:s12] =	ssyncadd.s32 $0xFFFFF000  }
0x41: {  	[spmem:s2] =	stream.indirect.scatter.add.f32 [tilespmem:s18], [sflag:$0x3], $0x20, s17, s14, $0xb8;
	[tilespmem:$0x12000] =	vst v63  }
0x42: {  	_ =	swait.ge [sflag:s12], $0x1000  }
0x43: {  	[sflag:s12] =	ssyncset.done $0x0  }
0x44: {  	s19 =	simm.s32 $0x2980;
	[sflag:s12] =	ssyncadd.s32 $0xFFFFF000  }
0x45: {  	[spmem:s2] =	stream.indirect.scatter.add.f32 [tilespmem:s20], [sflag:$0x3], $0x20, s19, s14, $0xb8;
	[tilespmem:$0x12000] =	vst v63  }
0x46: {  	p0 =	por $0x0, $0x0;
	_ =	swait.ge [sflag:s12], $0x1000  }
0x47: {  	s29 =	simm.s32 @!p0 $0x400;
	[sflag:s12] =	ssyncset.done $0x0  }
0x48: {  	s30 =	simm.s32 @!p0 $0x80;
	s1 =	simm.s32 @!p0 $0x5000;
	[sflag:s12] =	ssyncadd.s32 $0xFFFFF000  }
0x49: {  	[tilespmem:s1], [sflag:$0x1] =	stream.indirect.gather @!p0 [hbm4b:s4+s30], $0x20, s29, s30, $0xb8;
	[tilespmem:$0x12000] =	vst v63  }
0x4a: {  	s1 =	simm.s32 @!p0 $0x480;
	s29 =	simm.s32 @!p0 $0x6000  }
0x4b: {  	[tilespmem:s29], [sflag:$0x1] =	stream.indirect.gather @!p0 [hbm4b:s4+s30], $0x20, s1, s30, $0xb8;
	[tilespmem:$0x12000] =	vst v63  }
0x4c: {  	s1 =	simm.s32 @!p0 $0x500;
	s29 =	simm.s32 @!p0 $0x7000  }
0x4d: {  	[tilespmem:s29], [sflag:$0x1] =	stream.indirect.gather @!p0 [hbm4b:s4+s30], $0x20, s1, s30, $0xb8;
	[tilespmem:$0x12000] =	vst v63  }
0x4e: {  	s1 =	simm.s32 @!p0 $0x580;
	s29 =	simm.s32 @!p0 $0x8000  }
0x4f: {  	[tilespmem:s29], [sflag:$0x1] =	stream.indirect.gather @!p0 [hbm4b:s4+s30], $0x20, s1, s30, $0xb8;
	[tilespmem:$0x12000] =	vst v63  }
0x50: {  	_ =	swait.ge [sflag:s26], $0x1000  }
0x51: {  	[sflag:s26] =	ssyncset.done $0x0  }
0x52: {  	[sflag:s26] =	ssyncadd.s32 $0xFFFFF000  }
0x53: {  	_ =	swait.ge [sflag:s26], $0x1000  }
0x54: {  	[sflag:s26] =	ssyncset.done $0x0  }
0x55: {  	[sflag:s26] =	ssyncadd.s32 $0xFFFFF000  }
0x56: {  	_ =	swait.ge [sflag:s26], $0x1000  }
0x57: {  	[sflag:s26] =	ssyncset.done $0x0  }
0x58: {  	[sflag:s26] =	ssyncadd.s32 $0xFFFFF000  }
0x59: {  	_ =	swait.ge [sflag:s26], $0x1000  }
0x5a: {  	[sflag:s26] =	ssyncset.done $0x0  }
0x5b: {  	s0 =	simm.s32 $0x2A00;
	[sflag:s26] =	ssyncadd.s32 $0xFFFFF000  }
0x5c: {  	[spmem:s2] =	stream.indirect.scatter.add.f32 [tilespmem:s21], [sflag:$0x3], $0x20, s0, s14, $0xb8;
	[tilespmem:$0x12000] =	vst v63  }
0x5d: {  	_ =	swait.ge [sflag:s12], $0x1000  }
0x5e: {  	[sflag:s12] =	ssyncset.done $0x0  }
0x5f: {  	s13 =	simm.s32 $0x2A80;
	[sflag:s12] =	ssyncadd.s32 $0xFFFFF000  }
0x60: {  	[spmem:s2] =	stream.indirect.scatter.add.f32 [tilespmem:s22], [sflag:$0x3], $0x20, s13, s14, $0xb8;
	[tilespmem:$0x12000] =	vst v63  }
0x61: {  	_ =	swait.ge [sflag:s12], $0x1000  }
0x62: {  	[sflag:s12] =	ssyncset.done $0x0  }
0x63: {  	s17 =	simm.s32 $0x2B00;
	[sflag:s12] =	ssyncadd.s32 $0xFFFFF000  }
0x64: {  	[spmem:s2] =	stream.indirect.scatter.add.f32 [tilespmem:s23], [sflag:$0x3], $0x20, s17, s14, $0xb8;
	[tilespmem:$0x12000] =	vst v63  }
0x65: {  	_ =	swait.ge [sflag:s12], $0x1000  }
0x66: {  	[sflag:s12] =	ssyncset.done $0x0  }
0x67: {  	s19 =	simm.s32 $0x2B80;
	[sflag:s12] =	ssyncadd.s32 $0xFFFFF000  }
0x68: {  	[spmem:s2] =	stream.indirect.scatter.add.f32 [tilespmem:s24], [sflag:$0x3], $0x20, s19, s14, $0xb8;
	[tilespmem:$0x12000] =	vst v63  }
0x69: {  	s31 =	simm.s32 $0x2000;
	_ =	swait.ge [sflag:s12], $0x1000  }
0x6a: {  	s30 =	simm.s32 $0x1000;
	s29 =	simm.s32 $0x400;
	[sflag:s12] =	ssyncset.done $0x0  }
.LBB2_2:
0x6b: {  	s0 =	sadd.s32 $0x200, s29  }
0x6c: {  	[sflag:s12] =	ssyncadd.s32 $0xFFFFF000;
	s1 =	smov.u32 s31;
	s31 =	sadd.s32 $0x1000, s31  }
0x6d: {  	[tilespmem:s21], [sflag:$0x2] =	stream.indirect.gather [hbm4b:s4+s14], $0x20, s0, s14, $0xb8;
	[tilespmem:$0x12000] =	vst v63  }
0x6e: {  	p0 =	sne.s32 s31, $0xA000;
	s0 =	sadd.s32 $0x280, s29  }
0x6f: {  	[tilespmem:s22], [sflag:$0x2] =	stream.indirect.gather [hbm4b:s4+s14], $0x20, s0, s14, $0xb8;
	[tilespmem:$0x12000] =	vst v63  }
0x70: {  	s0 =	sadd.s32 $0x300, s29  }
0x71: {  	[tilespmem:s23], [sflag:$0x2] =	stream.indirect.gather [hbm4b:s4+s14], $0x20, s0, s14, $0xb8;
	[tilespmem:$0x12000] =	vst v63  }
0x72: {  	s0 =	sadd.s32 $0x380, s29  }
0x73: {  	[tilespmem:s24], [sflag:$0x2] =	stream.indirect.gather [hbm4b:s4+s14], $0x20, s0, s14, $0xb8;
	[tilespmem:$0x12000] =	vst v63  }
0x74: {  	_ =	swait.ge [sflag:s25], $0x1000  }
0x75: {  	[sflag:s25] =	ssyncset.done $0x0  }
0x76: {  	[sflag:s25] =	ssyncadd.s32 $0xFFFFF000  }
0x77: {  	_ =	swait.ge [sflag:s25], $0x1000  }
0x78: {  	[sflag:s25] =	ssyncset.done $0x0  }
0x79: {  	[sflag:s25] =	ssyncadd.s32 $0xFFFFF000  }
0x7a: {  	_ =	swait.ge [sflag:s25], $0x1000  }
0x7b: {  	[sflag:s25] =	ssyncset.done $0x0  }
0x7c: {  	[sflag:s25] =	ssyncadd.s32 $0xFFFFF000  }
0x7d: {  	_ =	swait.ge [sflag:s25], $0x1000  }
0x7e: {  	[sflag:s25] =	ssyncset.done $0x0  }
0x7f: {  	s0 =	sadd.s32 $0x2800, s29;
	[sflag:s25] =	ssyncadd.s32 $0xFFFFF000  }
0x80: {  	[spmem:s2] =	stream.indirect.scatter.add.f32 [tilespmem:s15], [sflag:$0x3], $0x20, s0, s14, $0xb8;
	[tilespmem:$0x12000] =	vst v63  }
0x81: {  	_ =	swait.ge [sflag:s12], $0x1000  }
0x82: {  	[sflag:s12] =	ssyncset.done $0x0  }
0x83: {  	s0 =	sadd.s32 $0x2880, s29;
	[sflag:s12] =	ssyncadd.s32 $0xFFFFF000  }
0x84: {  	[spmem:s2] =	stream.indirect.scatter.add.f32 [tilespmem:s16], [sflag:$0x3], $0x20, s0, s14, $0xb8;
	[tilespmem:$0x12000] =	vst v63  }
0x85: {  	_ =	swait.ge [sflag:s12], $0x1000  }
0x86: {  	[sflag:s12] =	ssyncset.done $0x0  }
0x87: {  	s0 =	sadd.s32 $0x2900, s29;
	[sflag:s12] =	ssyncadd.s32 $0xFFFFF000  }
0x88: {  	[spmem:s2] =	stream.indirect.scatter.add.f32 [tilespmem:s18], [sflag:$0x3], $0x20, s0, s14, $0xb8;
	[tilespmem:$0x12000] =	vst v63  }
0x89: {  	_ =	swait.ge [sflag:s12], $0x1000  }
0x8a: {  	[sflag:s12] =	ssyncset.done $0x0  }
0x8b: {  	s0 =	sadd.s32 $0x2980, s29;
	[sflag:s12] =	ssyncadd.s32 $0xFFFFF000  }
0x8c: {  	[spmem:s2] =	stream.indirect.scatter.add.f32 [tilespmem:s20], [sflag:$0x3], $0x20, s0, s14, $0xb8;
	[tilespmem:$0x12000] =	vst v63  }
0x8d: {  	p1 =	seq.s32 s30, $0x9000;
	_ =	swait.ge [sflag:s12], $0x1000  }
0x8e: {  	s0 =	sshra.s32 @!p1 s30, $0x2;
	s30 =	simm.s32 @!p1 $0x5000;
	[sflag:s12] =	ssyncset.done $0x0  }
0x8f: {  	s17 =	simm.s32 @!p1 $0x80;
	s13 =	sadd.s32 @!p1 $0x400, s0;
	[sflag:s12] =	ssyncadd.s32 $0xFFFFF000  }
0x90: {  	[tilespmem:s30], [sflag:$0x1] =	stream.indirect.gather @!p1 [hbm4b:s4+s17], $0x20, s13, s17, $0xb8;
	[tilespmem:$0x12000] =	vst v63  }
0x91: {  	s19 =	sadd.s32 @!p1 $0x500, s0;
	s13 =	sadd.s32 @!p1 $0x480, s0;
	s30 =	simm.s32 @!p1 $0x6000  }
0x92: {  	[tilespmem:s30], [sflag:$0x1] =	stream.indirect.gather @!p1 [hbm4b:s4+s17], $0x20, s13, s17, $0xb8;
	[tilespmem:$0x12000] =	vst v63  }
0x93: {  	s0 =	sadd.s32 @!p1 $0x580, s0;
	s13 =	simm.s32 @!p1 $0x7000;
	s30 =	smov.u32 s1  }
0x94: {  	[tilespmem:s13], [sflag:$0x1] =	stream.indirect.gather @!p1 [hbm4b:s4+s17], $0x20, s19, s17, $0xb8;
	[tilespmem:$0x12000] =	vst v63  }
0x95: {  	s1 =	simm.s32 @!p1 $0x8000  }
0x96: {  	[tilespmem:s1], [sflag:$0x1] =	stream.indirect.gather @!p1 [hbm4b:s4+s17], $0x20, s0, s17, $0xb8;
	[tilespmem:$0x12000] =	vst v63  }
0x97: {  	_ =	swait.ge [sflag:s26], $0x1000  }
0x98: {  	[sflag:s26] =	ssyncset.done $0x0  }
0x99: {  	[sflag:s26] =	ssyncadd.s32 $0xFFFFF000  }
0x9a: {  	_ =	swait.ge [sflag:s26], $0x1000  }
0x9b: {  	[sflag:s26] =	ssyncset.done $0x0  }
0x9c: {  	[sflag:s26] =	ssyncadd.s32 $0xFFFFF000  }
0x9d: {  	_ =	swait.ge [sflag:s26], $0x1000  }
0x9e: {  	[sflag:s26] =	ssyncset.done $0x0  }
0x9f: {  	[sflag:s26] =	ssyncadd.s32 $0xFFFFF000  }
0xa0: {  	_ =	swait.ge [sflag:s26], $0x1000  }
0xa1: {  	[sflag:s26] =	ssyncset.done $0x0  }
0xa2: {  	s0 =	sadd.s32 $0x2A00, s29;
	[sflag:s26] =	ssyncadd.s32 $0xFFFFF000  }
0xa3: {  	[spmem:s2] =	stream.indirect.scatter.add.f32 [tilespmem:s21], [sflag:$0x3], $0x20, s0, s14, $0xb8;
	[tilespmem:$0x12000] =	vst v63  }
0xa4: {  	_ =	swait.ge [sflag:s12], $0x1000  }
0xa5: {  	[sflag:s12] =	ssyncset.done $0x0  }
0xa6: {  	s0 =	sadd.s32 $0x2A80, s29;
	[sflag:s12] =	ssyncadd.s32 $0xFFFFF000  }
0xa7: {  	[spmem:s2] =	stream.indirect.scatter.add.f32 [tilespmem:s22], [sflag:$0x3], $0x20, s0, s14, $0xb8;
	[tilespmem:$0x12000] =	vst v63  }
0xa8: {  	_ =	swait.ge [sflag:s12], $0x1000  }
0xa9: {  	[sflag:s12] =	ssyncset.done $0x0  }
0xaa: {  	s0 =	sadd.s32 $0x2B00, s29;
	[sflag:s12] =	ssyncadd.s32 $0xFFFFF000  }
0xab: {  	[spmem:s2] =	stream.indirect.scatter.add.f32 [tilespmem:s23], [sflag:$0x3], $0x20, s0, s14, $0xb8;
	[tilespmem:$0x12000] =	vst v63  }
0xac: {  	_ =	swait.ge [sflag:s12], $0x1000  }
.Ltmp0:
0xad: {  	[sflag:s12] =	ssyncset.done $0x0;
	(pc) =	sbr.rel @p0 .LBB2_2-.Ltmp0, $4  }
0xae: {  	s0 =	sadd.s32 $0x2B80, s29;
	[sflag:s12] =	ssyncadd.s32 $0xFFFFF000  }
0xaf: {  	[spmem:s2] =	stream.indirect.scatter.add.f32 [tilespmem:s24], [sflag:$0x3], $0x20, s0, s14, $0xb8;
	[tilespmem:$0x12000] =	vst v63  }
0xb0: {  	_ =	swait.ge [sflag:s12], $0x1000  }
0xb1: {  	s29 =	sshra.s32 s30, $0x2;
	[sflag:s12] =	ssyncset.done $0x0  }
0xb2: {  	s0 =	sadd.s32 $0x200, s29;
	[sflag:s12] =	ssyncadd.s32 $0xFFFFF000  }
0xb3: {  	[tilespmem:s21], [sflag:$0x2] =	stream.indirect.gather [hbm4b:s4+s14], $0x20, s0, s14, $0xb8;
	[tilespmem:$0x12000] =	vst v63  }
0xb4: {  	s1 =	sadd.s32 $0x280, s29  }
0xb5: {  	[tilespmem:s22], [sflag:$0x2] =	stream.indirect.gather [hbm4b:s4+s14], $0x20, s1, s14, $0xb8;
	[tilespmem:$0x12000] =	vst v63  }
0xb6: {  	s13 =	sadd.s32 $0x300, s29  }
0xb7: {  	[tilespmem:s23], [sflag:$0x2] =	stream.indirect.gather [hbm4b:s4+s14], $0x20, s13, s14, $0xb8;
	[tilespmem:$0x12000] =	vst v63  }
0xb8: {  	s17 =	sadd.s32 $0x380, s29  }
0xb9: {  	[tilespmem:s24], [sflag:$0x2] =	stream.indirect.gather [hbm4b:s4+s14], $0x20, s17, s14, $0xb8;
	[tilespmem:$0x12000] =	vst v63  }
0xba: {  	_ =	swait.ge [sflag:s25], $0x1000  }
0xbb: {  	[sflag:s25] =	ssyncset.done $0x0  }
0xbc: {  	[sflag:s25] =	ssyncadd.s32 $0xFFFFF000  }
0xbd: {  	_ =	swait.ge [sflag:s25], $0x1000  }
0xbe: {  	[sflag:s25] =	ssyncset.done $0x0  }
0xbf: {  	[sflag:s25] =	ssyncadd.s32 $0xFFFFF000  }
0xc0: {  	_ =	swait.ge [sflag:s25], $0x1000  }
0xc1: {  	[sflag:s25] =	ssyncset.done $0x0  }
0xc2: {  	[sflag:s25] =	ssyncadd.s32 $0xFFFFF000  }
0xc3: {  	_ =	swait.ge [sflag:s25], $0x1000  }
0xc4: {  	[sflag:s25] =	ssyncset.done $0x0  }
0xc5: {  	s19 =	sadd.s32 $0x2800, s29;
	[sflag:s25] =	ssyncadd.s32 $0xFFFFF000  }
0xc6: {  	[spmem:s2] =	stream.indirect.scatter.add.f32 [tilespmem:s15], [sflag:$0x3], $0x20, s19, s14, $0xb8;
	[tilespmem:$0x12000] =	vst v63  }
0xc7: {  	_ =	swait.ge [sflag:s12], $0x1000  }
0xc8: {  	[sflag:s12] =	ssyncset.done $0x0  }
0xc9: {  	s31 =	sadd.s32 $0x2880, s29;
	[sflag:s12] =	ssyncadd.s32 $0xFFFFF000  }
0xca: {  	[spmem:s2] =	stream.indirect.scatter.add.f32 [tilespmem:s16], [sflag:$0x3], $0x20, s31, s14, $0xb8;
	[tilespmem:$0x12000] =	vst v63  }
0xcb: {  	_ =	swait.ge [sflag:s12], $0x1000  }
0xcc: {  	[sflag:s12] =	ssyncset.done $0x0  }
0xcd: {  	s1 =	sadd.s32 $0x2900, s29;
	[sflag:s12] =	ssyncadd.s32 $0xFFFFF000  }
0xce: {  	[spmem:s2] =	stream.indirect.scatter.add.f32 [tilespmem:s18], [sflag:$0x3], $0x20, s1, s14, $0xb8;
	[tilespmem:$0x12000] =	vst v63  }
0xcf: {  	_ =	swait.ge [sflag:s12], $0x1000  }
0xd0: {  	[sflag:s12] =	ssyncset.done $0x0  }
0xd1: {  	s13 =	sadd.s32 $0x2980, s29;
	[sflag:s12] =	ssyncadd.s32 $0xFFFFF000  }
0xd2: {  	[spmem:s2] =	stream.indirect.scatter.add.f32 [tilespmem:s20], [sflag:$0x3], $0x20, s13, s14, $0xb8;
	[tilespmem:$0x12000] =	vst v63  }
0xd3: {  	p0 =	seq.s32 s30, $0x9000;
	_ =	swait.ge [sflag:s12], $0x1000  }
0xd4: {  	s0 =	sshra.s32 @!p0 s30, $0x2;
	s17 =	simm.s32 @!p0 $0x80;
	[sflag:s12] =	ssyncset.done $0x0  }
0xd5: {  	s1 =	simm.s32 @!p0 $0x5000;
	s13 =	sadd.s32 @!p0 $0x400, s0;
	[sflag:s12] =	ssyncadd.s32 $0xFFFFF000  }
0xd6: {  	[tilespmem:s1], [sflag:$0x1] =	stream.indirect.gather @!p0 [hbm4b:s4+s17], $0x20, s13, s17, $0xb8;
	[tilespmem:$0x12000] =	vst v63  }
0xd7: {  	s1 =	sadd.s32 @!p0 $0x480, s0;
	s13 =	simm.s32 @!p0 $0x6000  }
0xd8: {  	[tilespmem:s13], [sflag:$0x1] =	stream.indirect.gather @!p0 [hbm4b:s4+s17], $0x20, s1, s17, $0xb8;
	[tilespmem:$0x12000] =	vst v63  }
0xd9: {  	s1 =	sadd.s32 @!p0 $0x500, s0;
	s13 =	simm.s32 @!p0 $0x7000  }
0xda: {  	[tilespmem:s13], [sflag:$0x1] =	stream.indirect.gather @!p0 [hbm4b:s4+s17], $0x20, s1, s17, $0xb8;
	[tilespmem:$0x12000] =	vst v63  }
0xdb: {  	s0 =	sadd.s32 @!p0 $0x580, s0;
	s1 =	simm.s32 @!p0 $0x8000  }
0xdc: {  	[tilespmem:s1], [sflag:$0x1] =	stream.indirect.gather @!p0 [hbm4b:s4+s17], $0x20, s0, s17, $0xb8;
	[tilespmem:$0x12000] =	vst v63  }
0xdd: {  	_ =	swait.ge [sflag:s26], $0x1000  }
0xde: {  	[sflag:s26] =	ssyncset.done $0x0  }
0xdf: {  	[sflag:s26] =	ssyncadd.s32 $0xFFFFF000  }
0xe0: {  	_ =	swait.ge [sflag:s26], $0x1000  }
0xe1: {  	[sflag:s26] =	ssyncset.done $0x0  }
0xe2: {  	[sflag:s26] =	ssyncadd.s32 $0xFFFFF000  }
0xe3: {  	_ =	swait.ge [sflag:s26], $0x1000  }
0xe4: {  	[sflag:s26] =	ssyncset.done $0x0  }
0xe5: {  	[sflag:s26] =	ssyncadd.s32 $0xFFFFF000  }
0xe6: {  	_ =	swait.ge [sflag:s26], $0x1000  }
0xe7: {  	[sflag:s26] =	ssyncset.done $0x0  }
0xe8: {  	s17 =	sadd.s32 $0x2A00, s29;
	[sflag:s26] =	ssyncadd.s32 $0xFFFFF000  }
0xe9: {  	[spmem:s2] =	stream.indirect.scatter.add.f32 [tilespmem:s21], [sflag:$0x3], $0x20, s17, s14, $0xb8;
	[tilespmem:$0x12000] =	vst v63  }
0xea: {  	_ =	swait.ge [sflag:s12], $0x1000  }
0xeb: {  	[sflag:s12] =	ssyncset.done $0x0  }
0xec: {  	s19 =	sadd.s32 $0x2A80, s29;
	[sflag:s12] =	ssyncadd.s32 $0xFFFFF000  }
0xed: {  	[spmem:s2] =	stream.indirect.scatter.add.f32 [tilespmem:s22], [sflag:$0x3], $0x20, s19, s14, $0xb8;
	[tilespmem:$0x12000] =	vst v63  }
0xee: {  	_ =	swait.ge [sflag:s12], $0x1000  }
0xef: {  	[sflag:s12] =	ssyncset.done $0x0  }
0xf0: {  	s30 =	sadd.s32 $0x2B00, s29;
	[sflag:s12] =	ssyncadd.s32 $0xFFFFF000  }
0xf1: {  	[spmem:s2] =	stream.indirect.scatter.add.f32 [tilespmem:s23], [sflag:$0x3], $0x20, s30, s14, $0xb8;
	[tilespmem:$0x12000] =	vst v63  }
0xf2: {  	_ =	swait.ge [sflag:s12], $0x1000  }
0xf3: {  	[sflag:s12] =	ssyncset.done $0x0  }
0xf4: {  	s31 =	sadd.s32 $0x2B80, s29;
	[sflag:s12] =	ssyncadd.s32 $0xFFFFF000  }
0xf5: {  	[spmem:s2] =	stream.indirect.scatter.add.f32 [tilespmem:s24], [sflag:$0x3], $0x20, s31, s14, $0xb8;
	[tilespmem:$0x12000] =	vst v63  }
0xf6: {  	_ =	swait.ge [sflag:s12], $0x1000  }
0xf7: {  	s28 =	sadd.s32 $0x1, s28;
	[sflag:s12] =	ssyncset.done $0x0  }
0xf8: {  	p0 =	sne.s32 s28, s10;
	[sflag:s12] =	ssyncadd.s32 $0xFFFFF000  }
.Ltmp1:
0xf9: {  	[bflag:$0x0] =	sbarrier.arrive $0xFFFF;
	(pc) =	sbr.rel @p0 .LBB2_1-.Ltmp1, $4  }
0xfa: {  	[hbm:s9], [sflag:s6] =	dma.local [spmem:s11], $0xA00  }
0xfb: {  	_ =	swait.ge [sflag:s12], $0xA00  }
0xfc: {  	[sflag:s12] =	ssyncset.done $0x0  }
0xfd: {  	[sflag:s12] =	ssyncadd.s32 $0xFFFFF600  }
0xfe: {  	_ =	sfence.sel $0x180000  }
0xff: {  	[bflag:$0x0] =	sbarrier.arrive $0xFFFF  }
0x100: {  	_ =	strace $0x9000004D  }
0x101: {  	s0 =	stileid.u32;
	[bflag:$0x2] =	sbarrier.arrive $0xFFFF  }
0x102: {  	p0 =	sne.s32 s0, $0x0;
	s0 =	rddreg [dreg:$0x2]  }
0x103: {  	s0 =	sadd.s32 @!p0 $0x100000, s0  }
0x104: {  	[sflag:s0] =	ssyncadd.tile.s32 @!p0 $0x1;
	_ =	shalt  }
.Lfunc_end2:
_tile_overlayer_lowered:
.L_overlay_start_2:
0x105: {  	(tag) =	ssettag $0x2  }
0x106: {  	s0 =	rddreg [dreg:$0x0];
	s2 =	stileid.u32  }
0x107: {  	s1 =	rddreg [dreg:$0x1];
	p0 =	sne.s32 s2, $0x0  }
0x108: {  	s3 =	rddreg [dreg:$0x2];
	[bflag:$0x3] =	sbarrier.arrive $0xFFFF;
	s2 =	simm.s32 @!p0 $0x1C03  }
0x109: {  	[timem:s3], [sflag:s2] =	dma.local @!p0 [hbm:s0], s1  }
0x10a: {  	s0 =	simm.s32 @!p0 $0x3  }
0x10b: {  	_ =	swait.ge @!p0 [sflag:s0], s1  }
0x10c: {  	s1 =	ssub.s32 @!p0 $0x0, s1;
	[sflag:s0] =	ssyncset.done @!p0 $0x0  }
0x10d: {  	[sflag:s0] =	ssyncadd.s32 @!p0 s1  }
0x10e: {  	[bflag:$0x3] =	sbarrier.arrive $0xFFFF  }
0x10f: {  	_ =	shalt  }

// kernel: kernel.8.cloned.1.call-start
scs
__scs_entry_jumppad:
0x0: {  	(pc) =	sbr.rel $0x88, $3  }
0x1: {  	(tag) =	ssettag $0x0;
	lr =	simm.s32 $0x1  }
0x2: {  	[smem:$0x3F95] =	sst lr;
	_ =	strace $0xD0000000  }
0x3: {  	_ = 	snop  }
0x4: {  	_ = 	snop  }
0x5: {  	_ = 	snop  }
0x6: {  	_ = 	snop  }
0x7: {  	_ = 	snop  }
__scs_overlays_trampoline_lowered:
0x8: {  	[smem:$0x3FA4] =	sst s0  }
0x9: {  	[smem:$0x3FA5] =	sst s1  }
0xa: {  	[smem:$0x3FA6] =	sst s2  }
0xb: {  	[smem:$0x3FA7] =	sst s3  }
0xc: {  	[smem:$0x3FA8] =	sst s4  }
0xd: {  	[smem:$0x3FA9] =	sst s5  }
0xe: {  	[smem:$0x3FAA] =	sst s6  }
0xf: {  	[smem:$0x3FAB] =	sst s7  }
0x10: {  	[smem:$0x3FAC] =	sst s8  }
0x11: {  	[smem:$0x3FAD] =	sst s9;
	s0 =	simm.s32 @!p0 $0x0  }
0x12: {  	s1 =	sld [smem:$0x3F93];
	s0 =	simm.s32 @p0 $0x1  }
0x13: {  	[smem:$0x3FAE] =	sst s0;
	s0 =	simm.s32 @!p1 $0x0  }
0x14: {  	s2 =	sld [smem:$0x3F92];
	s0 =	simm.s32 @p1 $0x1  }
0x15: {  	[smem:$0x3FAF] =	sst s0;
	s0 =	simm.s32 @!p2 $0x0  }
0x16: {  	s3 =	sld [smem:$0x3FDB];
	s0 =	simm.s32 @p2 $0x1  }
0x17: {  	s4 =	simm.s32 $0x1BF5;
	[smem:$0x3FB1] =	sst s0  }
0x18: {  	s0 =	sld [smem:$0x3F94];
	_ =	swait.ge [sflag:s4], $0x0  }
0x19: {  	s7 =	sld [smem:$0x3F95]  }
0x1a: {  	s8 =	sadd.s32 $0xFFFFE003, lr  }
0x1b: {  	s9 =	sadd.s32 $0xFFFFFEF7, lr;
	s5 =	simm.s32 $0xFFFFFFFF;
	p2 =	slt.u32 s8, $0xFFFFF086  }
0x1c: {  	p1 =	slt.u32 s9, $0xF7A;
	s5 =	simm.s32 @!p2 $0x0  }
0x1d: {  	s5 =	simm.s32 @p1 $0x1;
	p0 =	seq.s32 s7, s2  }
0x1e: {  	s7 =	smul.u32 @!p0 $0xF7A, s2;
	p2 =	seq.s32 @!p0 s5, $0x0  }
0x1f: {  	s9 =	smul.u32 $0xF7A, s1;
	s8 =	simm.s32 @!p0 $0x1BF5;
	p2 =	por !p2, p0  }
0x20: {  	[sflag:s8] =	ssyncset.s32 @!p0 $0xFFFFF086;
	s6 =	sadd.s32 @!p0 s3, s7;
	s7 =	simm.s32 @!p0 $0x108  }
0x21: {  	s3 =	sadd.s32 s3, s9;
	s6 =	sadd.s32 @!p0 $0x88, s6;
	s7 =	simm.s32 @p2 $0x1082  }
0x22: {  	[simem:s7], [sflag:s8] =	dma.local @!p0 [hbm:s6], $0xF7A  }
0x23: {  	s9 =	sor.u32 $0xD0000000, s2;
	s6 =	simm.s32 $0x108;
	_ =	swait.ge @!p0 [sflag:s8], $0x0  }
0x24: {  	s3 =	sadd.s32 $0x88, s3;
	s6 =	simm.s32 @!p1 $0x1082;
	[sflag:s4] =	ssyncset.s32 $0xFFFFF086  }
0x25: {  	[simem:s6], [sflag:s4] =	dma.local [hbm:s3], $0xF7A  }
0x26: {  	[smem:$0x3F95] =	sst s1;
	(tag) =	ssettag s2;
	_ =	strace s9  }
0x27: {  	s1 =	sld [smem:$0x3FA5]  }
0x28: {  	s2 =	sld [smem:$0x3FA6]  }
0x29: {  	s4 =	sld [smem:$0x3FA8]  }
0x2a: {  	p0 =	seq.s32 s5, $0x0;
	s5 =	sld [smem:$0x3FA9]  }
0x2b: {  	s6 =	sld [smem:$0x3FAA]  }
0x2c: {  	s7 =	sld [smem:$0x3FAB]  }
0x2d: {  	s3 =	simm.s32 $0x108;
	s8 =	sld [smem:$0x3FAC]  }
0x2e: {  	s3 =	simm.s32 @!p0 $0x1082;
	s9 =	sld [smem:$0x3FAD]  }
0x2f: {  	lr =	sadd.s32 s0, s3;
	s0 =	sld [smem:$0x3FA4]  }
0x30: {  	s3 =	sld [smem:$0x3FA7]  }
0x31: {  	[smem:$0x3FB0] =	sst s10  }
0x32: {  	s10 =	sld [smem:$0x3FAE];
	_ =	sdelay $0x3  }
0x33: {  	p0 =	seq.s32 s10, $0x1;
	s10 =	sld [smem:$0x3FB0];
	_ =	sdelay $0x3  }
0x34: {  	[smem:$0x3FB0] =	sst s10  }
0x35: {  	s10 =	sld [smem:$0x3FAF];
	_ =	sdelay $0x3  }
0x36: {  	p1 =	seq.s32 s10, $0x1;
	s10 =	sld [smem:$0x3FB0];
	_ =	sdelay $0x3  }
0x37: {  	[smem:$0x3FB0] =	sst s10  }
0x38: {  	s10 =	sld [smem:$0x3FB1]  }
0x39: {  	_ = 	snop;
	(pc) =	sbr.ind lr, $3  }
0x3a: {  	_ = 	snop  }
0x3b: {  	_ = 	snop  }
0x3c: {  	p2 =	seq.s32 s10, $0x1;
	s10 =	sld [smem:$0x3FB0]  }
0x3d: {  	_ =	shalt  }
0x3e: {  	_ =	shalt  }
0x3f: {  	_ =	shalt  }
0x40: {  	_ =	shalt  }
0x41: {  	_ =	shalt  }
0x42: {  	_ =	shalt  }
0x43: {  	_ =	shalt  }
0x44: {  	_ =	shalt  }
0x45: {  	_ =	shalt  }
0x46: {  	_ =	shalt  }
0x47: {  	_ =	shalt  }
0x48: {  	_ =	shalt  }
0x49: {  	_ =	shalt  }
0x4a: {  	_ =	shalt  }
0x4b: {  	_ =	shalt  }
0x4c: {  	_ =	shalt  }
0x4d: {  	_ =	shalt  }
0x4e: {  	_ =	shalt  }
0x4f: {  	_ =	shalt  }
0x50: {  	_ =	shalt  }
0x51: {  	_ =	shalt  }
0x52: {  	_ =	shalt  }
0x53: {  	_ =	shalt  }
0x54: {  	_ =	shalt  }
0x55: {  	_ =	shalt  }
0x56: {  	_ =	shalt  }
0x57: {  	_ =	shalt  }
0x58: {  	_ =	shalt  }
0x59: {  	_ =	shalt  }
0x5a: {  	_ =	shalt  }
0x5b: {  	_ =	shalt  }
0x5c: {  	_ =	shalt  }
0x5d: {  	_ =	shalt  }
0x5e: {  	_ =	shalt  }
0x5f: {  	_ =	shalt  }
0x60: {  	_ =	shalt  }
0x61: {  	_ =	shalt  }
0x62: {  	_ =	shalt  }
0x63: {  	_ =	shalt  }
0x64: {  	_ =	shalt  }
0x65: {  	_ =	shalt  }
0x66: {  	_ =	shalt  }
0x67: {  	_ =	shalt  }
0x68: {  	_ =	shalt  }
0x69: {  	_ =	shalt  }
0x6a: {  	_ =	shalt  }
0x6b: {  	_ =	shalt  }
0x6c: {  	_ =	shalt  }
0x6d: {  	_ =	shalt  }
0x6e: {  	_ =	shalt  }
0x6f: {  	_ =	shalt  }
0x70: {  	_ =	shalt  }
0x71: {  	_ =	shalt  }
0x72: {  	_ =	shalt  }
0x73: {  	_ =	shalt  }
0x74: {  	_ =	shalt  }
0x75: {  	_ =	shalt  }
0x76: {  	_ =	shalt  }
0x77: {  	_ =	shalt  }
0x78: {  	_ =	shalt  }
0x79: {  	_ =	shalt  }
0x7a: {  	_ =	shalt  }
0x7b: {  	_ =	shalt  }
0x7c: {  	_ =	shalt  }
0x7d: {  	_ =	shalt  }
0x7e: {  	_ =	shalt  }
0x7f: {  	_ =	shalt  }
0x80: {  	_ =	shalt  }
0x81: {  	_ =	shalt  }
0x82: {  	_ =	shalt  }
0x83: {  	_ =	shalt  }
0x84: {  	_ =	shalt  }
0x85: {  	_ =	shalt  }
0x86: {  	_ =	shalt  }
0x87: {  	_ =	shalt  }
.Lfunc_end0:
.L_simem_size_0:
called_computation_lowered:
.L_overlay_start_0:
0x88: {  	s2 =	sld [smem:$0x3FD9]  }
0x89: {  	s3 =	sld [smem:$0x3FFE];
	_ =	sdelay $0x1  }
0x8a: {  	s1 =	srdreg.scid  }
0x8b: {  	s0 =	sand.u32 $0x1, s1  }
0x8c: {  	s17 =	sshll.u32 s0, $0xA;
	s2 =	sadd.s32 s3, s2  }
0x8d: {  	s2 =	sadd.s32 s2, s17  }
0x8e: {  	[smem:$0x3FBC] =	sst s2  }
0x8f: {  	_ = 	snop  }
0x90: {  	s2 =	sld [smem:$0x3FD0];
	(tm) =	ssettm $0x1  }
0x91: {  	s18 =	sld [smem:$0x3FFB];
	_ =	sdelay $0x3  }
0x92: {  	_ =	strace s18  }
0x93: {  	s3 =	sld [smem:$0x3FFC];
	_ =	sdelay $0x3  }
0x94: {  	_ =	strace s3  }
0x95: {  	s3 =	sld [smem:$0x3FFD];
	_ =	sdelay $0x3  }
0x96: {  	_ =	strace s3  }
0x97: {  	_ =	strace $0x8FFFFFFF  }
0x98: {  	s19 =	sld [smem:$0x3FDB];
	_ =	sdelay $0x1  }
0x99: {  	s4 =	simm.s32 $_scs_section_size  }
0x9a: {  	s5 =	simm.s32 $_size__tile_overlayer_lowered;
	s6 =	simm.s32 $_tile_overlayer_lowered  }
0x9b: {  	s22 =	simm.s32 $0x1BFF;
	s21 =	sshll.u32 s6, $0x1;
	s3 =	sadd.s32 s4, s19  }
0x9c: {  	s7 =	simm.s32 $0x0;
	s20 =	sshll.u32 s5, $0x1;
	s5 =	sadd.s32 s21, s3  }
0x9d: {  	[timem:s7], [sflag:s22] =	dma.local [hbm:s5], s20  }
0x9e: {  	_ =	swait.ge [sflag:s22], s20  }
0x9f: {  	s4 =	ssub.s32 $0x0, s20;
	[sflag:s22] =	ssyncset.done $0x0  }
0xa0: {  	[sflag:s22] =	ssyncadd.s32 s4;
	_ =	sdelay $0x1  }
0xa1: {  	s23 =	simm.s32 $0x1B8B  }
0xa2: {  	_ =	swait.ge [sflag:s23], $0x1  }
0xa3: {  	[sflag:s23] =	ssyncset.done $0x0  }
0xa4: {  	s25 =	simm.s32 $0x1B8E;
	s24 =	sld [smem:$0x3FFE];
	[sflag:s23] =	ssyncadd.s32 $0xFFFFFFFF  }
0xa5: {  	s26 =	simm.s32 $execute0_lowered;
	[smem:$0x3FD2] =	sst s25  }
0xa6: {  	s5 =	sshll.u32 s26, $0x1;
	_ =	strace $0x80000046;
	[dreg:$0x1] =	wrdreg $0xFFFFFFFF  }
0xa7: {  	s28 =	simm.s32 $_size_execute0_lowered;
	s3 =	sadd.s32 s3, s5;
	[dreg:$0x0] =	wrdreg $0x0  }
0xa8: {  	s5 =	sshll.u32 s28, $0x1;
	[dreg:$0x2] =	wrdreg s3  }
0xa9: {  	[dreg:$0x3] =	wrdreg s5  }
0xaa: {  	[dreg:$0x4] =	wrdreg $0xC0  }
0xab: {  	_ =	task [dreg:s7], $0x5FFFF  }
0xac: {  	[dreg:$0x1] =	wrdreg $0xFFFFFFFF  }
0xad: {  	[dreg:$0x0] =	wrdreg $0x60  }
0xae: {  	[dreg:$0x2] =	wrdreg s24  }
0xaf: {  	[dreg:$0x3] =	wrdreg s2  }
0xb0: {  	[dreg:$0x4] =	wrdreg $0x2C000  }
0xb1: {  	[dreg:$0x5] =	wrdreg $0x9  }
0xb2: {  	_ =	task.clear_ibuf [dreg:s7], $0x6FFFF;
	_ =	strace $0x90000046  }
0xb3: {  	s29 =	simm.s32 $0x9;
	_ =	strace $0x80000048  }
0xb4: {  	_ =	swait.ge [sflag:s29], $0x1  }
0xb5: {  	[sflag:s29] =	ssyncadd.s32 $0xFFFFFFFF  }
0xb6: {  	_ =	strace $0x90000048  }
0xb7: {  	_ =	sfence  }
0xb8: {  	s30 =	sld [smem:$0x0];
	_ =	sdelay $0x2  }
0xb9: {  	s31 =	sshll.u32 s1, $0xD;
	s1 =	sshrl.u32 s1, $0x2  }
0xba: {  	s3 =	sand.u32 $0x4000, s31;
	s1 =	sadd.s32 s1, s30  }
0xbb: {  	s0 =	sor.u32 s3, s0;
	s1 =	sshll.u32 s1, $0x11  }
0xbc: {  	s0 =	sor.u32 s1, s0  }
0xbd: {  	s0 =	sadd.s32 $0x8F2B, s0  }
0xbe: {  	[sflag:s0] =	ssyncadd.remote.s32 $0x1  }
0xbf: {  	_ =	sfence.sel $0xFFFF  }
0xc0: {  	[dreg:$0x0] =	wrdreg $0xFFFFFFFF;
	(pc) =	sbr.abs _section_cstart, $3  }
0xc1: {  	[dreg:$0x1] =	wrdreg $0xFFFFFFFF  }
0xc2: {  	_ =	task.clear_ibuf [dreg:s7], $0x2FFFF;
	_ =	strace $0x9FFFFFFF  }
0xc3: {  	(tm) =	ssettm $0x7FFFFFFF  }
tec
execute0_lowered:
.L_overlay_start_1:
0x0: {  	(tag) =	ssettag $0x1  }
0x1: {  	s5 =	rddreg [dreg:$0x0]  }
0x2: {  	s6 =	rddreg [dreg:$0x1]  }
0x3: {  	s2 =	rddreg [dreg:$0x2]  }
0x4: {  	s0 =	srdreg.scid;
	s1 =	rddreg [dreg:$0x3]  }
0x5: {  	s3 =	simm.s32 $0x0;
	s12 =	simm.s32 $0x2800;
	s7 =	sand.u32 $0x1, s0  }
0x6: {  	s13 =	simm.s32 $0x80;
	s0 =	stileid.u32;
	s8 =	smul.u32 $0x28000, s7  }
0x7: {  	s14 =	simm.s32 $0x1;
	s15 =	simm.s32 $0x0;
	s9 =	smul.u32 $0x2800, s0  }
0x8: {  	[smem:$0x7FF] =	sst s3;
	s4 =	sadd.s32 $0xC200, s5;
	s10 =	smul.u32 $0x1400, s0  }
0x9: {  	s11 =	smul.u32 $0x14000, s7;
	_ =	strace $0x80000047;
	s7 =	ssub.s32 $0x2, s7  }
0xa: {  	s31 =	sshll.u32 s0, $0x6;
	s28 =	sshrl.u32 s7, $0x1;
	s8 =	sadd.s32 s9, s8  }
0xb: {  	s26 =	sadd.s32 s10, s11;
	s29 =	ssub.s32 s7, s28;
	s30 =	sshrl.u32 s10, $0x3  }
0xc: {  	s10 =	sadd.s32 s10, s2;
	s11 =	simm.s32 $0x2;
	s8 =	sshrl.u32 s8, $0x3  }
0xd: {  	s9 =	sshrl.u32 s26, $0x3;
	s10 =	sshrl.u32 s10, $0x3;
	s8 =	sadd.s32 s8, s5  }
0xe: {  	s9 =	sadd.s32 s9, s5;
	s5 =	sadd.s32 s6, s30;
	s6 =	sor.u32 $0x1C02, s31  }
0xf: {  	s7 =	sadd.s32 $0x2200, s8;
	s8 =	sadd.s32 $0xC400, s9;
	s9 =	smax.u32 s29, $0x1  }
.LBB2_1:
0x10: {  	[spmem:s10], [sflag:s6] =	dma.local [hbm:s5], $0x280  }
0x11: {  	_ =	swait.ge [sflag:s11], $0x280  }
0x12: {  	[sflag:s11] =	ssyncset.done $0x0  }
0x13: {  	[sflag:s11] =	ssyncadd.s32 $0xFFFFFD80  }
0x14: {  	[tilespmem:s12], [sflag:$0x2] =	stream.linear.gather [hbm4b:s4+s3], $0x400, $0x38;
	[tilespmem:$0x4000] =	vst v63  }
0x15: {  	_ =	swait.ge [sflag:s11], $0x400  }
0x16: {  	[sflag:s11] =	ssyncset.done $0x0  }
0x17: {  	[sflag:s11] =	ssyncadd.s32 $0xFFFFFC00  }
0x18: {  	[tilespmem:s3], [sflag:$0x2] =	stream.linear.gather [hbm4b:s7+s3], $0x2800, $0x38;
	[tilespmem:$0x4000] =	vst v63  }
0x19: {  	_ =	swait.ge [sflag:s11], $0x2800  }
0x1a: {  	[sflag:s11] =	ssyncset.done $0x0  }
0x1b: {  	[sflag:s11] =	ssyncadd.s32 $0xFFFFD800  }
0x1c: {  	s16 =	simm.s32 $0x0;
	[bflag:$0x0] =	sbarrier.arrive $0xFFFF  }
0x1d: {  	[spmem:s2] =	stream.indirect.scatter.add.f32 [tilespmem:s12], [sflag:$0x1], $0x8, s16, s13, $0xb8;
	[tilespmem:$0x4000] =	vst v63  }
0x1e: {  	s24 =	simm.s32 $0x80  }
0x1f: {  	[spmem:s2] =	stream.indirect.scatter.add.f32 [tilespmem:s12], [sflag:$0x1], $0x8, s24, s13, $0xb8;
	[tilespmem:$0x4000] =	vst v63  }
0x20: {  	s25 =	simm.s32 $0x100  }
0x21: {  	[spmem:s2] =	stream.indirect.scatter.add.f32 [tilespmem:s12], [sflag:$0x1], $0x8, s25, s13, $0xb8;
	[tilespmem:$0x4000] =	vst v63  }
0x22: {  	s26 =	simm.s32 $0x180  }
0x23: {  	[spmem:s2] =	stream.indirect.scatter.add.f32 [tilespmem:s12], [sflag:$0x1], $0x8, s26, s13, $0xb8;
	[tilespmem:$0x4000] =	vst v63  }
0x24: {  	s28 =	simm.s32 $0x200  }
0x25: {  	[spmem:s2] =	stream.indirect.scatter.add.f32 [tilespmem:s12], [sflag:$0x1], $0x8, s28, s13, $0xb8;
	[tilespmem:$0x4000] =	vst v63  }
0x26: {  	s29 =	simm.s32 $0x280  }
0x27: {  	[spmem:s2] =	stream.indirect.scatter.add.f32 [tilespmem:s12], [sflag:$0x1], $0x8, s29, s13, $0xb8;
	[tilespmem:$0x4000] =	vst v63  }
0x28: {  	s30 =	simm.s32 $0x300  }
0x29: {  	[spmem:s2] =	stream.indirect.scatter.add.f32 [tilespmem:s12], [sflag:$0x1], $0x8, s30, s13, $0xb8;
	[tilespmem:$0x4000] =	vst v63  }
0x2a: {  	s31 =	simm.s32 $0x380  }
0x2b: {  	[spmem:s2] =	stream.indirect.scatter.add.f32 [tilespmem:s12], [sflag:$0x1], $0x8, s31, s13, $0xb8;
	[tilespmem:$0x4000] =	vst v63  }
0x2c: {  	_ =	swait.ge [sflag:s14], $0x400  }
0x2d: {  	[sflag:s14] =	ssyncset.done $0x0  }
0x2e: {  	[sflag:s14] =	ssyncadd.s32 $0xFFFFFC00  }
0x2f: {  	_ =	swait.ge [sflag:s14], $0x400  }
0x30: {  	[sflag:s14] =	ssyncset.done $0x0  }
0x31: {  	[sflag:s14] =	ssyncadd.s32 $0xFFFFFC00  }
0x32: {  	_ =	swait.ge [sflag:s14], $0x400  }
0x33: {  	[sflag:s14] =	ssyncset.done $0x0  }
0x34: {  	[sflag:s14] =	ssyncadd.s32 $0xFFFFFC00  }
0x35: {  	_ =	swait.ge [sflag:s14], $0x400  }
0x36: {  	[sflag:s14] =	ssyncset.done $0x0  }
0x37: {  	[sflag:s14] =	ssyncadd.s32 $0xFFFFFC00  }
0x38: {  	_ =	swait.ge [sflag:s14], $0x400  }
0x39: {  	[sflag:s14] =	ssyncset.done $0x0  }
0x3a: {  	[sflag:s14] =	ssyncadd.s32 $0xFFFFFC00  }
0x3b: {  	_ =	swait.ge [sflag:s14], $0x400  }
0x3c: {  	[sflag:s14] =	ssyncset.done $0x0  }
0x3d: {  	[sflag:s14] =	ssyncadd.s32 $0xFFFFFC00  }
0x3e: {  	_ =	swait.ge [sflag:s14], $0x400  }
0x3f: {  	[sflag:s14] =	ssyncset.done $0x0  }
0x40: {  	[sflag:s14] =	ssyncadd.s32 $0xFFFFFC00  }
0x41: {  	_ =	swait.ge [sflag:s14], $0x400  }
0x42: {  	s18 =	simm.s32 $0x2000;
	s16 =	simm.s32 $0x1000;
	[sflag:s14] =	ssyncset.done $0x0  }
.LBB2_2:
0x43: {  	s19 =	sshra.s32 s16, $0x2  }
0x44: {  	[sflag:s14] =	ssyncadd.s32 $0xFFFFFC00;
	s16 =	smov.u32 s18;
	s17 =	sadd.s32 $0x1000, s18  }
0x45: {  	[spmem:s2] =	stream.indirect.scatter.add.f32 [tilespmem:s12], [sflag:$0x1], $0x8, s19, s13, $0xb8;
	[tilespmem:$0x4000] =	vst v63  }
0x46: {  	p0 =	sne.s32 s18, $0x9000;
	s18 =	sadd.s32 $0x80, s19  }
0x47: {  	[spmem:s2] =	stream.indirect.scatter.add.f32 [tilespmem:s12], [sflag:$0x1], $0x8, s18, s13, $0xb8;
	[tilespmem:$0x4000] =	vst v63  }
0x48: {  	s18 =	sadd.s32 $0x100, s19  }
0x49: {  	[spmem:s2] =	stream.indirect.scatter.add.f32 [tilespmem:s12], [sflag:$0x1], $0x8, s18, s13, $0xb8;
	[tilespmem:$0x4000] =	vst v63  }
0x4a: {  	s18 =	sadd.s32 $0x180, s19  }
0x4b: {  	[spmem:s2] =	stream.indirect.scatter.add.f32 [tilespmem:s12], [sflag:$0x1], $0x8, s18, s13, $0xb8;
	[tilespmem:$0x4000] =	vst v63  }
0x4c: {  	s18 =	sadd.s32 $0x200, s19  }
0x4d: {  	[spmem:s2] =	stream.indirect.scatter.add.f32 [tilespmem:s12], [sflag:$0x1], $0x8, s18, s13, $0xb8;
	[tilespmem:$0x4000] =	vst v63  }
0x4e: {  	s18 =	sadd.s32 $0x280, s19  }
0x4f: {  	[spmem:s2] =	stream.indirect.scatter.add.f32 [tilespmem:s12], [sflag:$0x1], $0x8, s18, s13, $0xb8;
	[tilespmem:$0x4000] =	vst v63  }
0x50: {  	s18 =	sadd.s32 $0x300, s19  }
0x51: {  	[spmem:s2] =	stream.indirect.scatter.add.f32 [tilespmem:s12], [sflag:$0x1], $0x8, s18, s13, $0xb8;
	[tilespmem:$0x4000] =	vst v63  }
0x52: {  	s18 =	sadd.s32 $0x380, s19  }
0x53: {  	[spmem:s2] =	stream.indirect.scatter.add.f32 [tilespmem:s12], [sflag:$0x1], $0x8, s18, s13, $0xb8;
	[tilespmem:$0x4000] =	vst v63  }
0x54: {  	_ =	swait.ge [sflag:s14], $0x400  }
0x55: {  	[sflag:s14] =	ssyncset.done $0x0  }
0x56: {  	[sflag:s14] =	ssyncadd.s32 $0xFFFFFC00  }
0x57: {  	_ =	swait.ge [sflag:s14], $0x400  }
0x58: {  	[sflag:s14] =	ssyncset.done $0x0  }
0x59: {  	[sflag:s14] =	ssyncadd.s32 $0xFFFFFC00  }
0x5a: {  	_ =	swait.ge [sflag:s14], $0x400  }
0x5b: {  	[sflag:s14] =	ssyncset.done $0x0  }
0x5c: {  	[sflag:s14] =	ssyncadd.s32 $0xFFFFFC00  }
0x5d: {  	_ =	swait.ge [sflag:s14], $0x400  }
0x5e: {  	[sflag:s14] =	ssyncset.done $0x0  }
0x5f: {  	[sflag:s14] =	ssyncadd.s32 $0xFFFFFC00  }
0x60: {  	_ =	swait.ge [sflag:s14], $0x400  }
0x61: {  	[sflag:s14] =	ssyncset.done $0x0  }
0x62: {  	[sflag:s14] =	ssyncadd.s32 $0xFFFFFC00  }
0x63: {  	_ =	swait.ge [sflag:s14], $0x400  }
0x64: {  	[sflag:s14] =	ssyncset.done $0x0  }
0x65: {  	[sflag:s14] =	ssyncadd.s32 $0xFFFFFC00  }
.Ltmp0:
0x66: {  	_ =	swait.ge [sflag:s14], $0x400;
	(pc) =	sbr.rel @p0 .LBB2_2-.Ltmp0, $4  }
0x67: {  	[sflag:s14] =	ssyncset.done $0x0  }
0x68: {  	[sflag:s14] =	ssyncadd.s32 $0xFFFFFC00  }
0x69: {  	_ =	swait.ge [sflag:s14], $0x400  }
0x6a: {  	s18 =	smov.u32 s17;
	[sflag:s14] =	ssyncset.done $0x0  }
0x6b: {  	s16 =	sshra.s32 s16, $0x2;
	[sflag:s14] =	ssyncadd.s32 $0xFFFFFC00  }
0x6c: {  	[spmem:s2] =	stream.indirect.scatter.add.f32 [tilespmem:s12], [sflag:$0x1], $0x8, s16, s13, $0xb8;
	[tilespmem:$0x4000] =	vst v63  }
0x6d: {  	s17 =	sadd.s32 $0x80, s16  }
0x6e: {  	[spmem:s2] =	stream.indirect.scatter.add.f32 [tilespmem:s12], [sflag:$0x1], $0x8, s17, s13, $0xb8;
	[tilespmem:$0x4000] =	vst v63  }
0x6f: {  	s26 =	sadd.s32 $0x100, s16  }
0x70: {  	[spmem:s2] =	stream.indirect.scatter.add.f32 [tilespmem:s12], [sflag:$0x1], $0x8, s26, s13, $0xb8;
	[tilespmem:$0x4000] =	vst v63  }
0x71: {  	s28 =	sadd.s32 $0x180, s16  }
0x72: {  	[spmem:s2] =	stream.indirect.scatter.add.f32 [tilespmem:s12], [sflag:$0x1], $0x8, s28, s13, $0xb8;
	[tilespmem:$0x4000] =	vst v63  }
0x73: {  	s29 =	sadd.s32 $0x200, s16  }
0x74: {  	[spmem:s2] =	stream.indirect.scatter.add.f32 [tilespmem:s12], [sflag:$0x1], $0x8, s29, s13, $0xb8;
	[tilespmem:$0x4000] =	vst v63  }
0x75: {  	s30 =	sadd.s32 $0x280, s16  }
0x76: {  	[spmem:s2] =	stream.indirect.scatter.add.f32 [tilespmem:s12], [sflag:$0x1], $0x8, s30, s13, $0xb8;
	[tilespmem:$0x4000] =	vst v63  }
0x77: {  	s31 =	sadd.s32 $0x300, s16  }
0x78: {  	[spmem:s2] =	stream.indirect.scatter.add.f32 [tilespmem:s12], [sflag:$0x1], $0x8, s31, s13, $0xb8;
	[tilespmem:$0x4000] =	vst v63  }
0x79: {  	s16 =	sadd.s32 $0x380, s16  }
0x7a: {  	[spmem:s2] =	stream.indirect.scatter.add.f32 [tilespmem:s12], [sflag:$0x1], $0x8, s16, s13, $0xb8;
	[tilespmem:$0x4000] =	vst v63  }
0x7b: {  	_ =	swait.ge [sflag:s14], $0x400  }
0x7c: {  	[sflag:s14] =	ssyncset.done $0x0  }
0x7d: {  	[sflag:s14] =	ssyncadd.s32 $0xFFFFFC00  }
0x7e: {  	_ =	swait.ge [sflag:s14], $0x400  }
0x7f: {  	[sflag:s14] =	ssyncset.done $0x0  }
0x80: {  	[sflag:s14] =	ssyncadd.s32 $0xFFFFFC00  }
0x81: {  	_ =	swait.ge [sflag:s14], $0x400  }
0x82: {  	[sflag:s14] =	ssyncset.done $0x0  }
0x83: {  	[sflag:s14] =	ssyncadd.s32 $0xFFFFFC00  }
0x84: {  	_ =	swait.ge [sflag:s14], $0x400  }
0x85: {  	[sflag:s14] =	ssyncset.done $0x0  }
0x86: {  	[sflag:s14] =	ssyncadd.s32 $0xFFFFFC00  }
0x87: {  	_ =	swait.ge [sflag:s14], $0x400  }
0x88: {  	[sflag:s14] =	ssyncset.done $0x0  }
0x89: {  	[sflag:s14] =	ssyncadd.s32 $0xFFFFFC00  }
0x8a: {  	_ =	swait.ge [sflag:s14], $0x400  }
0x8b: {  	[sflag:s14] =	ssyncset.done $0x0  }
0x8c: {  	[sflag:s14] =	ssyncadd.s32 $0xFFFFFC00  }
0x8d: {  	_ =	swait.ge [sflag:s14], $0x400  }
0x8e: {  	[sflag:s14] =	ssyncset.done $0x0  }
0x8f: {  	[sflag:s14] =	ssyncadd.s32 $0xFFFFFC00  }
0x90: {  	_ =	swait.ge [sflag:s14], $0x400  }
0x91: {  	s15 =	sadd.s32 $0x1, s15;
	[sflag:s14] =	ssyncset.done $0x0  }
0x92: {  	p0 =	sne.s32 s15, s9;
	[sflag:s14] =	ssyncadd.s32 $0xFFFFFC00  }
.Ltmp1:
0x93: {  	[bflag:$0x0] =	sbarrier.arrive $0xFFFF;
	(pc) =	sbr.rel @p0 .LBB2_1-.Ltmp1, $4  }
0x94: {  	[hbm:s8], [sflag:s6] =	dma.local [spmem:s10], $0x280  }
0x95: {  	_ =	swait.ge [sflag:s11], $0x280  }
0x96: {  	[sflag:s11] =	ssyncset.done $0x0  }
0x97: {  	[sflag:s11] =	ssyncadd.s32 $0xFFFFFD80  }
0x98: {  	_ =	sfence.sel $0x180000  }
0x99: {  	[bflag:$0x0] =	sbarrier.arrive $0xFFFF  }
0x9a: {  	p0 =	sne.s32 s0, $0x0;
	_ =	strace $0x90000047  }
0x9b: {  	s0 =	sadd.s32 @!p0 $0x100000, s1;
	[bflag:$0x2] =	sbarrier.arrive $0xFFFF  }
0x9c: {  	[sflag:s0] =	ssyncadd.tile.s32 @!p0 $0x1;
	_ =	shalt  }
.Lfunc_end2:
_tile_overlayer_lowered:
.L_overlay_start_2:
0x9d: {  	(tag) =	ssettag $0x2  }
0x9e: {  	s0 =	rddreg [dreg:$0x0];
	s2 =	stileid.u32  }
0x9f: {  	s1 =	rddreg [dreg:$0x1];
	p0 =	sne.s32 s2, $0x0  }
0xa0: {  	s3 =	rddreg [dreg:$0x2];
	[bflag:$0x3] =	sbarrier.arrive $0xFFFF;
	s2 =	simm.s32 @!p0 $0x1C02  }
0xa1: {  	[timem:s3], [sflag:s2] =	dma.local @!p0 [hbm:s0], s1  }
0xa2: {  	s0 =	simm.s32 @!p0 $0x2  }
0xa3: {  	_ =	swait.ge @!p0 [sflag:s0], s1  }
0xa4: {  	s1 =	ssub.s32 @!p0 $0x0, s1;
	[sflag:s0] =	ssyncset.done @!p0 $0x0  }
0xa5: {  	[sflag:s0] =	ssyncadd.s32 @!p0 s1  }
0xa6: {  	[bflag:$0x3] =	sbarrier.arrive $0xFFFF  }
0xa7: {  	_ =	shalt  }

</sc_bundles>
